<compile_context>
chip_gen: v7x
topology: tpu7x:2x2x1
jax: 0.10.2.dev20260603
libtpu: 0.0.44.dev20260713+nightly
codegen_flags: <defaults>
</compile_context>

<pallas_src>
import functools
import jax
import jax.numpy as jnp
from jax import lax
from jax.experimental import pallas as pl
from jax.experimental.pallas import tpu as pltpu
from jax.experimental.pallas import tpu_sc as plsc

EPS = 1e-12
_NC = 2
_NS = 16
_NW = _NC * _NS
_L = 16
_H = 128
_HV = _H // _L
_C = 64


def _newton_rsqrt(x):
    i = lax.bitcast_convert_type(x, jnp.int32)
    i = jnp.int32(0x5F3759DF) - lax.shift_right_arithmetic(i, 1)
    y = lax.bitcast_convert_type(i, jnp.float32)
    for _ in range(3):
        y = y * (1.5 - 0.5 * x * y * y)
    return y


def _gather_splat(ref, row, lane):
    ridx = jnp.full((_L,), row, dtype=jnp.int32)
    lidx = jnp.full((_L,), lane, dtype=jnp.int32)
    return plsc.load_gather(ref, [ridx, lidx])


def _sc_body(basket_hbm, mask_hbm, pos_hbm, gamma_hbm, beta_hbm, out_hbm,
             pos_v, in0_v, in1_v, out0_v, out1_v, mask_v, gamma_v, beta_v,
             tmp_v, sin0, sin1, sout0, sout1):
    wid = lax.axis_index("s") * _NC + lax.axis_index("c")
    tokens = basket_hbm.shape[0]
    per_w = tokens // _NW
    nchunk = per_w // _C
    t_base = wid * per_w

    pltpu.sync_copy(pos_hbm.at[pl.ds(0, 200)], pos_v)
    pltpu.sync_copy(mask_hbm.at[pl.ds(t_base, per_w)], mask_v)
    pltpu.sync_copy(gamma_hbm, gamma_v)
    pltpu.sync_copy(beta_hbm, beta_v)
    gv = [gamma_v[pl.ds(h * _L, _L)] for h in range(_HV)]
    bv = [beta_v[pl.ds(h * _L, _L)] for h in range(_HV)]
    r0v = [pos_v[0, pl.ds(h * _L, _L)] for h in range(_HV)]

    def posd_body(s, _):
        for h in range(_HV):
            pos_v[s, pl.ds(h * _L, _L)] = pos_v[s, pl.ds(h * _L, _L)] - r0v[h]
        return 0

    lax.fori_loop(1, 200, posd_body, 0)
    for h in range(_HV):
        pos_v[0, pl.ds(h * _L, _L)] = jnp.zeros((_L,), jnp.float32)

    ins = [in0_v, in1_v]
    outs = [out0_v, out1_v]
    sins = [sin0, sin1]
    souts = [sout0, sout1]

    def in_src(k):
        return basket_hbm.at[pl.ds(t_base + k * _C, _C)]

    def out_dst(k):
        return out_hbm.at[pl.ds(t_base + k * _C, _C)]

    def compute_chunk(k, in_v, out_v):
        @plsc.parallel_loop(0, _C, unroll=8)
        def token_body(j):
            tl = k * _C + j
            s = lax.rem(tl, 200)
            jidx = jnp.full((_L,), tl, dtype=jnp.int32)
            m = plsc.load_gather(mask_v, [jidx])
            evs = []
            sumv = jnp.zeros((_L,), jnp.float32)
            sqv = jnp.zeros((_L,), jnp.float32)
            for h in range(_HV):
                b = in_v[j, pl.ds(h * _L, _L)]
                p = pos_v[s, pl.ds(h * _L, _L)]
                e = b + r0v[h] + m * p
                evs.append(e)
                sumv = sumv + e
                sqv = sqv + e * e
            tmp_v[j, pl.ds(0, _L)] = plsc.cumsum(sumv)
            tmp_v[j, pl.ds(_L, _L)] = plsc.cumsum(sqv)
            mean = _gather_splat(tmp_v, j, _L - 1) * (1.0 / _H)
            ex2 = _gather_splat(tmp_v, j, 2 * _L - 1) * (1.0 / _H)
            r = _newton_rsqrt(ex2 - mean * mean + EPS)
            for h in range(_HV):
                out_v[j, pl.ds(h * _L, _L)] = ((evs[h] - mean) * r) * gv[h] + bv[h]

    pltpu.async_copy(in_src(0), ins[0], sins[0])
    pltpu.async_copy(in_src(1), ins[1], sins[1])

    def pipe_body(k2, _):
        for b in range(2):
            k = k2 * 2 + b
            pltpu.make_async_copy(in_src(k), ins[b], sins[b]).wait()

            @pl.when(k2 >= 1)
            def _():
                pltpu.make_async_copy(outs[b], out_dst(k - 2), souts[b]).wait()

            compute_chunk(k, ins[b], outs[b])
            pltpu.async_copy(outs[b], out_dst(k), souts[b])

            @pl.when(k + 2 < nchunk)
            def _():
                pltpu.async_copy(in_src(k + 2), ins[b], sins[b])

        return 0

    lax.fori_loop(0, nchunk // 2, pipe_body, 0)
    for b in range(2):
        pltpu.make_async_copy(outs[b], out_dst(nchunk - 2 + b), souts[b]).wait()


@jax.jit
def _sc_kernel(basket_embeddings, sequence_mask, pos_table, ln_gamma, ln_beta):
    B, S, H = basket_embeddings.shape
    basket2 = basket_embeddings.reshape(B * S, H)
    mask1 = sequence_mask.reshape(B * S).astype(jnp.float32)
    mesh = plsc.VectorSubcoreMesh(core_axis_name="c", subcore_axis_name="s")
    k = functools.partial(
        pl.kernel,
        mesh=mesh,
        out_type=jax.ShapeDtypeStruct((B * S, H), jnp.float32),
        scratch_types=[
            pltpu.VMEM((200, H), jnp.float32),
            pltpu.VMEM((_C, H), jnp.float32),
            pltpu.VMEM((_C, H), jnp.float32),
            pltpu.VMEM((_C, H), jnp.float32),
            pltpu.VMEM((_C, H), jnp.float32),
            pltpu.VMEM((B * S // _NW,), jnp.float32),
            pltpu.VMEM((H,), jnp.float32),
            pltpu.VMEM((H,), jnp.float32),
            pltpu.VMEM((_C, 2 * _L), jnp.float32),
            pltpu.SemaphoreType.DMA,
            pltpu.SemaphoreType.DMA,
            pltpu.SemaphoreType.DMA,
            pltpu.SemaphoreType.DMA,
        ],
        compiler_params=pltpu.CompilerParams(needs_layout_passes=False),
    )(_sc_body)
    out = k(basket2, mask1, pos_table, ln_gamma, ln_beta)
    return out.reshape(B, S, H)


def kernel(basket_embeddings, sequence_mask, pos_table, ln_gamma, ln_beta):
    return _sc_kernel(basket_embeddings, sequence_mask, pos_table,
                      ln_gamma, ln_beta)

# --- scband reference (transcript-rebuilt; emitter-appended) ---
"""Pipeline reference for scband-positional-embedding-22806276342471 (READ-ONLY COPY).

The authoritative reference and input builder live on the scoring server;
editing this copy changes nothing except your own understanding.
"""

import jax, jax.numpy as jnp
import numpy as np

MAX_POS = 512
HIDDEN = 128
EPS = 1e-12

def setup_inputs(seed: int = 0) -> dict:
    key = jax.random.key(seed)
    k1, k2, k3 = jax.random.split(key, 3)
    basket_embeddings = jax.random.normal(k1, (1024, 200, HIDDEN), dtype=jnp.float32)
    sequence_mask = jax.random.randint(k2, (1024, 200), 0, 2).astype(jnp.int32)
    pos_table = jax.random.normal(k3, (MAX_POS, HIDDEN), dtype=jnp.float32) * 0.02
    ln_gamma = jnp.ones((HIDDEN,), dtype=jnp.float32)
    ln_beta = jnp.zeros((HIDDEN,), dtype=jnp.float32)
    return {"basket_embeddings": basket_embeddings, "sequence_mask": sequence_mask,
            "pos_table": pos_table, "ln_gamma": ln_gamma, "ln_beta": ln_beta}

def reference(basket_embeddings, sequence_mask, pos_table, ln_gamma, ln_beta):
    B, S, H = basket_embeddings.shape
    position_ids = jnp.arange(S, dtype=jnp.int32)[None, :] * sequence_mask
    position_embeddings = jnp.take(pos_table, position_ids, axis=0)
    embeddings = basket_embeddings + position_embeddings
    mean = jnp.mean(embeddings, axis=-1, keepdims=True)
    var = jnp.mean((embeddings - mean) ** 2, axis=-1, keepdims=True)
    normed = (embeddings - mean) / jnp.sqrt(var + EPS)
    out = normed * ln_gamma + ln_beta
    # dropout is identity at inference
    return out

if __name__ == "__main__":
    import jax
    _d = setup_inputs()
    print(jax.jit(kernel)(*tuple(_d.values())))

</pallas_src>

<mosaic_0001>
#map = affine_map<(d0, d1) -> (0, 0)>
#map1 = affine_map<(d0, d1) -> (0)>
module attributes {stable_mosaic.version = 14 : i64} {
  func.func @_sc_body(%arg0: i32, %arg1: i32, %arg2: memref<204800x128xf32, #tpu.memory_space<hbm>>, %arg3: memref<204800xf32, #tpu.memory_space<hbm>>, %arg4: memref<512x128xf32, #tpu.memory_space<hbm>>, %arg5: memref<128xf32, #tpu.memory_space<hbm>>, %arg6: memref<128xf32, #tpu.memory_space<hbm>>, %arg7: memref<204800x128xf32, #tpu.memory_space<hbm>>, %arg8: memref<200x128xf32, #tpu.memory_space<vmem>>, %arg9: memref<64x128xf32, #tpu.memory_space<vmem>>, %arg10: memref<64x128xf32, #tpu.memory_space<vmem>>, %arg11: memref<64x128xf32, #tpu.memory_space<vmem>>, %arg12: memref<64x128xf32, #tpu.memory_space<vmem>>, %arg13: memref<6400xf32, #tpu.memory_space<vmem>>, %arg14: memref<128xf32, #tpu.memory_space<vmem>>, %arg15: memref<128xf32, #tpu.memory_space<vmem>>, %arg16: memref<64x32xf32, #tpu.memory_space<vmem>>, %arg17: memref<!tpu.dma_semaphore, #tpu.memory_space<semaphore_mem>>, %arg18: memref<!tpu.dma_semaphore, #tpu.memory_space<semaphore_mem>>, %arg19: memref<!tpu.dma_semaphore, #tpu.memory_space<semaphore_mem>>, %arg20: memref<!tpu.dma_semaphore, #tpu.memory_space<semaphore_mem>>) attributes {dimension_semantics = [#tpu.dimension_semantics<core_parallel>, #tpu.dimension_semantics<subcore_parallel>], iteration_bounds = array<i64: 2, 16>, scalar_prefetch = 0 : i64, scratch_operands = 13 : i64, tpu.core_type = #tpu.core_type<sc_vector_subcore>, window_params = [{transform_indices = #map}, {transform_indices = #map1}, {transform_indices = #map}, {transform_indices = #map1}, {transform_indices = #map1}, {transform_indices = #map}]} {
    %mul3A = arith.constant 2 : i32
    %mul3A_0 = arith.muli %arg1, %mul3A : i32
    %add3A = arith.addi %mul3A_0, %arg0 : i32
    %mul3A_1 = arith.constant 6400 : i32
    %mul3A_2 = arith.muli %add3A, %mul3A_1 : i32
    "tpu.region"() ({
      %run_scoped3A = tpu.sem_alloc : memref<!tpu.dma_semaphore, #tpu.memory_space<semaphore_mem>>
      %dma_start3A_147 = arith.constant 0 : i32
      %dma_start3A_148 = arith.constant 0 : i32
      %dma_start3A_149 = tpu.memref_slice %arg4[%dma_start3A_147, %dma_start3A_148] : memref<512x128xf32, #tpu.memory_space<hbm>> -> memref<200x128xf32, #tpu.memory_space<hbm>>
      %dma_start3A_150 = arith.constant 0 : i32
      %dma_start3A_151 = arith.constant 0 : i32
      %dma_start3A_152 = tpu.memref_slice %arg4[%dma_start3A_150, %dma_start3A_151] : memref<512x128xf32, #tpu.memory_space<hbm>> -> memref<200x128xf32, #tpu.memory_space<hbm>>
      tpu.enqueue_dma source(%dma_start3A_152 : memref<200x128xf32, #tpu.memory_space<hbm>>) target(%arg8 : memref<200x128xf32, #tpu.memory_space<vmem>>) target_semaphore(%run_scoped3A : memref<!tpu.dma_semaphore, #tpu.memory_space<semaphore_mem>>)
      %dma_wait3A_153 = arith.constant 0 : i32
      %dma_wait3A_154 = arith.constant 0 : i32
      %dma_wait3A_155 = tpu.memref_slice %arg4[%dma_wait3A_153, %dma_wait3A_154] : memref<512x128xf32, #tpu.memory_space<hbm>> -> memref<200x128xf32, #tpu.memory_space<hbm>>
      %dma_wait3A_156 = arith.constant 0 : i32
      %dma_wait3A_157 = arith.constant 0 : i32
      %dma_wait3A_158 = tpu.memref_slice %arg4[%dma_wait3A_156, %dma_wait3A_157] : memref<512x128xf32, #tpu.memory_space<hbm>> -> memref<200x128xf32, #tpu.memory_space<hbm>>
      tpu.wait_dma2 semaphore(%run_scoped3A : memref<!tpu.dma_semaphore, #tpu.memory_space<semaphore_mem>>) src(%dma_wait3A_158 : memref<200x128xf32, #tpu.memory_space<hbm>>) dst(%arg8 : memref<200x128xf32, #tpu.memory_space<vmem>>)
      tpu.yield
    }) : () -> ()
    "tpu.region"() ({
      %run_scoped3A = tpu.sem_alloc : memref<!tpu.dma_semaphore, #tpu.memory_space<semaphore_mem>>
      %dma_start3A_147 = tpu.memref_slice %arg3[%mul3A_2] : memref<204800xf32, #tpu.memory_space<hbm>> -> memref<6400xf32, #tpu.memory_space<hbm>>
      %dma_start3A_148 = tpu.memref_slice %arg3[%mul3A_2] : memref<204800xf32, #tpu.memory_space<hbm>> -> memref<6400xf32, #tpu.memory_space<hbm>>
      tpu.enqueue_dma source(%dma_start3A_148 : memref<6400xf32, #tpu.memory_space<hbm>>) target(%arg13 : memref<6400xf32, #tpu.memory_space<vmem>>) target_semaphore(%run_scoped3A : memref<!tpu.dma_semaphore, #tpu.memory_space<semaphore_mem>>)
      %dma_wait3A_149 = tpu.memref_slice %arg3[%mul3A_2] : memref<204800xf32, #tpu.memory_space<hbm>> -> memref<6400xf32, #tpu.memory_space<hbm>>
      %dma_wait3A_150 = tpu.memref_slice %arg3[%mul3A_2] : memref<204800xf32, #tpu.memory_space<hbm>> -> memref<6400xf32, #tpu.memory_space<hbm>>
      tpu.wait_dma2 semaphore(%run_scoped3A : memref<!tpu.dma_semaphore, #tpu.memory_space<semaphore_mem>>) src(%dma_wait3A_150 : memref<6400xf32, #tpu.memory_space<hbm>>) dst(%arg13 : memref<6400xf32, #tpu.memory_space<vmem>>)
      tpu.yield
    }) : () -> ()
    "tpu.region"() ({
      %run_scoped3A = tpu.sem_alloc : memref<!tpu.dma_semaphore, #tpu.memory_space<semaphore_mem>>
      tpu.enqueue_dma source(%arg5 : memref<128xf32, #tpu.memory_space<hbm>>) target(%arg14 : memref<128xf32, #tpu.memory_space<vmem>>) target_semaphore(%run_scoped3A : memref<!tpu.dma_semaphore, #tpu.memory_space<semaphore_mem>>)
      tpu.wait_dma2 semaphore(%run_scoped3A : memref<!tpu.dma_semaphore, #tpu.memory_space<semaphore_mem>>) src(%arg5 : memref<128xf32, #tpu.memory_space<hbm>>) dst(%arg14 : memref<128xf32, #tpu.memory_space<vmem>>)
      tpu.yield
    }) : () -> ()
    "tpu.region"() ({
      %run_scoped3A = tpu.sem_alloc : memref<!tpu.dma_semaphore, #tpu.memory_space<semaphore_mem>>
      tpu.enqueue_dma source(%arg6 : memref<128xf32, #tpu.memory_space<hbm>>) target(%arg15 : memref<128xf32, #tpu.memory_space<vmem>>) target_semaphore(%run_scoped3A : memref<!tpu.dma_semaphore, #tpu.memory_space<semaphore_mem>>)
      tpu.wait_dma2 semaphore(%run_scoped3A : memref<!tpu.dma_semaphore, #tpu.memory_space<semaphore_mem>>) src(%arg6 : memref<128xf32, #tpu.memory_space<hbm>>) dst(%arg15 : memref<128xf32, #tpu.memory_space<vmem>>)
      tpu.yield
    }) : () -> ()
    %get3A = arith.constant 0 : index
    %get3A_3 = tpu.vector_load %arg14[%get3A] {strides = array<i32>} : memref<128xf32, #tpu.memory_space<vmem>>, vector<16xf32>,
    %get3A_4 = arith.constant 16 : index
    %get3A_5 = tpu.vector_load %arg14[%get3A_4] {strides = array<i32>} : memref<128xf32, #tpu.memory_space<vmem>>, vector<16xf32>,
    %get3A_6 = arith.constant 32 : index
    %get3A_7 = tpu.vector_load %arg14[%get3A_6] {strides = array<i32>} : memref<128xf32, #tpu.memory_space<vmem>>, vector<16xf32>,
    %get3A_8 = arith.constant 48 : index
    %get3A_9 = tpu.vector_load %arg14[%get3A_8] {strides = array<i32>} : memref<128xf32, #tpu.memory_space<vmem>>, vector<16xf32>,
    %get3A_10 = arith.constant 64 : index
    %get3A_11 = tpu.vector_load %arg14[%get3A_10] {strides = array<i32>} : memref<128xf32, #tpu.memory_space<vmem>>, vector<16xf32>,
    %get3A_12 = arith.constant 80 : index
    %get3A_13 = tpu.vector_load %arg14[%get3A_12] {strides = array<i32>} : memref<128xf32, #tpu.memory_space<vmem>>, vector<16xf32>,
    %get3A_14 = arith.constant 96 : index
    %get3A_15 = tpu.vector_load %arg14[%get3A_14] {strides = array<i32>} : memref<128xf32, #tpu.memory_space<vmem>>, vector<16xf32>,
    %get3A_16 = arith.constant 112 : index
    %get3A_17 = tpu.vector_load %arg14[%get3A_16] {strides = array<i32>} : memref<128xf32, #tpu.memory_space<vmem>>, vector<16xf32>,
    %get3A_18 = arith.constant 0 : index
    %get3A_19 = tpu.vector_load %arg15[%get3A_18] {strides = array<i32>} : memref<128xf32, #tpu.memory_space<vmem>>, vector<16xf32>,
    %get3A_20 = arith.constant 16 : index
    %get3A_21 = tpu.vector_load %arg15[%get3A_20] {strides = array<i32>} : memref<128xf32, #tpu.memory_space<vmem>>, vector<16xf32>,
    %get3A_22 = arith.constant 32 : index
    %get3A_23 = tpu.vector_load %arg15[%get3A_22] {strides = array<i32>} : memref<128xf32, #tpu.memory_space<vmem>>, vector<16xf32>,
    %get3A_24 = arith.constant 48 : index
    %get3A_25 = tpu.vector_load %arg15[%get3A_24] {strides = array<i32>} : memref<128xf32, #tpu.memory_space<vmem>>, vector<16xf32>,
    %get3A_26 = arith.constant 64 : index
    %get3A_27 = tpu.vector_load %arg15[%get3A_26] {strides = array<i32>} : memref<128xf32, #tpu.memory_space<vmem>>, vector<16xf32>,
    %get3A_28 = arith.constant 80 : index
    %get3A_29 = tpu.vector_load %arg15[%get3A_28] {strides = array<i32>} : memref<128xf32, #tpu.memory_space<vmem>>, vector<16xf32>,
    %get3A_30 = arith.constant 96 : index
    %get3A_31 = tpu.vector_load %arg15[%get3A_30] {strides = array<i32>} : memref<128xf32, #tpu.memory_space<vmem>>, vector<16xf32>,
    %get3A_32 = arith.constant 112 : index
    %get3A_33 = tpu.vector_load %arg15[%get3A_32] {strides = array<i32>} : memref<128xf32, #tpu.memory_space<vmem>>, vector<16xf32>,
    %get3A_34 = arith.constant 0 : i32
    %get3A_35 = arith.index_cast %get3A_34 : i32 to index
    %get3A_36 = arith.constant 0 : index
    %get3A_37 = tpu.vector_load %arg8[%get3A_35, %get3A_36] {strides = array<i32>} : memref<200x128xf32, #tpu.memory_space<vmem>>, vector<16xf32>,
    %get3A_38 = arith.constant 0 : i32
    %get3A_39 = arith.index_cast %get3A_38 : i32 to index
    %get3A_40 = arith.constant 16 : index
    %get3A_41 = tpu.vector_load %arg8[%get3A_39, %get3A_40] {strides = array<i32>} : memref<200x128xf32, #tpu.memory_space<vmem>>, vector<16xf32>,
    %get3A_42 = arith.constant 0 : i32
    %get3A_43 = arith.index_cast %get3A_42 : i32 to index
    %get3A_44 = arith.constant 32 : index
    %get3A_45 = tpu.vector_load %arg8[%get3A_43, %get3A_44] {strides = array<i32>} : memref<200x128xf32, #tpu.memory_space<vmem>>, vector<16xf32>,
    %get3A_46 = arith.constant 0 : i32
    %get3A_47 = arith.index_cast %get3A_46 : i32 to index
    %get3A_48 = arith.constant 48 : index
    %get3A_49 = tpu.vector_load %arg8[%get3A_47, %get3A_48] {strides = array<i32>} : memref<200x128xf32, #tpu.memory_space<vmem>>, vector<16xf32>,
    %get3A_50 = arith.constant 0 : i32
    %get3A_51 = arith.index_cast %get3A_50 : i32 to index
    %get3A_52 = arith.constant 64 : index
    %get3A_53 = tpu.vector_load %arg8[%get3A_51, %get3A_52] {strides = array<i32>} : memref<200x128xf32, #tpu.memory_space<vmem>>, vector<16xf32>,
    %get3A_54 = arith.constant 0 : i32
    %get3A_55 = arith.index_cast %get3A_54 : i32 to index
    %get3A_56 = arith.constant 80 : index
    %get3A_57 = tpu.vector_load %arg8[%get3A_55, %get3A_56] {strides = array<i32>} : memref<200x128xf32, #tpu.memory_space<vmem>>, vector<16xf32>,
    %get3A_58 = arith.constant 0 : i32
    %get3A_59 = arith.index_cast %get3A_58 : i32 to index
    %get3A_60 = arith.constant 96 : index
    %get3A_61 = tpu.vector_load %arg8[%get3A_59, %get3A_60] {strides = array<i32>} : memref<200x128xf32, #tpu.memory_space<vmem>>, vector<16xf32>,
    %get3A_62 = arith.constant 0 : i32
    %get3A_63 = arith.index_cast %get3A_62 : i32 to index
    %get3A_64 = arith.constant 112 : index
    %get3A_65 = tpu.vector_load %arg8[%get3A_63, %get3A_64] {strides = array<i32>} : memref<200x128xf32, #tpu.memory_space<vmem>>, vector<16xf32>,
    %scan3A = arith.constant 0 : i32
    %scan3A_66 = arith.constant 1 : i32
    %scan3A_67 = arith.constant 199 : i32
    %scan3A_68 = arith.addi %scan3A_66, %scan3A_67 : i32
    %scan3A_69 = arith.constant 1 : i32
    %scan3A_70 = scf.for %scan3A_147 = %scan3A_66 to %scan3A_68 step %scan3A_69 iter_args(%scan3A_148 = %scan3A) -> (i32)  : i32 {
      %get3A_149 = arith.index_cast %scan3A_147 : i32 to index
      %get3A_150 = arith.constant 0 : index
      %get3A_151 = tpu.vector_load %arg8[%get3A_149, %get3A_150] {strides = array<i32>} : memref<200x128xf32, #tpu.memory_space<vmem>>, vector<16xf32>,
      %sub3A = arith.subf %get3A_151, %get3A_37 : vector<16xf32>
      %swap3A_152 = arith.index_cast %scan3A_147 : i32 to index
      %swap3A_153 = arith.constant 0 : index
      %swap3A_154 = tpu.vector_load %arg8[%swap3A_152, %swap3A_153] {strides = array<i32>} : memref<200x128xf32, #tpu.memory_space<vmem>>, vector<16xf32>,
      tpu.vector_store %arg8[%swap3A_152, %swap3A_153], %sub3A {strides = array<i32>} : memref<200x128xf32, #tpu.memory_space<vmem>>, vector<16xf32>,
      %get3A_155 = arith.index_cast %scan3A_147 : i32 to index
      %get3A_156 = arith.constant 16 : index
      %get3A_157 = tpu.vector_load %arg8[%get3A_155, %get3A_156] {strides = array<i32>} : memref<200x128xf32, #tpu.memory_space<vmem>>, vector<16xf32>,
      %sub3A_158 = arith.subf %get3A_157, %get3A_41 : vector<16xf32>
      %swap3A_159 = arith.index_cast %scan3A_147 : i32 to index
      %swap3A_160 = arith.constant 16 : index
      %swap3A_161 = tpu.vector_load %arg8[%swap3A_159, %swap3A_160] {strides = array<i32>} : memref<200x128xf32, #tpu.memory_space<vmem>>, vector<16xf32>,
      tpu.vector_store %arg8[%swap3A_159, %swap3A_160], %sub3A_158 {strides = array<i32>} : memref<200x128xf32, #tpu.memory_space<vmem>>, vector<16xf32>,
      %get3A_162 = arith.index_cast %scan3A_147 : i32 to index
      %get3A_163 = arith.constant 32 : index
      %get3A_164 = tpu.vector_load %arg8[%get3A_162, %get3A_163] {strides = array<i32>} : memref<200x128xf32, #tpu.memory_space<vmem>>, vector<16xf32>,
      %sub3A_165 = arith.subf %get3A_164, %get3A_45 : vector<16xf32>
      %swap3A_166 = arith.index_cast %scan3A_147 : i32 to index
      %swap3A_167 = arith.constant 32 : index
      %swap3A_168 = tpu.vector_load %arg8[%swap3A_166, %swap3A_167] {strides = array<i32>} : memref<200x128xf32, #tpu.memory_space<vmem>>, vector<16xf32>,
      tpu.vector_store %arg8[%swap3A_166, %swap3A_167], %sub3A_165 {strides = array<i32>} : memref<200x128xf32, #tpu.memory_space<vmem>>, vector<16xf32>,
      %get3A_169 = arith.index_cast %scan3A_147 : i32 to index
      %get3A_170 = arith.constant 48 : index
      %get3A_171 = tpu.vector_load %arg8[%get3A_169, %get3A_170] {strides = array<i32>} : memref<200x128xf32, #tpu.memory_space<vmem>>, vector<16xf32>,
      %sub3A_172 = arith.subf %get3A_171, %get3A_49 : vector<16xf32>
      %swap3A_173 = arith.index_cast %scan3A_147 : i32 to index
      %swap3A_174 = arith.constant 48 : index
      %swap3A_175 = tpu.vector_load %arg8[%swap3A_173, %swap3A_174] {strides = array<i32>} : memref<200x128xf32, #tpu.memory_space<vmem>>, vector<16xf32>,
      tpu.vector_store %arg8[%swap3A_173, %swap3A_174], %sub3A_172 {strides = array<i32>} : memref<200x128xf32, #tpu.memory_space<vmem>>, vector<16xf32>,
      %get3A_176 = arith.index_cast %scan3A_147 : i32 to index
      %get3A_177 = arith.constant 64 : index
      %get3A_178 = tpu.vector_load %arg8[%get3A_176, %get3A_177] {strides = array<i32>} : memref<200x128xf32, #tpu.memory_space<vmem>>, vector<16xf32>,
      %sub3A_179 = arith.subf %get3A_178, %get3A_53 : vector<16xf32>
      %swap3A_180 = arith.index_cast %scan3A_147 : i32 to index
      %swap3A_181 = arith.constant 64 : index
      %swap3A_182 = tpu.vector_load %arg8[%swap3A_180, %swap3A_181] {strides = array<i32>} : memref<200x128xf32, #tpu.memory_space<vmem>>, vector<16xf32>,
      tpu.vector_store %arg8[%swap3A_180, %swap3A_181], %sub3A_179 {strides = array<i32>} : memref<200x128xf32, #tpu.memory_space<vmem>>, vector<16xf32>,
      %get3A_183 = arith.index_cast %scan3A_147 : i32 to index
      %get3A_184 = arith.constant 80 : index
      %get3A_185 = tpu.vector_load %arg8[%get3A_183, %get3A_184] {strides = array<i32>} : memref<200x128xf32, #tpu.memory_space<vmem>>, vector<16xf32>,
      %sub3A_186 = arith.subf %get3A_185, %get3A_57 : vector<16xf32>
      %swap3A_187 = arith.index_cast %scan3A_147 : i32 to index
      %swap3A_188 = arith.constant 80 : index
      %swap3A_189 = tpu.vector_load %arg8[%swap3A_187, %swap3A_188] {strides = array<i32>} : memref<200x128xf32, #tpu.memory_space<vmem>>, vector<16xf32>,
      tpu.vector_store %arg8[%swap3A_187, %swap3A_188], %sub3A_186 {strides = array<i32>} : memref<200x128xf32, #tpu.memory_space<vmem>>, vector<16xf32>,
      %get3A_190 = arith.index_cast %scan3A_147 : i32 to index
      %get3A_191 = arith.constant 96 : index
      %get3A_192 = tpu.vector_load %arg8[%get3A_190, %get3A_191] {strides = array<i32>} : memref<200x128xf32, #tpu.memory_space<vmem>>, vector<16xf32>,
      %sub3A_193 = arith.subf %get3A_192, %get3A_61 : vector<16xf32>
      %swap3A_194 = arith.index_cast %scan3A_147 : i32 to index
      %swap3A_195 = arith.constant 96 : index
      %swap3A_196 = tpu.vector_load %arg8[%swap3A_194, %swap3A_195] {strides = array<i32>} : memref<200x128xf32, #tpu.memory_space<vmem>>, vector<16xf32>,
      tpu.vector_store %arg8[%swap3A_194, %swap3A_195], %sub3A_193 {strides = array<i32>} : memref<200x128xf32, #tpu.memory_space<vmem>>, vector<16xf32>,
      %get3A_197 = arith.index_cast %scan3A_147 : i32 to index
      %get3A_198 = arith.constant 112 : index
      %get3A_199 = tpu.vector_load %arg8[%get3A_197, %get3A_198] {strides = array<i32>} : memref<200x128xf32, #tpu.memory_space<vmem>>, vector<16xf32>,
      %sub3A_200 = arith.subf %get3A_199, %get3A_65 : vector<16xf32>
      %swap3A_201 = arith.index_cast %scan3A_147 : i32 to index
      %swap3A_202 = arith.constant 112 : index
      %swap3A_203 = tpu.vector_load %arg8[%swap3A_201, %swap3A_202] {strides = array<i32>} : memref<200x128xf32, #tpu.memory_space<vmem>>, vector<16xf32>,
      tpu.vector_store %arg8[%swap3A_201, %swap3A_202], %sub3A_200 {strides = array<i32>} : memref<200x128xf32, #tpu.memory_space<vmem>>, vector<16xf32>,
      %scan3A_204 = arith.constant 0 : i32
      scf.yield %scan3A_204 : i32
    }
    %scan3A_71 = arith.constant 199 : i32
    %broadcast_in_dim3A = arith.constant 0.000000e+00 : f32
    %broadcast_in_dim3A_72 = vector.broadcast %broadcast_in_dim3A : f32 to vector<16xf32>
    %swap3A = arith.constant 0 : i32
    %swap3A_73 = arith.index_cast %swap3A : i32 to index
    %swap3A_74 = arith.constant 0 : index
    %swap3A_75 = tpu.vector_load %arg8[%swap3A_73, %swap3A_74] {strides = array<i32>} : memref<200x128xf32, #tpu.memory_space<vmem>>, vector<16xf32>,
    tpu.vector_store %arg8[%swap3A_73, %swap3A_74], %broadcast_in_dim3A_72 {strides = array<i32>} : memref<200x128xf32, #tpu.memory_space<vmem>>, vector<16xf32>,
    %broadcast_in_dim3A_76 = arith.constant 0.000000e+00 : f32
    %broadcast_in_dim3A_77 = vector.broadcast %broadcast_in_dim3A_76 : f32 to vector<16xf32>
    %swap3A_78 = arith.constant 0 : i32
    %swap3A_79 = arith.index_cast %swap3A_78 : i32 to index
    %swap3A_80 = arith.constant 16 : index
    %swap3A_81 = tpu.vector_load %arg8[%swap3A_79, %swap3A_80] {strides = array<i32>} : memref<200x128xf32, #tpu.memory_space<vmem>>, vector<16xf32>,
    tpu.vector_store %arg8[%swap3A_79, %swap3A_80], %broadcast_in_dim3A_77 {strides = array<i32>} : memref<200x128xf32, #tpu.memory_space<vmem>>, vector<16xf32>,
    %broadcast_in_dim3A_82 = arith.constant 0.000000e+00 : f32
    %broadcast_in_dim3A_83 = vector.broadcast %broadcast_in_dim3A_82 : f32 to vector<16xf32>
    %swap3A_84 = arith.constant 0 : i32
    %swap3A_85 = arith.index_cast %swap3A_84 : i32 to index
    %swap3A_86 = arith.constant 32 : index
    %swap3A_87 = tpu.vector_load %arg8[%swap3A_85, %swap3A_86] {strides = array<i32>} : memref<200x128xf32, #tpu.memory_space<vmem>>, vector<16xf32>,
    tpu.vector_store %arg8[%swap3A_85, %swap3A_86], %broadcast_in_dim3A_83 {strides = array<i32>} : memref<200x128xf32, #tpu.memory_space<vmem>>, vector<16xf32>,
    %broadcast_in_dim3A_88 = arith.constant 0.000000e+00 : f32
    %broadcast_in_dim3A_89 = vector.broadcast %broadcast_in_dim3A_88 : f32 to vector<16xf32>
    %swap3A_90 = arith.constant 0 : i32
    %swap3A_91 = arith.index_cast %swap3A_90 : i32 to index
    %swap3A_92 = arith.constant 48 : index
    %swap3A_93 = tpu.vector_load %arg8[%swap3A_91, %swap3A_92] {strides = array<i32>} : memref<200x128xf32, #tpu.memory_space<vmem>>, vector<16xf32>,
    tpu.vector_store %arg8[%swap3A_91, %swap3A_92], %broadcast_in_dim3A_89 {strides = array<i32>} : memref<200x128xf32, #tpu.memory_space<vmem>>, vector<16xf32>,
    %broadcast_in_dim3A_94 = arith.constant 0.000000e+00 : f32
    %broadcast_in_dim3A_95 = vector.broadcast %broadcast_in_dim3A_94 : f32 to vector<16xf32>
    %swap3A_96 = arith.constant 0 : i32
    %swap3A_97 = arith.index_cast %swap3A_96 : i32 to index
    %swap3A_98 = arith.constant 64 : index
    %swap3A_99 = tpu.vector_load %arg8[%swap3A_97, %swap3A_98] {strides = array<i32>} : memref<200x128xf32, #tpu.memory_space<vmem>>, vector<16xf32>,
    tpu.vector_store %arg8[%swap3A_97, %swap3A_98], %broadcast_in_dim3A_95 {strides = array<i32>} : memref<200x128xf32, #tpu.memory_space<vmem>>, vector<16xf32>,
    %broadcast_in_dim3A_100 = arith.constant 0.000000e+00 : f32
    %broadcast_in_dim3A_101 = vector.broadcast %broadcast_in_dim3A_100 : f32 to vector<16xf32>
    %swap3A_102 = arith.constant 0 : i32
    %swap3A_103 = arith.index_cast %swap3A_102 : i32 to index
    %swap3A_104 = arith.constant 80 : index
    %swap3A_105 = tpu.vector_load %arg8[%swap3A_103, %swap3A_104] {strides = array<i32>} : memref<200x128xf32, #tpu.memory_space<vmem>>, vector<16xf32>,
    tpu.vector_store %arg8[%swap3A_103, %swap3A_104], %broadcast_in_dim3A_101 {strides = array<i32>} : memref<200x128xf32, #tpu.memory_space<vmem>>, vector<16xf32>,
    %broadcast_in_dim3A_106 = arith.constant 0.000000e+00 : f32
    %broadcast_in_dim3A_107 = vector.broadcast %broadcast_in_dim3A_106 : f32 to vector<16xf32>
    %swap3A_108 = arith.constant 0 : i32
    %swap3A_109 = arith.index_cast %swap3A_108 : i32 to index
    %swap3A_110 = arith.constant 96 : index
    %swap3A_111 = tpu.vector_load %arg8[%swap3A_109, %swap3A_110] {strides = array<i32>} : memref<200x128xf32, #tpu.memory_space<vmem>>, vector<16xf32>,
    tpu.vector_store %arg8[%swap3A_109, %swap3A_110], %broadcast_in_dim3A_107 {strides = array<i32>} : memref<200x128xf32, #tpu.memory_space<vmem>>, vector<16xf32>,
    %broadcast_in_dim3A_112 = arith.constant 0.000000e+00 : f32
    %broadcast_in_dim3A_113 = vector.broadcast %broadcast_in_dim3A_112 : f32 to vector<16xf32>
    %swap3A_114 = arith.constant 0 : i32
    %swap3A_115 = arith.index_cast %swap3A_114 : i32 to index
    %swap3A_116 = arith.constant 112 : index
    %swap3A_117 = tpu.vector_load %arg8[%swap3A_115, %swap3A_116] {strides = array<i32>} : memref<200x128xf32, #tpu.memory_space<vmem>>, vector<16xf32>,
    tpu.vector_store %arg8[%swap3A_115, %swap3A_116], %broadcast_in_dim3A_113 {strides = array<i32>} : memref<200x128xf32, #tpu.memory_space<vmem>>, vector<16xf32>,
    %add3A_118 = arith.constant 0 : i32
    %add3A_119 = arith.addi %mul3A_2, %add3A_118 : i32
    %dma_start3A = arith.constant 0 : i32
    %dma_start3A_120 = tpu.memref_slice %arg2[%add3A_119, %dma_start3A] : memref<204800x128xf32, #tpu.memory_space<hbm>> -> memref<64x128xf32, #tpu.memory_space<hbm>>
    %dma_start3A_121 = arith.constant 0 : i32
    %dma_start3A_122 = tpu.memref_slice %arg2[%add3A_119, %dma_start3A_121] : memref<204800x128xf32, #tpu.memory_space<hbm>> -> memref<64x128xf32, #tpu.memory_space<hbm>>
    tpu.enqueue_dma source(%dma_start3A_122 : memref<64x128xf32, #tpu.memory_space<hbm>>) target(%arg9 : memref<64x128xf32, #tpu.memory_space<vmem>>) target_semaphore(%arg17 : memref<!tpu.dma_semaphore, #tpu.memory_space<semaphore_mem>>)
    %add3A_123 = arith.constant 64 : i32
    %add3A_124 = arith.addi %mul3A_2, %add3A_123 : i32
    %dma_start3A_125 = arith.constant 0 : i32
    %dma_start3A_126 = tpu.memref_slice %arg2[%add3A_124, %dma_start3A_125] : memref<204800x128xf32, #tpu.memory_space<hbm>> -> memref<64x128xf32, #tpu.memory_space<hbm>>
    %dma_start3A_127 = arith.constant 0 : i32
    %dma_start3A_128 = tpu.memref_slice %arg2[%add3A_124, %dma_start3A_127] : memref<204800x128xf32, #tpu.memory_space<hbm>> -> memref<64x128xf32, #tpu.memory_space<hbm>>
    tpu.enqueue_dma source(%dma_start3A_128 : memref<64x128xf32, #tpu.memory_space<hbm>>) target(%arg10 : memref<64x128xf32, #tpu.memory_space<vmem>>) target_semaphore(%arg18 : memref<!tpu.dma_semaphore, #tpu.memory_space<semaphore_mem>>)
    %scan3A_129 = arith.constant 0 : i32
    %scan3A_130 = arith.constant 0 : i32
    %scan3A_131 = arith.constant 50 : i32
    %scan3A_132 = arith.addi %scan3A_130, %scan3A_131 : i32
    %scan3A_133 = arith.constant 1 : i32
    %scan3A_134 = scf.for %scan3A_147 = %scan3A_130 to %scan3A_132 step %scan3A_133 iter_args(%scan3A_148 = %scan3A_129) -> (i32)  : i32 {
      %mul3A_149 = arith.constant 2 : i32
      %mul3A_150 = arith.muli %scan3A_147, %mul3A_149 : i32
      %add3A_151 = arith.constant 0 : i32
      %add3A_152 = arith.addi %mul3A_150, %add3A_151 : i32
      %mul3A_153 = arith.constant 64 : i32
      %mul3A_154 = arith.muli %add3A_152, %mul3A_153 : i32
      %add3A_155 = arith.addi %mul3A_2, %mul3A_154 : i32
      %dma_wait3A_156 = arith.constant 0 : i32
      %dma_wait3A_157 = tpu.memref_slice %arg2[%add3A_155, %dma_wait3A_156] : memref<204800x128xf32, #tpu.memory_space<hbm>> -> memref<64x128xf32, #tpu.memory_space<hbm>>
      %dma_wait3A_158 = arith.constant 0 : i32
      %dma_wait3A_159 = tpu.memref_slice %arg2[%add3A_155, %dma_wait3A_158] : memref<204800x128xf32, #tpu.memory_space<hbm>> -> memref<64x128xf32, #tpu.memory_space<hbm>>
      tpu.wait_dma2 semaphore(%arg17 : memref<!tpu.dma_semaphore, #tpu.memory_space<semaphore_mem>>) src(%dma_wait3A_159 : memref<64x128xf32, #tpu.memory_space<hbm>>) dst(%arg9 : memref<64x128xf32, #tpu.memory_space<vmem>>)
      %ge3A = arith.constant 1 : i32
      %ge3A_160 = arith.cmpi sge, %scan3A_147, %ge3A : i32
      %convert_element_type3A = arith.extui %ge3A_160 : i1 to i32
      %cond3A = arith.constant 0 : i32
      %cond3A_161 = arith.cmpi ne, %convert_element_type3A, %cond3A : i32
      scf.if %cond3A_161 {
        %sub3A = arith.constant 2 : i32
        %sub3A_211 = arith.subi %add3A_152, %sub3A : i32
        %mul3A_212 = arith.constant 64 : i32
        %mul3A_213 = arith.muli %sub3A_211, %mul3A_212 : i32
        %add3A_214 = arith.addi %mul3A_2, %mul3A_213 : i32
        %dma_wait3A_215 = arith.constant 0 : i32
        %dma_wait3A_216 = tpu.memref_slice %arg7[%add3A_214, %dma_wait3A_215] : memref<204800x128xf32, #tpu.memory_space<hbm>> -> memref<64x128xf32, #tpu.memory_space<hbm>>
        %dma_wait3A_217 = arith.constant 0 : i32
        %dma_wait3A_218 = tpu.memref_slice %arg7[%add3A_214, %dma_wait3A_217] : memref<204800x128xf32, #tpu.memory_space<hbm>> -> memref<64x128xf32, #tpu.memory_space<hbm>>
        tpu.wait_dma2 semaphore(%arg19 : memref<!tpu.dma_semaphore, #tpu.memory_space<semaphore_mem>>) src(%arg11 : memref<64x128xf32, #tpu.memory_space<vmem>>) dst(%dma_wait3A_218 : memref<64x128xf32, #tpu.memory_space<hbm>>)
      } else {
      }
      %parallel_loop3A = arith.constant 0 : i32
      %parallel_loop3A_162 = arith.constant 64 : i32
      %parallel_loop3A_163 = arith.constant 1 : i32
      scf.for %parallel_loop3A_211 = %parallel_loop3A to %parallel_loop3A_162 step %parallel_loop3A_163  : i32 {
        %parallel_loop3A_212 = arith.constant 64 : i32
        %parallel_loop3A_213 = arith.muli %add3A_152, %parallel_loop3A_212 : i32
        %parallel_loop3A_214 = arith.addi %parallel_loop3A_213, %parallel_loop3A_211 : i32
        %parallel_loop3A_215 = arith.constant 200 : i32
        %parallel_loop3A_216 = arith.remsi %parallel_loop3A_214, %parallel_loop3A_215 : i32
        %parallel_loop3A_217 = vector.broadcast %parallel_loop3A_214 : i32 to vector<16xi32>
        %parallel_loop3A_218 = tpu.vector_load_idx %arg13[%parallel_loop3A_217] : memref<6400xf32, #tpu.memory_space<vmem>>[vector<16xi32>], vector<16xf32>,
        %parallel_loop3A_219 = arith.constant 0.000000e+00 : f32
        %parallel_loop3A_220 = vector.broadcast %parallel_loop3A_219 : f32 to vector<16xf32>
        %parallel_loop3A_221 = arith.constant 0.000000e+00 : f32
        %parallel_loop3A_222 = vector.broadcast %parallel_loop3A_221 : f32 to vector<16xf32>
        %parallel_loop3A_223 = arith.index_cast %parallel_loop3A_211 : i32 to index
        %parallel_loop3A_224 = arith.constant 0 : index
        %parallel_loop3A_225 = tpu.vector_load %arg9[%parallel_loop3A_223, %parallel_loop3A_224] {strides = array<i32>} : memref<64x128xf32, #tpu.memory_space<vmem>>, vector<16xf32>,
        %parallel_loop3A_226 = arith.index_cast %parallel_loop3A_216 : i32 to index
        %parallel_loop3A_227 = arith.constant 0 : index
        %parallel_loop3A_228 = tpu.vector_load %arg8[%parallel_loop3A_226, %parallel_loop3A_227] {strides = array<i32>} : memref<200x128xf32, #tpu.memory_space<vmem>>, vector<16xf32>,
        %parallel_loop3A_229 = arith.addf %parallel_loop3A_225, %get3A_37 : vector<16xf32>
        %parallel_loop3A_230 = arith.mulf %parallel_loop3A_218, %parallel_loop3A_228 : vector<16xf32>
        %parallel_loop3A_231 = arith.addf %parallel_loop3A_229, %parallel_loop3A_230 : vector<16xf32>
        %parallel_loop3A_232 = arith.addf %parallel_loop3A_220, %parallel_loop3A_231 : vector<16xf32>
        %parallel_loop3A_233 = arith.mulf %parallel_loop3A_231, %parallel_loop3A_231 : vector<16xf32>
        %parallel_loop3A_234 = arith.addf %parallel_loop3A_222, %parallel_loop3A_233 : vector<16xf32>
        %parallel_loop3A_235 = arith.index_cast %parallel_loop3A_211 : i32 to index
        %parallel_loop3A_236 = arith.constant 16 : index
        %parallel_loop3A_237 = tpu.vector_load %arg9[%parallel_loop3A_235, %parallel_loop3A_236] {strides = array<i32>} : memref<64x128xf32, #tpu.memory_space<vmem>>, vector<16xf32>,
        %parallel_loop3A_238 = arith.index_cast %parallel_loop3A_216 : i32 to index
        %parallel_loop3A_239 = arith.constant 16 : index
        %parallel_loop3A_240 = tpu.vector_load %arg8[%parallel_loop3A_238, %parallel_loop3A_239] {strides = array<i32>} : memref<200x128xf32, #tpu.memory_space<vmem>>, vector<16xf32>,
        %parallel_loop3A_241 = arith.addf %parallel_loop3A_237, %get3A_41 : vector<16xf32>
        %parallel_loop3A_242 = arith.mulf %parallel_loop3A_218, %parallel_loop3A_240 : vector<16xf32>
        %parallel_loop3A_243 = arith.addf %parallel_loop3A_241, %parallel_loop3A_242 : vector<16xf32>
        %parallel_loop3A_244 = arith.addf %parallel_loop3A_232, %parallel_loop3A_243 : vector<16xf32>
        %parallel_loop3A_245 = arith.mulf %parallel_loop3A_243, %parallel_loop3A_243 : vector<16xf32>
        %parallel_loop3A_246 = arith.addf %parallel_loop3A_234, %parallel_loop3A_245 : vector<16xf32>
        %parallel_loop3A_247 = arith.index_cast %parallel_loop3A_211 : i32 to index
        %parallel_loop3A_248 = arith.constant 32 : index
        %parallel_loop3A_249 = tpu.vector_load %arg9[%parallel_loop3A_247, %parallel_loop3A_248] {strides = array<i32>} : memref<64x128xf32, #tpu.memory_space<vmem>>, vector<16xf32>,
        %parallel_loop3A_250 = arith.index_cast %parallel_loop3A_216 : i32 to index
        %parallel_loop3A_251 = arith.constant 32 : index
        %parallel_loop3A_252 = tpu.vector_load %arg8[%parallel_loop3A_250, %parallel_loop3A_251] {strides = array<i32>} : memref<200x128xf32, #tpu.memory_space<vmem>>, vector<16xf32>,
        %parallel_loop3A_253 = arith.addf %parallel_loop3A_249, %get3A_45 : vector<16xf32>
        %parallel_loop3A_254 = arith.mulf %parallel_loop3A_218, %parallel_loop3A_252 : vector<16xf32>
        %parallel_loop3A_255 = arith.addf %parallel_loop3A_253, %parallel_loop3A_254 : vector<16xf32>
        %parallel_loop3A_256 = arith.addf %parallel_loop3A_244, %parallel_loop3A_255 : vector<16xf32>
        %parallel_loop3A_257 = arith.mulf %parallel_loop3A_255, %parallel_loop3A_255 : vector<16xf32>
        %parallel_loop3A_258 = arith.addf %parallel_loop3A_246, %parallel_loop3A_257 : vector<16xf32>
        %parallel_loop3A_259 = arith.index_cast %parallel_loop3A_211 : i32 to index
        %parallel_loop3A_260 = arith.constant 48 : index
        %parallel_loop3A_261 = tpu.vector_load %arg9[%parallel_loop3A_259, %parallel_loop3A_260] {strides = array<i32>} : memref<64x128xf32, #tpu.memory_space<vmem>>, vector<16xf32>,
        %parallel_loop3A_262 = arith.index_cast %parallel_loop3A_216 : i32 to index
        %parallel_loop3A_263 = arith.constant 48 : index
        %parallel_loop3A_264 = tpu.vector_load %arg8[%parallel_loop3A_262, %parallel_loop3A_263] {strides = array<i32>} : memref<200x128xf32, #tpu.memory_space<vmem>>, vector<16xf32>,
        %parallel_loop3A_265 = arith.addf %parallel_loop3A_261, %get3A_49 : vector<16xf32>
        %parallel_loop3A_266 = arith.mulf %parallel_loop3A_218, %parallel_loop3A_264 : vector<16xf32>
        %parallel_loop3A_267 = arith.addf %parallel_loop3A_265, %parallel_loop3A_266 : vector<16xf32>
        %parallel_loop3A_268 = arith.addf %parallel_loop3A_256, %parallel_loop3A_267 : vector<16xf32>
        %parallel_loop3A_269 = arith.mulf %parallel_loop3A_267, %parallel_loop3A_267 : vector<16xf32>
        %parallel_loop3A_270 = arith.addf %parallel_loop3A_258, %parallel_loop3A_269 : vector<16xf32>
        %parallel_loop3A_271 = arith.index_cast %parallel_loop3A_211 : i32 to index
        %parallel_loop3A_272 = arith.constant 64 : index
        %parallel_loop3A_273 = tpu.vector_load %arg9[%parallel_loop3A_271, %parallel_loop3A_272] {strides = array<i32>} : memref<64x128xf32, #tpu.memory_space<vmem>>, vector<16xf32>,
        %parallel_loop3A_274 = arith.index_cast %parallel_loop3A_216 : i32 to index
        %parallel_loop3A_275 = arith.constant 64 : index
        %parallel_loop3A_276 = tpu.vector_load %arg8[%parallel_loop3A_274, %parallel_loop3A_275] {strides = array<i32>} : memref<200x128xf32, #tpu.memory_space<vmem>>, vector<16xf32>,
        %parallel_loop3A_277 = arith.addf %parallel_loop3A_273, %get3A_53 : vector<16xf32>
        %parallel_loop3A_278 = arith.mulf %parallel_loop3A_218, %parallel_loop3A_276 : vector<16xf32>
        %parallel_loop3A_279 = arith.addf %parallel_loop3A_277, %parallel_loop3A_278 : vector<16xf32>
        %parallel_loop3A_280 = arith.addf %parallel_loop3A_268, %parallel_loop3A_279 : vector<16xf32>
        %parallel_loop3A_281 = arith.mulf %parallel_loop3A_279, %parallel_loop3A_279 : vector<16xf32>
        %parallel_loop3A_282 = arith.addf %parallel_loop3A_270, %parallel_loop3A_281 : vector<16xf32>
        %parallel_loop3A_283 = arith.index_cast %parallel_loop3A_211 : i32 to index
        %parallel_loop3A_284 = arith.constant 80 : index
        %parallel_loop3A_285 = tpu.vector_load %arg9[%parallel_loop3A_283, %parallel_loop3A_284] {strides = array<i32>} : memref<64x128xf32, #tpu.memory_space<vmem>>, vector<16xf32>,
        %parallel_loop3A_286 = arith.index_cast %parallel_loop3A_216 : i32 to index
        %parallel_loop3A_287 = arith.constant 80 : index
        %parallel_loop3A_288 = tpu.vector_load %arg8[%parallel_loop3A_286, %parallel_loop3A_287] {strides = array<i32>} : memref<200x128xf32, #tpu.memory_space<vmem>>, vector<16xf32>,
        %parallel_loop3A_289 = arith.addf %parallel_loop3A_285, %get3A_57 : vector<16xf32>
        %parallel_loop3A_290 = arith.mulf %parallel_loop3A_218, %parallel_loop3A_288 : vector<16xf32>
        %parallel_loop3A_291 = arith.addf %parallel_loop3A_289, %parallel_loop3A_290 : vector<16xf32>
        %parallel_loop3A_292 = arith.addf %parallel_loop3A_280, %parallel_loop3A_291 : vector<16xf32>
        %parallel_loop3A_293 = arith.mulf %parallel_loop3A_291, %parallel_loop3A_291 : vector<16xf32>
        %parallel_loop3A_294 = arith.addf %parallel_loop3A_282, %parallel_loop3A_293 : vector<16xf32>
        %parallel_loop3A_295 = arith.index_cast %parallel_loop3A_211 : i32 to index
        %parallel_loop3A_296 = arith.constant 96 : index
        %parallel_loop3A_297 = tpu.vector_load %arg9[%parallel_loop3A_295, %parallel_loop3A_296] {strides = array<i32>} : memref<64x128xf32, #tpu.memory_space<vmem>>, vector<16xf32>,
        %parallel_loop3A_298 = arith.index_cast %parallel_loop3A_216 : i32 to index
        %parallel_loop3A_299 = arith.constant 96 : index
        %parallel_loop3A_300 = tpu.vector_load %arg8[%parallel_loop3A_298, %parallel_loop3A_299] {strides = array<i32>} : memref<200x128xf32, #tpu.memory_space<vmem>>, vector<16xf32>,
        %parallel_loop3A_301 = arith.addf %parallel_loop3A_297, %get3A_61 : vector<16xf32>
        %parallel_loop3A_302 = arith.mulf %parallel_loop3A_218, %parallel_loop3A_300 : vector<16xf32>
        %parallel_loop3A_303 = arith.addf %parallel_loop3A_301, %parallel_loop3A_302 : vector<16xf32>
        %parallel_loop3A_304 = arith.addf %parallel_loop3A_292, %parallel_loop3A_303 : vector<16xf32>
        %parallel_loop3A_305 = arith.mulf %parallel_loop3A_303, %parallel_loop3A_303 : vector<16xf32>
        %parallel_loop3A_306 = arith.addf %parallel_loop3A_294, %parallel_loop3A_305 : vector<16xf32>
        %parallel_loop3A_307 = arith.index_cast %parallel_loop3A_211 : i32 to index
        %parallel_loop3A_308 = arith.constant 112 : index
        %parallel_loop3A_309 = tpu.vector_load %arg9[%parallel_loop3A_307, %parallel_loop3A_308] {strides = array<i32>} : memref<64x128xf32, #tpu.memory_space<vmem>>, vector<16xf32>,
        %parallel_loop3A_310 = arith.index_cast %parallel_loop3A_216 : i32 to index
        %parallel_loop3A_311 = arith.constant 112 : index
        %parallel_loop3A_312 = tpu.vector_load %arg8[%parallel_loop3A_310, %parallel_loop3A_311] {strides = array<i32>} : memref<200x128xf32, #tpu.memory_space<vmem>>, vector<16xf32>,
        %parallel_loop3A_313 = arith.addf %parallel_loop3A_309, %get3A_65 : vector<16xf32>
        %parallel_loop3A_314 = arith.mulf %parallel_loop3A_218, %parallel_loop3A_312 : vector<16xf32>
        %parallel_loop3A_315 = arith.addf %parallel_loop3A_313, %parallel_loop3A_314 : vector<16xf32>
        %parallel_loop3A_316 = arith.addf %parallel_loop3A_304, %parallel_loop3A_315 : vector<16xf32>
        %parallel_loop3A_317 = arith.mulf %parallel_loop3A_315, %parallel_loop3A_315 : vector<16xf32>
        %parallel_loop3A_318 = arith.addf %parallel_loop3A_306, %parallel_loop3A_317 : vector<16xf32>
        %parallel_loop3A_319 = arith.constant true
        %parallel_loop3A_320 = vector.broadcast %parallel_loop3A_319 : i1 to vector<16xi1>
        %parallel_loop3A_321 = tpu.scan <sum>, %parallel_loop3A_316 masked %parallel_loop3A_320 : vector<16xf32>, vector<16xi1> -> vector<16xf32>
        %parallel_loop3A_322 = arith.index_cast %parallel_loop3A_211 : i32 to index
        %parallel_loop3A_323 = arith.constant 0 : index
        %parallel_loop3A_324 = tpu.vector_load %arg16[%parallel_loop3A_322, %parallel_loop3A_323] {strides = array<i32>} : memref<64x32xf32, #tpu.memory_space<vmem>>, vector<16xf32>,
        tpu.vector_store %arg16[%parallel_loop3A_322, %parallel_loop3A_323], %parallel_loop3A_321 {strides = array<i32>} : memref<64x32xf32, #tpu.memory_space<vmem>>, vector<16xf32>,
        %parallel_loop3A_325 = arith.constant true
        %parallel_loop3A_326 = vector.broadcast %parallel_loop3A_325 : i1 to vector<16xi1>
        %parallel_loop3A_327 = tpu.scan <sum>, %parallel_loop3A_318 masked %parallel_loop3A_326 : vector<16xf32>, vector<16xi1> -> vector<16xf32>
        %parallel_loop3A_328 = arith.index_cast %parallel_loop3A_211 : i32 to index
        %parallel_loop3A_329 = arith.constant 16 : index
        %parallel_loop3A_330 = tpu.vector_load %arg16[%parallel_loop3A_328, %parallel_loop3A_329] {strides = array<i32>} : memref<64x32xf32, #tpu.memory_space<vmem>>, vector<16xf32>,
        tpu.vector_store %arg16[%parallel_loop3A_328, %parallel_loop3A_329], %parallel_loop3A_327 {strides = array<i32>} : memref<64x32xf32, #tpu.memory_space<vmem>>, vector<16xf32>,
        %parallel_loop3A_331 = vector.broadcast %parallel_loop3A_211 : i32 to vector<16xi32>
        %parallel_loop3A_332 = arith.constant 15 : i32
        %parallel_loop3A_333 = vector.broadcast %parallel_loop3A_332 : i32 to vector<16xi32>
        %parallel_loop3A_334 = tpu.vector_load_idx %arg16[%parallel_loop3A_331, %parallel_loop3A_333] : memref<64x32xf32, #tpu.memory_space<vmem>>[vector<16xi32>, vector<16xi32>], vector<16xf32>,
        %parallel_loop3A_335 = arith.constant 7.812500e-03 : f32
        %parallel_loop3A_336 = vector.broadcast %parallel_loop3A_335 : f32 to vector<16xf32>
        %parallel_loop3A_337 = arith.mulf %parallel_loop3A_334, %parallel_loop3A_336 : vector<16xf32>
        %parallel_loop3A_338 = vector.broadcast %parallel_loop3A_211 : i32 to vector<16xi32>
        %parallel_loop3A_339 = arith.constant 31 : i32
        %parallel_loop3A_340 = vector.broadcast %parallel_loop3A_339 : i32 to vector<16xi32>
        %parallel_loop3A_341 = tpu.vector_load_idx %arg16[%parallel_loop3A_338, %parallel_loop3A_340] : memref<64x32xf32, #tpu.memory_space<vmem>>[vector<16xi32>, vector<16xi32>], vector<16xf32>,
        %parallel_loop3A_342 = arith.constant 7.812500e-03 : f32
        %parallel_loop3A_343 = vector.broadcast %parallel_loop3A_342 : f32 to vector<16xf32>
        %parallel_loop3A_344 = arith.mulf %parallel_loop3A_341, %parallel_loop3A_343 : vector<16xf32>
        %parallel_loop3A_345 = arith.mulf %parallel_loop3A_337, %parallel_loop3A_337 : vector<16xf32>
        %parallel_loop3A_346 = arith.subf %parallel_loop3A_344, %parallel_loop3A_345 : vector<16xf32>
        %parallel_loop3A_347 = arith.constant 9.99999996E-13 : f32
        %parallel_loop3A_348 = vector.broadcast %parallel_loop3A_347 : f32 to vector<16xf32>
        %parallel_loop3A_349 = arith.addf %parallel_loop3A_346, %parallel_loop3A_348 : vector<16xf32>
        %parallel_loop3A_350 = tpu.bitcast %parallel_loop3A_349 : vector<16xf32> -> vector<16xi32>
        %parallel_loop3A_351 = arith.constant 1 : i32
        %parallel_loop3A_352 = vector.broadcast %parallel_loop3A_351 : i32 to vector<16xi32>
        %parallel_loop3A_353 = arith.shrsi %parallel_loop3A_350, %parallel_loop3A_352 : vector<16xi32>
        %parallel_loop3A_354 = arith.constant 1597463007 : i32
        %parallel_loop3A_355 = vector.broadcast %parallel_loop3A_354 : i32 to vector<16xi32>
        %parallel_loop3A_356 = arith.subi %parallel_loop3A_355, %parallel_loop3A_353 : vector<16xi32>
        %parallel_loop3A_357 = tpu.bitcast %parallel_loop3A_356 : vector<16xi32> -> vector<16xf32>
        %parallel_loop3A_358 = arith.constant 5.000000e-01 : f32
        %parallel_loop3A_359 = vector.broadcast %parallel_loop3A_358 : f32 to vector<16xf32>
        %parallel_loop3A_360 = arith.mulf %parallel_loop3A_359, %parallel_loop3A_349 : vector<16xf32>
        %parallel_loop3A_361 = arith.mulf %parallel_loop3A_360, %parallel_loop3A_357 : vector<16xf32>
        %parallel_loop3A_362 = arith.mulf %parallel_loop3A_361, %parallel_loop3A_357 : vector<16xf32>
        %parallel_loop3A_363 = arith.constant 1.500000e+00 : f32
        %parallel_loop3A_364 = vector.broadcast %parallel_loop3A_363 : f32 to vector<16xf32>
        %parallel_loop3A_365 = arith.subf %parallel_loop3A_364, %parallel_loop3A_362 : vector<16xf32>
        %parallel_loop3A_366 = arith.mulf %parallel_loop3A_357, %parallel_loop3A_365 : vector<16xf32>
        %parallel_loop3A_367 = arith.constant 5.000000e-01 : f32
        %parallel_loop3A_368 = vector.broadcast %parallel_loop3A_367 : f32 to vector<16xf32>
        %parallel_loop3A_369 = arith.mulf %parallel_loop3A_368, %parallel_loop3A_349 : vector<16xf32>
        %parallel_loop3A_370 = arith.mulf %parallel_loop3A_369, %parallel_loop3A_366 : vector<16xf32>
        %parallel_loop3A_371 = arith.mulf %parallel_loop3A_370, %parallel_loop3A_366 : vector<16xf32>
        %parallel_loop3A_372 = arith.constant 1.500000e+00 : f32
        %parallel_loop3A_373 = vector.broadcast %parallel_loop3A_372 : f32 to vector<16xf32>
        %parallel_loop3A_374 = arith.subf %parallel_loop3A_373, %parallel_loop3A_371 : vector<16xf32>
        %parallel_loop3A_375 = arith.mulf %parallel_loop3A_366, %parallel_loop3A_374 : vector<16xf32>
        %parallel_loop3A_376 = arith.constant 5.000000e-01 : f32
        %parallel_loop3A_377 = vector.broadcast %parallel_loop3A_376 : f32 to vector<16xf32>
        %parallel_loop3A_378 = arith.mulf %parallel_loop3A_377, %parallel_loop3A_349 : vector<16xf32>
        %parallel_loop3A_379 = arith.mulf %parallel_loop3A_378, %parallel_loop3A_375 : vector<16xf32>
        %parallel_loop3A_380 = arith.mulf %parallel_loop3A_379, %parallel_loop3A_375 : vector<16xf32>
        %parallel_loop3A_381 = arith.constant 1.500000e+00 : f32
        %parallel_loop3A_382 = vector.broadcast %parallel_loop3A_381 : f32 to vector<16xf32>
        %parallel_loop3A_383 = arith.subf %parallel_loop3A_382, %parallel_loop3A_380 : vector<16xf32>
        %parallel_loop3A_384 = arith.mulf %parallel_loop3A_375, %parallel_loop3A_383 : vector<16xf32>
        %parallel_loop3A_385 = arith.subf %parallel_loop3A_231, %parallel_loop3A_337 : vector<16xf32>
        %parallel_loop3A_386 = arith.mulf %parallel_loop3A_385, %parallel_loop3A_384 : vector<16xf32>
        %parallel_loop3A_387 = arith.mulf %parallel_loop3A_386, %get3A_3 : vector<16xf32>
        %parallel_loop3A_388 = arith.addf %parallel_loop3A_387, %get3A_19 : vector<16xf32>
        %parallel_loop3A_389 = arith.index_cast %parallel_loop3A_211 : i32 to index
        %parallel_loop3A_390 = arith.constant 0 : index
        %parallel_loop3A_391 = tpu.vector_load %arg11[%parallel_loop3A_389, %parallel_loop3A_390] {strides = array<i32>} : memref<64x128xf32, #tpu.memory_space<vmem>>, vector<16xf32>,
        tpu.vector_store %arg11[%parallel_loop3A_389, %parallel_loop3A_390], %parallel_loop3A_388 {strides = array<i32>} : memref<64x128xf32, #tpu.memory_space<vmem>>, vector<16xf32>,
        %parallel_loop3A_392 = arith.subf %parallel_loop3A_243, %parallel_loop3A_337 : vector<16xf32>
        %parallel_loop3A_393 = arith.mulf %parallel_loop3A_392, %parallel_loop3A_384 : vector<16xf32>
        %parallel_loop3A_394 = arith.mulf %parallel_loop3A_393, %get3A_5 : vector<16xf32>
        %parallel_loop3A_395 = arith.addf %parallel_loop3A_394, %get3A_21 : vector<16xf32>
        %parallel_loop3A_396 = arith.index_cast %parallel_loop3A_211 : i32 to index
        %parallel_loop3A_397 = arith.constant 16 : index
        %parallel_loop3A_398 = tpu.vector_load %arg11[%parallel_loop3A_396, %parallel_loop3A_397] {strides = array<i32>} : memref<64x128xf32, #tpu.memory_space<vmem>>, vector<16xf32>,
        tpu.vector_store %arg11[%parallel_loop3A_396, %parallel_loop3A_397], %parallel_loop3A_395 {strides = array<i32>} : memref<64x128xf32, #tpu.memory_space<vmem>>, vector<16xf32>,
        %parallel_loop3A_399 = arith.subf %parallel_loop3A_255, %parallel_loop3A_337 : vector<16xf32>
        %parallel_loop3A_400 = arith.mulf %parallel_loop3A_399, %parallel_loop3A_384 : vector<16xf32>
        %parallel_loop3A_401 = arith.mulf %parallel_loop3A_400, %get3A_7 : vector<16xf32>
        %parallel_loop3A_402 = arith.addf %parallel_loop3A_401, %get3A_23 : vector<16xf32>
        %parallel_loop3A_403 = arith.index_cast %parallel_loop3A_211 : i32 to index
        %parallel_loop3A_404 = arith.constant 32 : index
        %parallel_loop3A_405 = tpu.vector_load %arg11[%parallel_loop3A_403, %parallel_loop3A_404] {strides = array<i32>} : memref<64x128xf32, #tpu.memory_space<vmem>>, vector<16xf32>,
        tpu.vector_store %arg11[%parallel_loop3A_403, %parallel_loop3A_404], %parallel_loop3A_402 {strides = array<i32>} : memref<64x128xf32, #tpu.memory_space<vmem>>, vector<16xf32>,
        %parallel_loop3A_406 = arith.subf %parallel_loop3A_267, %parallel_loop3A_337 : vector<16xf32>
        %parallel_loop3A_407 = arith.mulf %parallel_loop3A_406, %parallel_loop3A_384 : vector<16xf32>
        %parallel_loop3A_408 = arith.mulf %parallel_loop3A_407, %get3A_9 : vector<16xf32>
        %parallel_loop3A_409 = arith.addf %parallel_loop3A_408, %get3A_25 : vector<16xf32>
        %parallel_loop3A_410 = arith.index_cast %parallel_loop3A_211 : i32 to index
        %parallel_loop3A_411 = arith.constant 48 : index
        %parallel_loop3A_412 = tpu.vector_load %arg11[%parallel_loop3A_410, %parallel_loop3A_411] {strides = array<i32>} : memref<64x128xf32, #tpu.memory_space<vmem>>, vector<16xf32>,
        tpu.vector_store %arg11[%parallel_loop3A_410, %parallel_loop3A_411], %parallel_loop3A_409 {strides = array<i32>} : memref<64x128xf32, #tpu.memory_space<vmem>>, vector<16xf32>,
        %parallel_loop3A_413 = arith.subf %parallel_loop3A_279, %parallel_loop3A_337 : vector<16xf32>
        %parallel_loop3A_414 = arith.mulf %parallel_loop3A_413, %parallel_loop3A_384 : vector<16xf32>
        %parallel_loop3A_415 = arith.mulf %parallel_loop3A_414, %get3A_11 : vector<16xf32>
        %parallel_loop3A_416 = arith.addf %parallel_loop3A_415, %get3A_27 : vector<16xf32>
        %parallel_loop3A_417 = arith.index_cast %parallel_loop3A_211 : i32 to index
        %parallel_loop3A_418 = arith.constant 64 : index
        %parallel_loop3A_419 = tpu.vector_load %arg11[%parallel_loop3A_417, %parallel_loop3A_418] {strides = array<i32>} : memref<64x128xf32, #tpu.memory_space<vmem>>, vector<16xf32>,
        tpu.vector_store %arg11[%parallel_loop3A_417, %parallel_loop3A_418], %parallel_loop3A_416 {strides = array<i32>} : memref<64x128xf32, #tpu.memory_space<vmem>>, vector<16xf32>,
        %parallel_loop3A_420 = arith.subf %parallel_loop3A_291, %parallel_loop3A_337 : vector<16xf32>
        %parallel_loop3A_421 = arith.mulf %parallel_loop3A_420, %parallel_loop3A_384 : vector<16xf32>
        %parallel_loop3A_422 = arith.mulf %parallel_loop3A_421, %get3A_13 : vector<16xf32>
        %parallel_loop3A_423 = arith.addf %parallel_loop3A_422, %get3A_29 : vector<16xf32>
        %parallel_loop3A_424 = arith.index_cast %parallel_loop3A_211 : i32 to index
        %parallel_loop3A_425 = arith.constant 80 : index
        %parallel_loop3A_426 = tpu.vector_load %arg11[%parallel_loop3A_424, %parallel_loop3A_425] {strides = array<i32>} : memref<64x128xf32, #tpu.memory_space<vmem>>, vector<16xf32>,
        tpu.vector_store %arg11[%parallel_loop3A_424, %parallel_loop3A_425], %parallel_loop3A_423 {strides = array<i32>} : memref<64x128xf32, #tpu.memory_space<vmem>>, vector<16xf32>,
        %parallel_loop3A_427 = arith.subf %parallel_loop3A_303, %parallel_loop3A_337 : vector<16xf32>
        %parallel_loop3A_428 = arith.mulf %parallel_loop3A_427, %parallel_loop3A_384 : vector<16xf32>
        %parallel_loop3A_429 = arith.mulf %parallel_loop3A_428, %get3A_15 : vector<16xf32>
        %parallel_loop3A_430 = arith.addf %parallel_loop3A_429, %get3A_31 : vector<16xf32>
        %parallel_loop3A_431 = arith.index_cast %parallel_loop3A_211 : i32 to index
        %parallel_loop3A_432 = arith.constant 96 : index
        %parallel_loop3A_433 = tpu.vector_load %arg11[%parallel_loop3A_431, %parallel_loop3A_432] {strides = array<i32>} : memref<64x128xf32, #tpu.memory_space<vmem>>, vector<16xf32>,
        tpu.vector_store %arg11[%parallel_loop3A_431, %parallel_loop3A_432], %parallel_loop3A_430 {strides = array<i32>} : memref<64x128xf32, #tpu.memory_space<vmem>>, vector<16xf32>,
        %parallel_loop3A_434 = arith.subf %parallel_loop3A_315, %parallel_loop3A_337 : vector<16xf32>
        %parallel_loop3A_435 = arith.mulf %parallel_loop3A_434, %parallel_loop3A_384 : vector<16xf32>
        %parallel_loop3A_436 = arith.mulf %parallel_loop3A_435, %get3A_17 : vector<16xf32>
        %parallel_loop3A_437 = arith.addf %parallel_loop3A_436, %get3A_33 : vector<16xf32>
        %parallel_loop3A_438 = arith.index_cast %parallel_loop3A_211 : i32 to index
        %parallel_loop3A_439 = arith.constant 112 : index
        %parallel_loop3A_440 = tpu.vector_load %arg11[%parallel_loop3A_438, %parallel_loop3A_439] {strides = array<i32>} : memref<64x128xf32, #tpu.memory_space<vmem>>, vector<16xf32>,
        tpu.vector_store %arg11[%parallel_loop3A_438, %parallel_loop3A_439], %parallel_loop3A_437 {strides = array<i32>} : memref<64x128xf32, #tpu.memory_space<vmem>>, vector<16xf32>,
      } {sc.loop_unroll_factor = 8 : i64, sc.parallel_access}
      %mul3A_164 = arith.constant 64 : i32
      %mul3A_165 = arith.muli %add3A_152, %mul3A_164 : i32
      %add3A_166 = arith.addi %mul3A_2, %mul3A_165 : i32
      %dma_start3A_167 = arith.constant 0 : i32
      %dma_start3A_168 = tpu.memref_slice %arg7[%add3A_166, %dma_start3A_167] : memref<204800x128xf32, #tpu.memory_space<hbm>> -> memref<64x128xf32, #tpu.memory_space<hbm>>
      %dma_start3A_169 = arith.constant 0 : i32
      %dma_start3A_170 = tpu.memref_slice %arg7[%add3A_166, %dma_start3A_169] : memref<204800x128xf32, #tpu.memory_space<hbm>> -> memref<64x128xf32, #tpu.memory_space<hbm>>
      tpu.enqueue_dma source(%arg11 : memref<64x128xf32, #tpu.memory_space<vmem>>) target(%dma_start3A_170 : memref<64x128xf32, #tpu.memory_space<hbm>>) target_semaphore(%arg19 : memref<!tpu.dma_semaphore, #tpu.memory_space<semaphore_mem>>)
      %add3A_171 = arith.constant 2 : i32
      %add3A_172 = arith.addi %add3A_152, %add3A_171 : i32
      %lt3A = arith.constant 100 : i32
      %lt3A_173 = arith.cmpi slt, %add3A_172, %lt3A : i32
      %convert_element_type3A_174 = arith.extui %lt3A_173 : i1 to i32
      %cond3A_175 = arith.constant 0 : i32
      %cond3A_176 = arith.cmpi ne, %convert_element_type3A_174, %cond3A_175 : i32
      scf.if %cond3A_176 {
        %add3A_211 = arith.constant 2 : i32
        %add3A_212 = arith.addi %add3A_152, %add3A_211 : i32
        %mul3A_213 = arith.constant 64 : i32
        %mul3A_214 = arith.muli %add3A_212, %mul3A_213 : i32
        %add3A_215 = arith.addi %mul3A_2, %mul3A_214 : i32
        %dma_start3A_216 = arith.constant 0 : i32
        %dma_start3A_217 = tpu.memref_slice %arg2[%add3A_215, %dma_start3A_216] : memref<204800x128xf32, #tpu.memory_space<hbm>> -> memref<64x128xf32, #tpu.memory_space<hbm>>
        %dma_start3A_218 = arith.constant 0 : i32
        %dma_start3A_219 = tpu.memref_slice %arg2[%add3A_215, %dma_start3A_218] : memref<204800x128xf32, #tpu.memory_space<hbm>> -> memref<64x128xf32, #tpu.memory_space<hbm>>
        tpu.enqueue_dma source(%dma_start3A_219 : memref<64x128xf32, #tpu.memory_space<hbm>>) target(%arg9 : memref<64x128xf32, #tpu.memory_space<vmem>>) target_semaphore(%arg17 : memref<!tpu.dma_semaphore, #tpu.memory_space<semaphore_mem>>)
      } else {
      }
      %mul3A_177 = arith.constant 2 : i32
      %mul3A_178 = arith.muli %scan3A_147, %mul3A_177 : i32
      %add3A_179 = arith.constant 1 : i32
      %add3A_180 = arith.addi %mul3A_178, %add3A_179 : i32
      %mul3A_181 = arith.constant 64 : i32
      %mul3A_182 = arith.muli %add3A_180, %mul3A_181 : i32
      %add3A_183 = arith.addi %mul3A_2, %mul3A_182 : i32
      %dma_wait3A_184 = arith.constant 0 : i32
      %dma_wait3A_185 = tpu.memref_slice %arg2[%add3A_183, %dma_wait3A_184] : memref<204800x128xf32, #tpu.memory_space<hbm>> -> memref<64x128xf32, #tpu.memory_space<hbm>>
      %dma_wait3A_186 = arith.constant 0 : i32
      %dma_wait3A_187 = tpu.memref_slice %arg2[%add3A_183, %dma_wait3A_186] : memref<204800x128xf32, #tpu.memory_space<hbm>> -> memref<64x128xf32, #tpu.memory_space<hbm>>
      tpu.wait_dma2 semaphore(%arg18 : memref<!tpu.dma_semaphore, #tpu.memory_space<semaphore_mem>>) src(%dma_wait3A_187 : memref<64x128xf32, #tpu.memory_space<hbm>>) dst(%arg10 : memref<64x128xf32, #tpu.memory_space<vmem>>)
      %ge3A_188 = arith.constant 1 : i32
      %ge3A_189 = arith.cmpi sge, %scan3A_147, %ge3A_188 : i32
      %convert_element_type3A_190 = arith.extui %ge3A_189 : i1 to i32
      %cond3A_191 = arith.constant 0 : i32
      %cond3A_192 = arith.cmpi ne, %convert_element_type3A_190, %cond3A_191 : i32
      scf.if %cond3A_192 {
        %sub3A = arith.constant 2 : i32
        %sub3A_211 = arith.subi %add3A_180, %sub3A : i32
        %mul3A_212 = arith.constant 64 : i32
        %mul3A_213 = arith.muli %sub3A_211, %mul3A_212 : i32
        %add3A_214 = arith.addi %mul3A_2, %mul3A_213 : i32
        %dma_wait3A_215 = arith.constant 0 : i32
        %dma_wait3A_216 = tpu.memref_slice %arg7[%add3A_214, %dma_wait3A_215] : memref<204800x128xf32, #tpu.memory_space<hbm>> -> memref<64x128xf32, #tpu.memory_space<hbm>>
        %dma_wait3A_217 = arith.constant 0 : i32
        %dma_wait3A_218 = tpu.memref_slice %arg7[%add3A_214, %dma_wait3A_217] : memref<204800x128xf32, #tpu.memory_space<hbm>> -> memref<64x128xf32, #tpu.memory_space<hbm>>
        tpu.wait_dma2 semaphore(%arg20 : memref<!tpu.dma_semaphore, #tpu.memory_space<semaphore_mem>>) src(%arg12 : memref<64x128xf32, #tpu.memory_space<vmem>>) dst(%dma_wait3A_218 : memref<64x128xf32, #tpu.memory_space<hbm>>)
      } else {
      }
      %parallel_loop3A_193 = arith.constant 0 : i32
      %parallel_loop3A_194 = arith.constant 64 : i32
      %parallel_loop3A_195 = arith.constant 1 : i32
      scf.for %parallel_loop3A_211 = %parallel_loop3A_193 to %parallel_loop3A_194 step %parallel_loop3A_195  : i32 {
        %parallel_loop3A_212 = arith.constant 64 : i32
        %parallel_loop3A_213 = arith.muli %add3A_180, %parallel_loop3A_212 : i32
        %parallel_loop3A_214 = arith.addi %parallel_loop3A_213, %parallel_loop3A_211 : i32
        %parallel_loop3A_215 = arith.constant 200 : i32
        %parallel_loop3A_216 = arith.remsi %parallel_loop3A_214, %parallel_loop3A_215 : i32
        %parallel_loop3A_217 = vector.broadcast %parallel_loop3A_214 : i32 to vector<16xi32>
        %parallel_loop3A_218 = tpu.vector_load_idx %arg13[%parallel_loop3A_217] : memref<6400xf32, #tpu.memory_space<vmem>>[vector<16xi32>], vector<16xf32>,
        %parallel_loop3A_219 = arith.constant 0.000000e+00 : f32
        %parallel_loop3A_220 = vector.broadcast %parallel_loop3A_219 : f32 to vector<16xf32>
        %parallel_loop3A_221 = arith.constant 0.000000e+00 : f32
        %parallel_loop3A_222 = vector.broadcast %parallel_loop3A_221 : f32 to vector<16xf32>
        %parallel_loop3A_223 = arith.index_cast %parallel_loop3A_211 : i32 to index
        %parallel_loop3A_224 = arith.constant 0 : index
        %parallel_loop3A_225 = tpu.vector_load %arg10[%parallel_loop3A_223, %parallel_loop3A_224] {strides = array<i32>} : memref<64x128xf32, #tpu.memory_space<vmem>>, vector<16xf32>,
        %parallel_loop3A_226 = arith.index_cast %parallel_loop3A_216 : i32 to index
        %parallel_loop3A_227 = arith.constant 0 : index
        %parallel_loop3A_228 = tpu.vector_load %arg8[%parallel_loop3A_226, %parallel_loop3A_227] {strides = array<i32>} : memref<200x128xf32, #tpu.memory_space<vmem>>, vector<16xf32>,
        %parallel_loop3A_229 = arith.addf %parallel_loop3A_225, %get3A_37 : vector<16xf32>
        %parallel_loop3A_230 = arith.mulf %parallel_loop3A_218, %parallel_loop3A_228 : vector<16xf32>
        %parallel_loop3A_231 = arith.addf %parallel_loop3A_229, %parallel_loop3A_230 : vector<16xf32>
        %parallel_loop3A_232 = arith.addf %parallel_loop3A_220, %parallel_loop3A_231 : vector<16xf32>
        %parallel_loop3A_233 = arith.mulf %parallel_loop3A_231, %parallel_loop3A_231 : vector<16xf32>
        %parallel_loop3A_234 = arith.addf %parallel_loop3A_222, %parallel_loop3A_233 : vector<16xf32>
        %parallel_loop3A_235 = arith.index_cast %parallel_loop3A_211 : i32 to index
        %parallel_loop3A_236 = arith.constant 16 : index
        %parallel_loop3A_237 = tpu.vector_load %arg10[%parallel_loop3A_235, %parallel_loop3A_236] {strides = array<i32>} : memref<64x128xf32, #tpu.memory_space<vmem>>, vector<16xf32>,
        %parallel_loop3A_238 = arith.index_cast %parallel_loop3A_216 : i32 to index
        %parallel_loop3A_239 = arith.constant 16 : index
        %parallel_loop3A_240 = tpu.vector_load %arg8[%parallel_loop3A_238, %parallel_loop3A_239] {strides = array<i32>} : memref<200x128xf32, #tpu.memory_space<vmem>>, vector<16xf32>,
        %parallel_loop3A_241 = arith.addf %parallel_loop3A_237, %get3A_41 : vector<16xf32>
        %parallel_loop3A_242 = arith.mulf %parallel_loop3A_218, %parallel_loop3A_240 : vector<16xf32>
        %parallel_loop3A_243 = arith.addf %parallel_loop3A_241, %parallel_loop3A_242 : vector<16xf32>
        %parallel_loop3A_244 = arith.addf %parallel_loop3A_232, %parallel_loop3A_243 : vector<16xf32>
        %parallel_loop3A_245 = arith.mulf %parallel_loop3A_243, %parallel_loop3A_243 : vector<16xf32>
        %parallel_loop3A_246 = arith.addf %parallel_loop3A_234, %parallel_loop3A_245 : vector<16xf32>
        %parallel_loop3A_247 = arith.index_cast %parallel_loop3A_211 : i32 to index
        %parallel_loop3A_248 = arith.constant 32 : index
        %parallel_loop3A_249 = tpu.vector_load %arg10[%parallel_loop3A_247, %parallel_loop3A_248] {strides = array<i32>} : memref<64x128xf32, #tpu.memory_space<vmem>>, vector<16xf32>,
        %parallel_loop3A_250 = arith.index_cast %parallel_loop3A_216 : i32 to index
        %parallel_loop3A_251 = arith.constant 32 : index
        %parallel_loop3A_252 = tpu.vector_load %arg8[%parallel_loop3A_250, %parallel_loop3A_251] {strides = array<i32>} : memref<200x128xf32, #tpu.memory_space<vmem>>, vector<16xf32>,
        %parallel_loop3A_253 = arith.addf %parallel_loop3A_249, %get3A_45 : vector<16xf32>
        %parallel_loop3A_254 = arith.mulf %parallel_loop3A_218, %parallel_loop3A_252 : vector<16xf32>
        %parallel_loop3A_255 = arith.addf %parallel_loop3A_253, %parallel_loop3A_254 : vector<16xf32>
        %parallel_loop3A_256 = arith.addf %parallel_loop3A_244, %parallel_loop3A_255 : vector<16xf32>
        %parallel_loop3A_257 = arith.mulf %parallel_loop3A_255, %parallel_loop3A_255 : vector<16xf32>
        %parallel_loop3A_258 = arith.addf %parallel_loop3A_246, %parallel_loop3A_257 : vector<16xf32>
        %parallel_loop3A_259 = arith.index_cast %parallel_loop3A_211 : i32 to index
        %parallel_loop3A_260 = arith.constant 48 : index
        %parallel_loop3A_261 = tpu.vector_load %arg10[%parallel_loop3A_259, %parallel_loop3A_260] {strides = array<i32>} : memref<64x128xf32, #tpu.memory_space<vmem>>, vector<16xf32>,
        %parallel_loop3A_262 = arith.index_cast %parallel_loop3A_216 : i32 to index
        %parallel_loop3A_263 = arith.constant 48 : index
        %parallel_loop3A_264 = tpu.vector_load %arg8[%parallel_loop3A_262, %parallel_loop3A_263] {strides = array<i32>} : memref<200x128xf32, #tpu.memory_space<vmem>>, vector<16xf32>,
        %parallel_loop3A_265 = arith.addf %parallel_loop3A_261, %get3A_49 : vector<16xf32>
        %parallel_loop3A_266 = arith.mulf %parallel_loop3A_218, %parallel_loop3A_264 : vector<16xf32>
        %parallel_loop3A_267 = arith.addf %parallel_loop3A_265, %parallel_loop3A_266 : vector<16xf32>
        %parallel_loop3A_268 = arith.addf %parallel_loop3A_256, %parallel_loop3A_267 : vector<16xf32>
        %parallel_loop3A_269 = arith.mulf %parallel_loop3A_267, %parallel_loop3A_267 : vector<16xf32>
        %parallel_loop3A_270 = arith.addf %parallel_loop3A_258, %parallel_loop3A_269 : vector<16xf32>
        %parallel_loop3A_271 = arith.index_cast %parallel_loop3A_211 : i32 to index
        %parallel_loop3A_272 = arith.constant 64 : index
        %parallel_loop3A_273 = tpu.vector_load %arg10[%parallel_loop3A_271, %parallel_loop3A_272] {strides = array<i32>} : memref<64x128xf32, #tpu.memory_space<vmem>>, vector<16xf32>,
        %parallel_loop3A_274 = arith.index_cast %parallel_loop3A_216 : i32 to index
        %parallel_loop3A_275 = arith.constant 64 : index
        %parallel_loop3A_276 = tpu.vector_load %arg8[%parallel_loop3A_274, %parallel_loop3A_275] {strides = array<i32>} : memref<200x128xf32, #tpu.memory_space<vmem>>, vector<16xf32>,
        %parallel_loop3A_277 = arith.addf %parallel_loop3A_273, %get3A_53 : vector<16xf32>
        %parallel_loop3A_278 = arith.mulf %parallel_loop3A_218, %parallel_loop3A_276 : vector<16xf32>
        %parallel_loop3A_279 = arith.addf %parallel_loop3A_277, %parallel_loop3A_278 : vector<16xf32>
        %parallel_loop3A_280 = arith.addf %parallel_loop3A_268, %parallel_loop3A_279 : vector<16xf32>
        %parallel_loop3A_281 = arith.mulf %parallel_loop3A_279, %parallel_loop3A_279 : vector<16xf32>
        %parallel_loop3A_282 = arith.addf %parallel_loop3A_270, %parallel_loop3A_281 : vector<16xf32>
        %parallel_loop3A_283 = arith.index_cast %parallel_loop3A_211 : i32 to index
        %parallel_loop3A_284 = arith.constant 80 : index
        %parallel_loop3A_285 = tpu.vector_load %arg10[%parallel_loop3A_283, %parallel_loop3A_284] {strides = array<i32>} : memref<64x128xf32, #tpu.memory_space<vmem>>, vector<16xf32>,
        %parallel_loop3A_286 = arith.index_cast %parallel_loop3A_216 : i32 to index
        %parallel_loop3A_287 = arith.constant 80 : index
        %parallel_loop3A_288 = tpu.vector_load %arg8[%parallel_loop3A_286, %parallel_loop3A_287] {strides = array<i32>} : memref<200x128xf32, #tpu.memory_space<vmem>>, vector<16xf32>,
        %parallel_loop3A_289 = arith.addf %parallel_loop3A_285, %get3A_57 : vector<16xf32>
        %parallel_loop3A_290 = arith.mulf %parallel_loop3A_218, %parallel_loop3A_288 : vector<16xf32>
        %parallel_loop3A_291 = arith.addf %parallel_loop3A_289, %parallel_loop3A_290 : vector<16xf32>
        %parallel_loop3A_292 = arith.addf %parallel_loop3A_280, %parallel_loop3A_291 : vector<16xf32>
        %parallel_loop3A_293 = arith.mulf %parallel_loop3A_291, %parallel_loop3A_291 : vector<16xf32>
        %parallel_loop3A_294 = arith.addf %parallel_loop3A_282, %parallel_loop3A_293 : vector<16xf32>
        %parallel_loop3A_295 = arith.index_cast %parallel_loop3A_211 : i32 to index
        %parallel_loop3A_296 = arith.constant 96 : index
        %parallel_loop3A_297 = tpu.vector_load %arg10[%parallel_loop3A_295, %parallel_loop3A_296] {strides = array<i32>} : memref<64x128xf32, #tpu.memory_space<vmem>>, vector<16xf32>,
        %parallel_loop3A_298 = arith.index_cast %parallel_loop3A_216 : i32 to index
        %parallel_loop3A_299 = arith.constant 96 : index
        %parallel_loop3A_300 = tpu.vector_load %arg8[%parallel_loop3A_298, %parallel_loop3A_299] {strides = array<i32>} : memref<200x128xf32, #tpu.memory_space<vmem>>, vector<16xf32>,
        %parallel_loop3A_301 = arith.addf %parallel_loop3A_297, %get3A_61 : vector<16xf32>
        %parallel_loop3A_302 = arith.mulf %parallel_loop3A_218, %parallel_loop3A_300 : vector<16xf32>
        %parallel_loop3A_303 = arith.addf %parallel_loop3A_301, %parallel_loop3A_302 : vector<16xf32>
        %parallel_loop3A_304 = arith.addf %parallel_loop3A_292, %parallel_loop3A_303 : vector<16xf32>
        %parallel_loop3A_305 = arith.mulf %parallel_loop3A_303, %parallel_loop3A_303 : vector<16xf32>
        %parallel_loop3A_306 = arith.addf %parallel_loop3A_294, %parallel_loop3A_305 : vector<16xf32>
        %parallel_loop3A_307 = arith.index_cast %parallel_loop3A_211 : i32 to index
        %parallel_loop3A_308 = arith.constant 112 : index
        %parallel_loop3A_309 = tpu.vector_load %arg10[%parallel_loop3A_307, %parallel_loop3A_308] {strides = array<i32>} : memref<64x128xf32, #tpu.memory_space<vmem>>, vector<16xf32>,
        %parallel_loop3A_310 = arith.index_cast %parallel_loop3A_216 : i32 to index
        %parallel_loop3A_311 = arith.constant 112 : index
        %parallel_loop3A_312 = tpu.vector_load %arg8[%parallel_loop3A_310, %parallel_loop3A_311] {strides = array<i32>} : memref<200x128xf32, #tpu.memory_space<vmem>>, vector<16xf32>,
        %parallel_loop3A_313 = arith.addf %parallel_loop3A_309, %get3A_65 : vector<16xf32>
        %parallel_loop3A_314 = arith.mulf %parallel_loop3A_218, %parallel_loop3A_312 : vector<16xf32>
        %parallel_loop3A_315 = arith.addf %parallel_loop3A_313, %parallel_loop3A_314 : vector<16xf32>
        %parallel_loop3A_316 = arith.addf %parallel_loop3A_304, %parallel_loop3A_315 : vector<16xf32>
        %parallel_loop3A_317 = arith.mulf %parallel_loop3A_315, %parallel_loop3A_315 : vector<16xf32>
        %parallel_loop3A_318 = arith.addf %parallel_loop3A_306, %parallel_loop3A_317 : vector<16xf32>
        %parallel_loop3A_319 = arith.constant true
        %parallel_loop3A_320 = vector.broadcast %parallel_loop3A_319 : i1 to vector<16xi1>
        %parallel_loop3A_321 = tpu.scan <sum>, %parallel_loop3A_316 masked %parallel_loop3A_320 : vector<16xf32>, vector<16xi1> -> vector<16xf32>
        %parallel_loop3A_322 = arith.index_cast %parallel_loop3A_211 : i32 to index
        %parallel_loop3A_323 = arith.constant 0 : index
        %parallel_loop3A_324 = tpu.vector_load %arg16[%parallel_loop3A_322, %parallel_loop3A_323] {strides = array<i32>} : memref<64x32xf32, #tpu.memory_space<vmem>>, vector<16xf32>,
        tpu.vector_store %arg16[%parallel_loop3A_322, %parallel_loop3A_323], %parallel_loop3A_321 {strides = array<i32>} : memref<64x32xf32, #tpu.memory_space<vmem>>, vector<16xf32>,
        %parallel_loop3A_325 = arith.constant true
        %parallel_loop3A_326 = vector.broadcast %parallel_loop3A_325 : i1 to vector<16xi1>
        %parallel_loop3A_327 = tpu.scan <sum>, %parallel_loop3A_318 masked %parallel_loop3A_326 : vector<16xf32>, vector<16xi1> -> vector<16xf32>
        %parallel_loop3A_328 = arith.index_cast %parallel_loop3A_211 : i32 to index
        %parallel_loop3A_329 = arith.constant 16 : index
        %parallel_loop3A_330 = tpu.vector_load %arg16[%parallel_loop3A_328, %parallel_loop3A_329] {strides = array<i32>} : memref<64x32xf32, #tpu.memory_space<vmem>>, vector<16xf32>,
        tpu.vector_store %arg16[%parallel_loop3A_328, %parallel_loop3A_329], %parallel_loop3A_327 {strides = array<i32>} : memref<64x32xf32, #tpu.memory_space<vmem>>, vector<16xf32>,
        %parallel_loop3A_331 = vector.broadcast %parallel_loop3A_211 : i32 to vector<16xi32>
        %parallel_loop3A_332 = arith.constant 15 : i32
        %parallel_loop3A_333 = vector.broadcast %parallel_loop3A_332 : i32 to vector<16xi32>
        %parallel_loop3A_334 = tpu.vector_load_idx %arg16[%parallel_loop3A_331, %parallel_loop3A_333] : memref<64x32xf32, #tpu.memory_space<vmem>>[vector<16xi32>, vector<16xi32>], vector<16xf32>,
        %parallel_loop3A_335 = arith.constant 7.812500e-03 : f32
        %parallel_loop3A_336 = vector.broadcast %parallel_loop3A_335 : f32 to vector<16xf32>
        %parallel_loop3A_337 = arith.mulf %parallel_loop3A_334, %parallel_loop3A_336 : vector<16xf32>
        %parallel_loop3A_338 = vector.broadcast %parallel_loop3A_211 : i32 to vector<16xi32>
        %parallel_loop3A_339 = arith.constant 31 : i32
        %parallel_loop3A_340 = vector.broadcast %parallel_loop3A_339 : i32 to vector<16xi32>
        %parallel_loop3A_341 = tpu.vector_load_idx %arg16[%parallel_loop3A_338, %parallel_loop3A_340] : memref<64x32xf32, #tpu.memory_space<vmem>>[vector<16xi32>, vector<16xi32>], vector<16xf32>,
        %parallel_loop3A_342 = arith.constant 7.812500e-03 : f32
        %parallel_loop3A_343 = vector.broadcast %parallel_loop3A_342 : f32 to vector<16xf32>
        %parallel_loop3A_344 = arith.mulf %parallel_loop3A_341, %parallel_loop3A_343 : vector<16xf32>
        %parallel_loop3A_345 = arith.mulf %parallel_loop3A_337, %parallel_loop3A_337 : vector<16xf32>
        %parallel_loop3A_346 = arith.subf %parallel_loop3A_344, %parallel_loop3A_345 : vector<16xf32>
        %parallel_loop3A_347 = arith.constant 9.99999996E-13 : f32
        %parallel_loop3A_348 = vector.broadcast %parallel_loop3A_347 : f32 to vector<16xf32>
        %parallel_loop3A_349 = arith.addf %parallel_loop3A_346, %parallel_loop3A_348 : vector<16xf32>
        %parallel_loop3A_350 = tpu.bitcast %parallel_loop3A_349 : vector<16xf32> -> vector<16xi32>
        %parallel_loop3A_351 = arith.constant 1 : i32
        %parallel_loop3A_352 = vector.broadcast %parallel_loop3A_351 : i32 to vector<16xi32>
        %parallel_loop3A_353 = arith.shrsi %parallel_loop3A_350, %parallel_loop3A_352 : vector<16xi32>
        %parallel_loop3A_354 = arith.constant 1597463007 : i32
        %parallel_loop3A_355 = vector.broadcast %parallel_loop3A_354 : i32 to vector<16xi32>
        %parallel_loop3A_356 = arith.subi %parallel_loop3A_355, %parallel_loop3A_353 : vector<16xi32>
        %parallel_loop3A_357 = tpu.bitcast %parallel_loop3A_356 : vector<16xi32> -> vector<16xf32>
        %parallel_loop3A_358 = arith.constant 5.000000e-01 : f32
        %parallel_loop3A_359 = vector.broadcast %parallel_loop3A_358 : f32 to vector<16xf32>
        %parallel_loop3A_360 = arith.mulf %parallel_loop3A_359, %parallel_loop3A_349 : vector<16xf32>
        %parallel_loop3A_361 = arith.mulf %parallel_loop3A_360, %parallel_loop3A_357 : vector<16xf32>
        %parallel_loop3A_362 = arith.mulf %parallel_loop3A_361, %parallel_loop3A_357 : vector<16xf32>
        %parallel_loop3A_363 = arith.constant 1.500000e+00 : f32
        %parallel_loop3A_364 = vector.broadcast %parallel_loop3A_363 : f32 to vector<16xf32>
        %parallel_loop3A_365 = arith.subf %parallel_loop3A_364, %parallel_loop3A_362 : vector<16xf32>
        %parallel_loop3A_366 = arith.mulf %parallel_loop3A_357, %parallel_loop3A_365 : vector<16xf32>
        %parallel_loop3A_367 = arith.constant 5.000000e-01 : f32
        %parallel_loop3A_368 = vector.broadcast %parallel_loop3A_367 : f32 to vector<16xf32>
        %parallel_loop3A_369 = arith.mulf %parallel_loop3A_368, %parallel_loop3A_349 : vector<16xf32>
        %parallel_loop3A_370 = arith.mulf %parallel_loop3A_369, %parallel_loop3A_366 : vector<16xf32>
        %parallel_loop3A_371 = arith.mulf %parallel_loop3A_370, %parallel_loop3A_366 : vector<16xf32>
        %parallel_loop3A_372 = arith.constant 1.500000e+00 : f32
        %parallel_loop3A_373 = vector.broadcast %parallel_loop3A_372 : f32 to vector<16xf32>
        %parallel_loop3A_374 = arith.subf %parallel_loop3A_373, %parallel_loop3A_371 : vector<16xf32>
        %parallel_loop3A_375 = arith.mulf %parallel_loop3A_366, %parallel_loop3A_374 : vector<16xf32>
        %parallel_loop3A_376 = arith.constant 5.000000e-01 : f32
        %parallel_loop3A_377 = vector.broadcast %parallel_loop3A_376 : f32 to vector<16xf32>
        %parallel_loop3A_378 = arith.mulf %parallel_loop3A_377, %parallel_loop3A_349 : vector<16xf32>
        %parallel_loop3A_379 = arith.mulf %parallel_loop3A_378, %parallel_loop3A_375 : vector<16xf32>
        %parallel_loop3A_380 = arith.mulf %parallel_loop3A_379, %parallel_loop3A_375 : vector<16xf32>
        %parallel_loop3A_381 = arith.constant 1.500000e+00 : f32
        %parallel_loop3A_382 = vector.broadcast %parallel_loop3A_381 : f32 to vector<16xf32>
        %parallel_loop3A_383 = arith.subf %parallel_loop3A_382, %parallel_loop3A_380 : vector<16xf32>
        %parallel_loop3A_384 = arith.mulf %parallel_loop3A_375, %parallel_loop3A_383 : vector<16xf32>
        %parallel_loop3A_385 = arith.subf %parallel_loop3A_231, %parallel_loop3A_337 : vector<16xf32>
        %parallel_loop3A_386 = arith.mulf %parallel_loop3A_385, %parallel_loop3A_384 : vector<16xf32>
        %parallel_loop3A_387 = arith.mulf %parallel_loop3A_386, %get3A_3 : vector<16xf32>
        %parallel_loop3A_388 = arith.addf %parallel_loop3A_387, %get3A_19 : vector<16xf32>
        %parallel_loop3A_389 = arith.index_cast %parallel_loop3A_211 : i32 to index
        %parallel_loop3A_390 = arith.constant 0 : index
        %parallel_loop3A_391 = tpu.vector_load %arg12[%parallel_loop3A_389, %parallel_loop3A_390] {strides = array<i32>} : memref<64x128xf32, #tpu.memory_space<vmem>>, vector<16xf32>,
        tpu.vector_store %arg12[%parallel_loop3A_389, %parallel_loop3A_390], %parallel_loop3A_388 {strides = array<i32>} : memref<64x128xf32, #tpu.memory_space<vmem>>, vector<16xf32>,
        %parallel_loop3A_392 = arith.subf %parallel_loop3A_243, %parallel_loop3A_337 : vector<16xf32>
        %parallel_loop3A_393 = arith.mulf %parallel_loop3A_392, %parallel_loop3A_384 : vector<16xf32>
        %parallel_loop3A_394 = arith.mulf %parallel_loop3A_393, %get3A_5 : vector<16xf32>
        %parallel_loop3A_395 = arith.addf %parallel_loop3A_394, %get3A_21 : vector<16xf32>
        %parallel_loop3A_396 = arith.index_cast %parallel_loop3A_211 : i32 to index
        %parallel_loop3A_397 = arith.constant 16 : index
        %parallel_loop3A_398 = tpu.vector_load %arg12[%parallel_loop3A_396, %parallel_loop3A_397] {strides = array<i32>} : memref<64x128xf32, #tpu.memory_space<vmem>>, vector<16xf32>,
        tpu.vector_store %arg12[%parallel_loop3A_396, %parallel_loop3A_397], %parallel_loop3A_395 {strides = array<i32>} : memref<64x128xf32, #tpu.memory_space<vmem>>, vector<16xf32>,
        %parallel_loop3A_399 = arith.subf %parallel_loop3A_255, %parallel_loop3A_337 : vector<16xf32>
        %parallel_loop3A_400 = arith.mulf %parallel_loop3A_399, %parallel_loop3A_384 : vector<16xf32>
        %parallel_loop3A_401 = arith.mulf %parallel_loop3A_400, %get3A_7 : vector<16xf32>
        %parallel_loop3A_402 = arith.addf %parallel_loop3A_401, %get3A_23 : vector<16xf32>
        %parallel_loop3A_403 = arith.index_cast %parallel_loop3A_211 : i32 to index
        %parallel_loop3A_404 = arith.constant 32 : index
        %parallel_loop3A_405 = tpu.vector_load %arg12[%parallel_loop3A_403, %parallel_loop3A_404] {strides = array<i32>} : memref<64x128xf32, #tpu.memory_space<vmem>>, vector<16xf32>,
        tpu.vector_store %arg12[%parallel_loop3A_403, %parallel_loop3A_404], %parallel_loop3A_402 {strides = array<i32>} : memref<64x128xf32, #tpu.memory_space<vmem>>, vector<16xf32>,
        %parallel_loop3A_406 = arith.subf %parallel_loop3A_267, %parallel_loop3A_337 : vector<16xf32>
        %parallel_loop3A_407 = arith.mulf %parallel_loop3A_406, %parallel_loop3A_384 : vector<16xf32>
        %parallel_loop3A_408 = arith.mulf %parallel_loop3A_407, %get3A_9 : vector<16xf32>
        %parallel_loop3A_409 = arith.addf %parallel_loop3A_408, %get3A_25 : vector<16xf32>
        %parallel_loop3A_410 = arith.index_cast %parallel_loop3A_211 : i32 to index
        %parallel_loop3A_411 = arith.constant 48 : index
        %parallel_loop3A_412 = tpu.vector_load %arg12[%parallel_loop3A_410, %parallel_loop3A_411] {strides = array<i32>} : memref<64x128xf32, #tpu.memory_space<vmem>>, vector<16xf32>,
        tpu.vector_store %arg12[%parallel_loop3A_410, %parallel_loop3A_411], %parallel_loop3A_409 {strides = array<i32>} : memref<64x128xf32, #tpu.memory_space<vmem>>, vector<16xf32>,
        %parallel_loop3A_413 = arith.subf %parallel_loop3A_279, %parallel_loop3A_337 : vector<16xf32>
        %parallel_loop3A_414 = arith.mulf %parallel_loop3A_413, %parallel_loop3A_384 : vector<16xf32>
        %parallel_loop3A_415 = arith.mulf %parallel_loop3A_414, %get3A_11 : vector<16xf32>
        %parallel_loop3A_416 = arith.addf %parallel_loop3A_415, %get3A_27 : vector<16xf32>
        %parallel_loop3A_417 = arith.index_cast %parallel_loop3A_211 : i32 to index
        %parallel_loop3A_418 = arith.constant 64 : index
        %parallel_loop3A_419 = tpu.vector_load %arg12[%parallel_loop3A_417, %parallel_loop3A_418] {strides = array<i32>} : memref<64x128xf32, #tpu.memory_space<vmem>>, vector<16xf32>,
        tpu.vector_store %arg12[%parallel_loop3A_417, %parallel_loop3A_418], %parallel_loop3A_416 {strides = array<i32>} : memref<64x128xf32, #tpu.memory_space<vmem>>, vector<16xf32>,
        %parallel_loop3A_420 = arith.subf %parallel_loop3A_291, %parallel_loop3A_337 : vector<16xf32>
        %parallel_loop3A_421 = arith.mulf %parallel_loop3A_420, %parallel_loop3A_384 : vector<16xf32>
        %parallel_loop3A_422 = arith.mulf %parallel_loop3A_421, %get3A_13 : vector<16xf32>
        %parallel_loop3A_423 = arith.addf %parallel_loop3A_422, %get3A_29 : vector<16xf32>
        %parallel_loop3A_424 = arith.index_cast %parallel_loop3A_211 : i32 to index
        %parallel_loop3A_425 = arith.constant 80 : index
        %parallel_loop3A_426 = tpu.vector_load %arg12[%parallel_loop3A_424, %parallel_loop3A_425] {strides = array<i32>} : memref<64x128xf32, #tpu.memory_space<vmem>>, vector<16xf32>,
        tpu.vector_store %arg12[%parallel_loop3A_424, %parallel_loop3A_425], %parallel_loop3A_423 {strides = array<i32>} : memref<64x128xf32, #tpu.memory_space<vmem>>, vector<16xf32>,
        %parallel_loop3A_427 = arith.subf %parallel_loop3A_303, %parallel_loop3A_337 : vector<16xf32>
        %parallel_loop3A_428 = arith.mulf %parallel_loop3A_427, %parallel_loop3A_384 : vector<16xf32>
        %parallel_loop3A_429 = arith.mulf %parallel_loop3A_428, %get3A_15 : vector<16xf32>
        %parallel_loop3A_430 = arith.addf %parallel_loop3A_429, %get3A_31 : vector<16xf32>
        %parallel_loop3A_431 = arith.index_cast %parallel_loop3A_211 : i32 to index
        %parallel_loop3A_432 = arith.constant 96 : index
        %parallel_loop3A_433 = tpu.vector_load %arg12[%parallel_loop3A_431, %parallel_loop3A_432] {strides = array<i32>} : memref<64x128xf32, #tpu.memory_space<vmem>>, vector<16xf32>,
        tpu.vector_store %arg12[%parallel_loop3A_431, %parallel_loop3A_432], %parallel_loop3A_430 {strides = array<i32>} : memref<64x128xf32, #tpu.memory_space<vmem>>, vector<16xf32>,
        %parallel_loop3A_434 = arith.subf %parallel_loop3A_315, %parallel_loop3A_337 : vector<16xf32>
        %parallel_loop3A_435 = arith.mulf %parallel_loop3A_434, %parallel_loop3A_384 : vector<16xf32>
        %parallel_loop3A_436 = arith.mulf %parallel_loop3A_435, %get3A_17 : vector<16xf32>
        %parallel_loop3A_437 = arith.addf %parallel_loop3A_436, %get3A_33 : vector<16xf32>
        %parallel_loop3A_438 = arith.index_cast %parallel_loop3A_211 : i32 to index
        %parallel_loop3A_439 = arith.constant 112 : index
        %parallel_loop3A_440 = tpu.vector_load %arg12[%parallel_loop3A_438, %parallel_loop3A_439] {strides = array<i32>} : memref<64x128xf32, #tpu.memory_space<vmem>>, vector<16xf32>,
        tpu.vector_store %arg12[%parallel_loop3A_438, %parallel_loop3A_439], %parallel_loop3A_437 {strides = array<i32>} : memref<64x128xf32, #tpu.memory_space<vmem>>, vector<16xf32>,
      } {sc.loop_unroll_factor = 8 : i64, sc.parallel_access}
      %mul3A_196 = arith.constant 64 : i32
      %mul3A_197 = arith.muli %add3A_180, %mul3A_196 : i32
      %add3A_198 = arith.addi %mul3A_2, %mul3A_197 : i32
      %dma_start3A_199 = arith.constant 0 : i32
      %dma_start3A_200 = tpu.memref_slice %arg7[%add3A_198, %dma_start3A_199] : memref<204800x128xf32, #tpu.memory_space<hbm>> -> memref<64x128xf32, #tpu.memory_space<hbm>>
      %dma_start3A_201 = arith.constant 0 : i32
      %dma_start3A_202 = tpu.memref_slice %arg7[%add3A_198, %dma_start3A_201] : memref<204800x128xf32, #tpu.memory_space<hbm>> -> memref<64x128xf32, #tpu.memory_space<hbm>>
      tpu.enqueue_dma source(%arg12 : memref<64x128xf32, #tpu.memory_space<vmem>>) target(%dma_start3A_202 : memref<64x128xf32, #tpu.memory_space<hbm>>) target_semaphore(%arg20 : memref<!tpu.dma_semaphore, #tpu.memory_space<semaphore_mem>>)
      %add3A_203 = arith.constant 2 : i32
      %add3A_204 = arith.addi %add3A_180, %add3A_203 : i32
      %lt3A_205 = arith.constant 100 : i32
      %lt3A_206 = arith.cmpi slt, %add3A_204, %lt3A_205 : i32
      %convert_element_type3A_207 = arith.extui %lt3A_206 : i1 to i32
      %cond3A_208 = arith.constant 0 : i32
      %cond3A_209 = arith.cmpi ne, %convert_element_type3A_207, %cond3A_208 : i32
      scf.if %cond3A_209 {
        %add3A_211 = arith.constant 2 : i32
        %add3A_212 = arith.addi %add3A_180, %add3A_211 : i32
        %mul3A_213 = arith.constant 64 : i32
        %mul3A_214 = arith.muli %add3A_212, %mul3A_213 : i32
        %add3A_215 = arith.addi %mul3A_2, %mul3A_214 : i32
        %dma_start3A_216 = arith.constant 0 : i32
        %dma_start3A_217 = tpu.memref_slice %arg2[%add3A_215, %dma_start3A_216] : memref<204800x128xf32, #tpu.memory_space<hbm>> -> memref<64x128xf32, #tpu.memory_space<hbm>>
        %dma_start3A_218 = arith.constant 0 : i32
        %dma_start3A_219 = tpu.memref_slice %arg2[%add3A_215, %dma_start3A_218] : memref<204800x128xf32, #tpu.memory_space<hbm>> -> memref<64x128xf32, #tpu.memory_space<hbm>>
        tpu.enqueue_dma source(%dma_start3A_219 : memref<64x128xf32, #tpu.memory_space<hbm>>) target(%arg10 : memref<64x128xf32, #tpu.memory_space<vmem>>) target_semaphore(%arg18 : memref<!tpu.dma_semaphore, #tpu.memory_space<semaphore_mem>>)
      } else {
      }
      %scan3A_210 = arith.constant 0 : i32
      scf.yield %scan3A_210 : i32
    }
    %scan3A_135 = arith.constant 50 : i32
    %add3A_136 = arith.constant 6272 : i32
    %add3A_137 = arith.addi %mul3A_2, %add3A_136 : i32
    %dma_wait3A = arith.constant 0 : i32
    %dma_wait3A_138 = tpu.memref_slice %arg7[%add3A_137, %dma_wait3A] : memref<204800x128xf32, #tpu.memory_space<hbm>> -> memref<64x128xf32, #tpu.memory_space<hbm>>
    %dma_wait3A_139 = arith.constant 0 : i32
    %dma_wait3A_140 = tpu.memref_slice %arg7[%add3A_137, %dma_wait3A_139] : memref<204800x128xf32, #tpu.memory_space<hbm>> -> memref<64x128xf32, #tpu.memory_space<hbm>>
    tpu.wait_dma2 semaphore(%arg19 : memref<!tpu.dma_semaphore, #tpu.memory_space<semaphore_mem>>) src(%arg11 : memref<64x128xf32, #tpu.memory_space<vmem>>) dst(%dma_wait3A_140 : memref<64x128xf32, #tpu.memory_space<hbm>>)
    %add3A_141 = arith.constant 6336 : i32
    %add3A_142 = arith.addi %mul3A_2, %add3A_141 : i32
    %dma_wait3A_143 = arith.constant 0 : i32
    %dma_wait3A_144 = tpu.memref_slice %arg7[%add3A_142, %dma_wait3A_143] : memref<204800x128xf32, #tpu.memory_space<hbm>> -> memref<64x128xf32, #tpu.memory_space<hbm>>
    %dma_wait3A_145 = arith.constant 0 : i32
    %dma_wait3A_146 = tpu.memref_slice %arg7[%add3A_142, %dma_wait3A_145] : memref<204800x128xf32, #tpu.memory_space<hbm>> -> memref<64x128xf32, #tpu.memory_space<hbm>>
    tpu.wait_dma2 semaphore(%arg20 : memref<!tpu.dma_semaphore, #tpu.memory_space<semaphore_mem>>) src(%arg12 : memref<64x128xf32, #tpu.memory_space<vmem>>) dst(%dma_wait3A_146 : memref<64x128xf32, #tpu.memory_space<hbm>>)
    return
  }
}

</mosaic_0001>

<sc_bundles>
// kernel: _sc_kernel.3.cloned.1.call-start
scs
__scs_entry_jumppad:
0x0: {  	(pc) =	sbr.rel $0x88, $3  }
0x1: {  	(tag) =	ssettag $0x0;
	lr =	simm.s32 $0x1  }
0x2: {  	[smem:$0x3F9C] =	sst lr;
	_ =	strace $0xD0000000  }
0x3: {  	_ = 	snop  }
0x4: {  	_ = 	snop  }
0x5: {  	_ = 	snop  }
0x6: {  	_ = 	snop  }
0x7: {  	_ = 	snop  }
__scs_overlays_trampoline_lowered:
0x8: {  	[smem:$0x3FAB] =	sst s0  }
0x9: {  	[smem:$0x3FAC] =	sst s1  }
0xa: {  	[smem:$0x3FAD] =	sst s2  }
0xb: {  	[smem:$0x3FAE] =	sst s3  }
0xc: {  	[smem:$0x3FAF] =	sst s4  }
0xd: {  	[smem:$0x3FB0] =	sst s5  }
0xe: {  	[smem:$0x3FB1] =	sst s6  }
0xf: {  	[smem:$0x3FB2] =	sst s7  }
0x10: {  	[smem:$0x3FB3] =	sst s8  }
0x11: {  	[smem:$0x3FB4] =	sst s9;
	s0 =	simm.s32 @!p0 $0x0  }
0x12: {  	s1 =	sld [smem:$0x3F9A];
	s0 =	simm.s32 @p0 $0x1  }
0x13: {  	[smem:$0x3FB5] =	sst s0;
	s0 =	simm.s32 @!p1 $0x0  }
0x14: {  	s2 =	sld [smem:$0x3F99];
	s0 =	simm.s32 @p1 $0x1  }
0x15: {  	[smem:$0x3FB6] =	sst s0;
	s0 =	simm.s32 @!p2 $0x0  }
0x16: {  	s3 =	sld [smem:$0x3FDB];
	s0 =	simm.s32 @p2 $0x1  }
0x17: {  	s4 =	simm.s32 $0x1BF5;
	[smem:$0x3FB8] =	sst s0  }
0x18: {  	s0 =	sld [smem:$0x3F9B];
	_ =	swait.ge [sflag:s4], $0x0  }
0x19: {  	s7 =	sld [smem:$0x3F9C]  }
0x1a: {  	s8 =	sadd.s32 $0xFFFFE003, lr  }
0x1b: {  	s9 =	sadd.s32 $0xFFFFFEF7, lr;
	s5 =	simm.s32 $0xFFFFFFFF;
	p2 =	slt.u32 s8, $0xFFFFF086  }
0x1c: {  	p1 =	slt.u32 s9, $0xF7A;
	s5 =	simm.s32 @!p2 $0x0  }
0x1d: {  	s5 =	simm.s32 @p1 $0x1;
	p0 =	seq.s32 s7, s2  }
0x1e: {  	s7 =	smul.u32 @!p0 $0xF7A, s2;
	p2 =	seq.s32 @!p0 s5, $0x0  }
0x1f: {  	s9 =	smul.u32 $0xF7A, s1;
	s8 =	simm.s32 @!p0 $0x1BF5;
	p2 =	por !p2, p0  }
0x20: {  	[sflag:s8] =	ssyncset.s32 @!p0 $0xFFFFF086;
	s6 =	sadd.s32 @!p0 s3, s7;
	s7 =	simm.s32 @!p0 $0x108  }
0x21: {  	s3 =	sadd.s32 s3, s9;
	s6 =	sadd.s32 @!p0 $0x88, s6;
	s7 =	simm.s32 @p2 $0x1082  }
0x22: {  	[simem:s7], [sflag:s8] =	dma.local @!p0 [hbm:s6], $0xF7A  }
0x23: {  	s9 =	sor.u32 $0xD0000000, s2;
	s6 =	simm.s32 $0x108;
	_ =	swait.ge @!p0 [sflag:s8], $0x0  }
0x24: {  	s3 =	sadd.s32 $0x88, s3;
	s6 =	simm.s32 @!p1 $0x1082;
	[sflag:s4] =	ssyncset.s32 $0xFFFFF086  }
0x25: {  	[simem:s6], [sflag:s4] =	dma.local [hbm:s3], $0xF7A  }
0x26: {  	[smem:$0x3F9C] =	sst s1;
	(tag) =	ssettag s2;
	_ =	strace s9  }
0x27: {  	s1 =	sld [smem:$0x3FAC]  }
0x28: {  	s2 =	sld [smem:$0x3FAD]  }
0x29: {  	s4 =	sld [smem:$0x3FAF]  }
0x2a: {  	p0 =	seq.s32 s5, $0x0;
	s5 =	sld [smem:$0x3FB0]  }
0x2b: {  	s6 =	sld [smem:$0x3FB1]  }
0x2c: {  	s7 =	sld [smem:$0x3FB2]  }
0x2d: {  	s3 =	simm.s32 $0x108;
	s8 =	sld [smem:$0x3FB3]  }
0x2e: {  	s3 =	simm.s32 @!p0 $0x1082;
	s9 =	sld [smem:$0x3FB4]  }
0x2f: {  	lr =	sadd.s32 s0, s3;
	s0 =	sld [smem:$0x3FAB]  }
0x30: {  	s3 =	sld [smem:$0x3FAE]  }
0x31: {  	[smem:$0x3FB7] =	sst s10  }
0x32: {  	s10 =	sld [smem:$0x3FB5];
	_ =	sdelay $0x3  }
0x33: {  	p0 =	seq.s32 s10, $0x1;
	s10 =	sld [smem:$0x3FB7];
	_ =	sdelay $0x3  }
0x34: {  	[smem:$0x3FB7] =	sst s10  }
0x35: {  	s10 =	sld [smem:$0x3FB6];
	_ =	sdelay $0x3  }
0x36: {  	p1 =	seq.s32 s10, $0x1;
	s10 =	sld [smem:$0x3FB7];
	_ =	sdelay $0x3  }
0x37: {  	[smem:$0x3FB7] =	sst s10  }
0x38: {  	s10 =	sld [smem:$0x3FB8]  }
0x39: {  	_ = 	snop;
	(pc) =	sbr.ind lr, $3  }
0x3a: {  	_ = 	snop  }
0x3b: {  	_ = 	snop  }
0x3c: {  	p2 =	seq.s32 s10, $0x1;
	s10 =	sld [smem:$0x3FB7]  }
0x3d: {  	_ =	shalt  }
0x3e: {  	_ =	shalt  }
0x3f: {  	_ =	shalt  }
0x40: {  	_ =	shalt  }
0x41: {  	_ =	shalt  }
0x42: {  	_ =	shalt  }
0x43: {  	_ =	shalt  }
0x44: {  	_ =	shalt  }
0x45: {  	_ =	shalt  }
0x46: {  	_ =	shalt  }
0x47: {  	_ =	shalt  }
0x48: {  	_ =	shalt  }
0x49: {  	_ =	shalt  }
0x4a: {  	_ =	shalt  }
0x4b: {  	_ =	shalt  }
0x4c: {  	_ =	shalt  }
0x4d: {  	_ =	shalt  }
0x4e: {  	_ =	shalt  }
0x4f: {  	_ =	shalt  }
0x50: {  	_ =	shalt  }
0x51: {  	_ =	shalt  }
0x52: {  	_ =	shalt  }
0x53: {  	_ =	shalt  }
0x54: {  	_ =	shalt  }
0x55: {  	_ =	shalt  }
0x56: {  	_ =	shalt  }
0x57: {  	_ =	shalt  }
0x58: {  	_ =	shalt  }
0x59: {  	_ =	shalt  }
0x5a: {  	_ =	shalt  }
0x5b: {  	_ =	shalt  }
0x5c: {  	_ =	shalt  }
0x5d: {  	_ =	shalt  }
0x5e: {  	_ =	shalt  }
0x5f: {  	_ =	shalt  }
0x60: {  	_ =	shalt  }
0x61: {  	_ =	shalt  }
0x62: {  	_ =	shalt  }
0x63: {  	_ =	shalt  }
0x64: {  	_ =	shalt  }
0x65: {  	_ =	shalt  }
0x66: {  	_ =	shalt  }
0x67: {  	_ =	shalt  }
0x68: {  	_ =	shalt  }
0x69: {  	_ =	shalt  }
0x6a: {  	_ =	shalt  }
0x6b: {  	_ =	shalt  }
0x6c: {  	_ =	shalt  }
0x6d: {  	_ =	shalt  }
0x6e: {  	_ =	shalt  }
0x6f: {  	_ =	shalt  }
0x70: {  	_ =	shalt  }
0x71: {  	_ =	shalt  }
0x72: {  	_ =	shalt  }
0x73: {  	_ =	shalt  }
0x74: {  	_ =	shalt  }
0x75: {  	_ =	shalt  }
0x76: {  	_ =	shalt  }
0x77: {  	_ =	shalt  }
0x78: {  	_ =	shalt  }
0x79: {  	_ =	shalt  }
0x7a: {  	_ =	shalt  }
0x7b: {  	_ =	shalt  }
0x7c: {  	_ =	shalt  }
0x7d: {  	_ =	shalt  }
0x7e: {  	_ =	shalt  }
0x7f: {  	_ =	shalt  }
0x80: {  	_ =	shalt  }
0x81: {  	_ =	shalt  }
0x82: {  	_ =	shalt  }
0x83: {  	_ =	shalt  }
0x84: {  	_ =	shalt  }
0x85: {  	_ =	shalt  }
0x86: {  	_ =	shalt  }
0x87: {  	_ =	shalt  }
.Lfunc_end0:
.L_simem_size_0:
called_computation_lowered:
.L_overlay_start_0:
0x88: {  	s2 =	sld [smem:$0x3FD9]  }
0x89: {  	s3 =	sld [smem:$0x3FFE];
	_ =	sdelay $0x1  }
0x8a: {  	s1 =	srdreg.scid  }
0x8b: {  	s0 =	sand.u32 $0x1, s1  }
0x8c: {  	s17 =	sshll.u32 s0, $0xA;
	s2 =	sadd.s32 s3, s2  }
0x8d: {  	s2 =	sadd.s32 s2, s17  }
0x8e: {  	[smem:$0x3FC3] =	sst s2  }
0x8f: {  	_ = 	snop  }
0x90: {  	s2 =	sld [smem:$0x3FC9]  }
0x91: {  	s18 =	sld [smem:$0x3FC7]  }
0x92: {  	s4 =	sld [smem:$0x3FC6]  }
0x93: {  	s5 =	sld [smem:$0x3FC5]  }
0x94: {  	s6 =	sld [smem:$0x3FD0];
	(tm) =	ssettm $0x1  }
0x95: {  	s7 =	sld [smem:$0x3FFB];
	_ =	sdelay $0x3  }
0x96: {  	_ =	strace s7  }
0x97: {  	s7 =	sld [smem:$0x3FFC];
	_ =	sdelay $0x3  }
0x98: {  	_ =	strace s7  }
0x99: {  	s7 =	sld [smem:$0x3FFD];
	_ =	sdelay $0x3  }
0x9a: {  	_ =	strace s7  }
0x9b: {  	_ =	strace $0x8FFFFFFF  }
0x9c: {  	s19 =	sld [smem:$0x3FDB];
	_ =	sdelay $0x1  }
0x9d: {  	s8 =	simm.s32 $_scs_section_size  }
0x9e: {  	s9 =	simm.s32 $_size__tile_overlayer_lowered;
	s10 =	simm.s32 $_tile_overlayer_lowered  }
0x9f: {  	s22 =	simm.s32 $0x1BFF;
	s21 =	sshll.u32 s10, $0x1;
	s7 =	sadd.s32 s8, s19  }
0xa0: {  	s11 =	simm.s32 $0x0;
	s20 =	sshll.u32 s9, $0x1;
	s9 =	sadd.s32 s21, s7  }
0xa1: {  	[timem:s11], [sflag:s22] =	dma.local [hbm:s9], s20  }
0xa2: {  	_ =	swait.ge [sflag:s22], s20  }
0xa3: {  	s8 =	ssub.s32 $0x0, s20;
	[sflag:s22] =	ssyncset.done $0x0  }
0xa4: {  	[sflag:s22] =	ssyncadd.s32 s8;
	_ =	sdelay $0x1  }
0xa5: {  	s23 =	simm.s32 $0x1B8B  }
0xa6: {  	_ =	swait.ge [sflag:s23], $0x1  }
0xa7: {  	[sflag:s23] =	ssyncset.done $0x0  }
0xa8: {  	s25 =	simm.s32 $0x1B8E;
	s24 =	sld [smem:$0x3FFE];
	[sflag:s23] =	ssyncadd.s32 $0xFFFFFFFF  }
0xa9: {  	s26 =	simm.s32 $execute0_lowered;
	[smem:$0x3FD2] =	sst s25  }
0xaa: {  	s9 =	sshll.u32 s26, $0x1;
	_ =	strace $0x80000046;
	[dreg:$0x1] =	wrdreg $0xFFFFFFFF  }
0xab: {  	s28 =	simm.s32 $_size_execute0_lowered;
	s7 =	sadd.s32 s7, s9;
	[dreg:$0x0] =	wrdreg $0x0  }
0xac: {  	s9 =	sshll.u32 s28, $0x1;
	[dreg:$0x2] =	wrdreg s7  }
0xad: {  	[dreg:$0x3] =	wrdreg s9  }
0xae: {  	[dreg:$0x4] =	wrdreg $0xC0  }
0xaf: {  	_ =	task [dreg:s11], $0x5FFFF  }
0xb0: {  	[dreg:$0x1] =	wrdreg $0xFFFFFFFF  }
0xb1: {  	[dreg:$0x0] =	wrdreg $0x60  }
0xb2: {  	[dreg:$0x2] =	wrdreg s2  }
0xb3: {  	[dreg:$0x3] =	wrdreg s24  }
0xb4: {  	[dreg:$0x4] =	wrdreg s18  }
0xb5: {  	[dreg:$0x5] =	wrdreg s4  }
0xb6: {  	[dreg:$0x6] =	wrdreg s5  }
0xb7: {  	[dreg:$0x7] =	wrdreg s6  }
0xb8: {  	[dreg:$0x8] =	wrdreg $0x9  }
0xb9: {  	_ =	task.clear_ibuf [dreg:s11], $0x9FFFF;
	_ =	strace $0x90000046  }
0xba: {  	s29 =	simm.s32 $0x9;
	_ =	strace $0x80000048  }
0xbb: {  	_ =	swait.ge [sflag:s29], $0x1  }
0xbc: {  	[sflag:s29] =	ssyncadd.s32 $0xFFFFFFFF  }
0xbd: {  	_ =	strace $0x90000048  }
0xbe: {  	_ =	sfence  }
0xbf: {  	s30 =	sld [smem:$0x0];
	_ =	sdelay $0x2  }
0xc0: {  	s31 =	sshll.u32 s1, $0xD;
	s1 =	sshrl.u32 s1, $0x2  }
0xc1: {  	s3 =	sand.u32 $0x4000, s31;
	s1 =	sadd.s32 s1, s30  }
0xc2: {  	s0 =	sor.u32 s3, s0;
	s1 =	sshll.u32 s1, $0x11  }
0xc3: {  	s0 =	sor.u32 s1, s0  }
0xc4: {  	s0 =	sadd.s32 $0x8F2B, s0  }
0xc5: {  	[sflag:s0] =	ssyncadd.remote.s32 $0x1  }
0xc6: {  	_ =	sfence.sel $0xFFFF  }
0xc7: {  	[dreg:$0x0] =	wrdreg $0xFFFFFFFF;
	(pc) =	sbr.abs _section_cstart, $3  }
0xc8: {  	[dreg:$0x1] =	wrdreg $0xFFFFFFFF  }
0xc9: {  	_ =	task.clear_ibuf [dreg:s11], $0x2FFFF;
	_ =	strace $0x9FFFFFFF  }
0xca: {  	(tm) =	ssettm $0x7FFFFFFF  }
0xcb: {  	_ =	shalt  }
tec
execute0_lowered:
.L_overlay_start_1:
0x0: {  	(tag) =	ssettag $0x1  }
0x1: {  	s0 =	rddreg [dreg:$0x0]  }
0x2: {  	s1 =	rddreg [dreg:$0x1]  }
0x3: {  	s2 =	srdreg.scid;
	s3 =	stileid.u32  }
0x4: {  	s6 =	rddreg [dreg:$0x5];
	s7 =	simm.s32 $0x0;
	s15 =	simm.s32 $0x5  }
0x5: {  	s16 =	simm.s32 $0xE400;
	s20 =	simm.s32 $0x8400;
	s21 =	simm.s32 $0x1  }
0x6: {  	s22 =	simm.s32 $0xFE00;
	s2 =	sand.u32 $0x1, s2;
	s3 =	sshll.u32 s3, $0x1  }
0x7: {  	s23 =	simm.s32 $0xA400;
	s24 =	simm.s32 $0x2;
	s3 =	sor.u32 s2, s3  }
0x8: {  	s25 =	simm.s32 $0xC400;
	s2 =	ssub.s32 $0x2, s2;
	s8 =	smul.u32 $0x1900, s3  }
0x9: {  	[smem:$0x7FF] =	sst s7;
	s5 =	smul.u32 $0x19000, s3;
	s26 =	sshrl.u32 s2, $0x1  }
0xa: {  	s28 =	simm.s32 $0x4;
	_ =	strace $0x80000047;
	s2 =	ssub.s32 s2, s26  }
.Ltmp0:
0xb: {  	s4 =	sshrl.u32 s8, $0x3;
	s30 =	sadd.s32 s0, s5;
	(pc) =	sbr.rel .LBB2_1-.Ltmp0, $4  }
0xc: {  	s31 =	smax.u32 s2, $0x1;
	s1 =	sadd.s32 s4, s1;
	[dreg:$0x8] =	wrdreg s30  }
0xd: {  	s3 =	smul.u32 $0xC8000, s3;
	[dreg:$0xa] =	wrdreg s31;
	s1 =	sadd.s32 $0x400, s1  }
0xe: {  	s29 =	simm.s32 $0x0;
	[dreg:$0x7] =	wrdreg s1;
	s1 =	sadd.s32 $0x400, s30  }
0xf: {  	s12 =	sor.u32 $0x4000, s3;
	s13 =	sor.u32 $0x6000, s3;
	[dreg:$0x9] =	wrdreg s1  }
.LBB2_10:
0x10: {  	s1 =	simm.s32 $0x3  }
0x11: {  	_ =	swait.ge [sflag:s1], $0x2000  }
0x12: {  	[sflag:s1] =	ssyncset.done $0x0  }
0x13: {  	[sflag:s1] =	ssyncadd.s32 $0xFFFFE000  }
0x14: {  	_ =	swait.ge [sflag:s28], $0x2000  }
0x15: {  	s29 =	sadd.s32 $0x1, s29;
	s31 =	rddreg [dreg:$0xa]  }
0x16: {  	p0 =	sne.s32 s29, s31  }
.Ltmp1:
0x17: {  	_ = 	snop;
	(pc) =	sbr.rel @!p0 .LBB2_11-.Ltmp1, $3  }
0x18: {  	_ =	sdelay $0x1  }
0x19: {  	[sflag:s28] =	ssyncset.done $0x0  }
0x1a: {  	[sflag:s28] =	ssyncadd.s32 $0xFFFFE000  }
.LBB2_1:
0x1b: {  	s1 =	rddreg [dreg:$0x2]  }
0x1c: {  	[tilespmem:s7], [sflag:$0x5] =	stream.linear.gather [hbm4b:s1+s7], $0x6400, $0x38;
	[tilespmem:$0x11E00] =	vst v63  }
0x1d: {  	_ =	swait.ge [sflag:s15], $0x6400  }
0x1e: {  	[sflag:s15] =	ssyncset.done $0x0  }
0x1f: {  	s19 =	rddreg [dreg:$0x7];
	[sflag:s15] =	ssyncadd.s32 $0xFFFF9C00  }
0x20: {  	[tilespmem:s16], [sflag:$0x5] =	stream.linear.gather [hbm4b:s19+s7], $0x1900, $0x38;
	[tilespmem:$0x11E00] =	vst v63  }
0x21: {  	_ =	swait.ge [sflag:s15], $0x1900  }
0x22: {  	[sflag:s15] =	ssyncset.done $0x0  }
0x23: {  	[sflag:s15] =	ssyncadd.s32 $0xFFFFE700  }
0x24: {  	s2 =	simm.s32 $0xFD00;
	s26 =	rddreg [dreg:$0x3]  }
0x25: {  	[tilespmem:s2], [sflag:$0x5] =	stream.linear.gather [hbm4b:s26+s7], $0x80, $0x38;
	[tilespmem:$0x11E00] =	vst v63  }
0x26: {  	_ =	swait.ge [sflag:s15], $0x80  }
0x27: {  	[sflag:s15] =	ssyncset.done $0x0  }
0x28: {  	[sflag:s15] =	ssyncadd.s32 $0xFFFFFF80  }
0x29: {  	s31 =	simm.s32 $0xFD80;
	s30 =	rddreg [dreg:$0x4]  }
0x2a: {  	[tilespmem:s31], [sflag:$0x5] =	stream.linear.gather [hbm4b:s30+s7], $0x80, $0x38;
	[tilespmem:$0x11E00] =	vst v63  }
0x2b: {  	_ =	swait.ge [sflag:s15], $0x80  }
0x2c: {  	[sflag:s15] =	ssyncset.done $0x0  }
0x2d: {  	[sflag:s15] =	ssyncadd.s32 $0xFFFFFF80  }
0x2e: {  	v10 =	vld [tilespmem:$0xFD00]  }
0x2f: {  	v11 =	vld [tilespmem:$0xFD10]  }
0x30: {  	v12 =	vld [tilespmem:$0xFD20]  }
0x31: {  	v13 =	vld [tilespmem:$0xFD30]  }
0x32: {  	v58 =	vld [tilespmem:$0xFD40]  }
0x33: {  	v52 =	vld [tilespmem:$0xFD50]  }
0x34: {  	v56 =	vld [tilespmem:$0xFD60]  }
0x35: {  	v57 =	vld [tilespmem:$0xFD70]  }
0x36: {  	v14 =	vld [tilespmem:$0xFD80]  }
0x37: {  	v15 =	vld [tilespmem:$0xFD90]  }
0x38: {  	v60 =	vld [tilespmem:$0xFDA0]  }
0x39: {  	v59 =	vld [tilespmem:$0xFDB0]  }
0x3a: {  	v62 =	vld [tilespmem:$0xFDC0]  }
0x3b: {  	v63 =	vld [tilespmem:$0xFDD0]  }
0x3c: {  	v16 =	vld [tilespmem:$0xFDE0]  }
0x3d: {  	v17 =	vld [tilespmem:$0xFDF0]  }
0x3e: {  	v18 =	vld [tilespmem:$0x0]  }
0x3f: {  	v19 =	vld [tilespmem:$0x10]  }
0x40: {  	v20 =	vld [tilespmem:$0x20]  }
0x41: {  	v21 =	vld [tilespmem:$0x30]  }
0x42: {  	v22 =	vld [tilespmem:$0x40]  }
0x43: {  	v23 =	vld [tilespmem:$0x50]  }
0x44: {  	s2 =	simm.s32 $0xF0;
	v24 =	vld [tilespmem:$0x60]  }
0x45: {  	v0 =	vld [tilespmem:s2+$0xFFFFFF90]  }
0x46: {  	v25 =	vld [tilespmem:$0x70]  }
0x47: {  	v1 =	vld [tilespmem:s2+$0xFFFFFFA0]  }
0x48: {  	v2 =	vld [tilespmem:s2+$0xFFFFFFB0]  }
0x49: {  	v4 =	vld [tilespmem:s2+$0xFFFFFFC0]  }
0x4a: {  	v5 =	vld [tilespmem:s2+$0xFFFFFFD0];
	v0 =	vsub.f32 v0, v18  }
0x4b: {  	v6 =	vld [tilespmem:s2+$0xFFFFFFE0]  }
0x4c: {  	v7 =	vld [tilespmem:s2+$0x0];
	[tilespmem:s2+$0xFFFFFF90] =	vst v0;
	v0 =	vsub.f32 v1, v19  }
0x4d: {  	s1 =	simm.s32 $0x170;
	v8 =	vld [tilespmem:s2+$0xFFFFFFF0];
	v1 =	vsub.f32 v2, v20  }
0x4e: {  	v9 =	vld [tilespmem:s1+$0xFFFFFF90];
	[tilespmem:s2+$0xFFFFFFA0] =	vst v0;
	v0 =	vsub.f32 v4, v21  }
0x4f: {  	v2 =	vsub.f32 v5, v22;
	v3 =	vld [tilespmem:s1+$0xFFFFFFA0];
	[tilespmem:s2+$0xFFFFFFB0] =	vst v1  }
0x50: {  	v4 =	vsub.f32 v6, v23;
	v1 =	vld [tilespmem:s1+$0xFFFFFFB0];
	[tilespmem:s2+$0xFFFFFFC0] =	vst v0  }
0x51: {  	v7 =	vsub.f32 v7, v25;
	v0 =	vld [tilespmem:s1+$0xFFFFFFC0];
	[tilespmem:s2+$0xFFFFFFD0] =	vst v2  }
0x52: {  	v6 =	vsub.f32 v8, v24;
	v2 =	vld [tilespmem:s1+$0xFFFFFFD0];
	[tilespmem:s2+$0xFFFFFFE0] =	vst v4  }
0x53: {  	s3 =	simm.s32 $0x7C0;
	v5 =	vsub.f32 v9, v18;
	v9 =	vmov v20;
	v4 =	vld [tilespmem:s1+$0xFFFFFFE0];
	[tilespmem:s2+$0x0] =	vst v7  }
.LBB2_2:
0x54: {  	p0 =	sne.s32 s3, $0x18FC0;
	v3 =	vsub.f32 v3, v19;
	v7 =	vld [tilespmem:s1+$0x0];
	[tilespmem:s2+$0xFFFFFFF0] =	vst v6;
	s2 =	smov.u32 s1  }
0x55: {  	s1 =	sshra.s32 s3, $0x2;
	[tilespmem:s2+$0xFFFFFF90] =	vst v5;
	v1 =	vsub.f32 v1, v9;
	v5 =	vld [tilespmem:s2+$0xFFFFFFF0]  }
0x56: {  	v8 =	vld [tilespmem:s1+$0xFFFFFF90];
	[tilespmem:s2+$0xFFFFFFA0] =	vst v3;
	v0 =	vsub.f32 v0, v21  }
.Ltmp2:
0x57: {  	v3 =	vld [tilespmem:s1+$0xFFFFFFA0];
	[tilespmem:s2+$0xFFFFFFB0] =	vst v1;
	v2 =	vsub.f32 v2, v22;
	(pc) =	sbr.rel @p0 .LBB2_2-.Ltmp2, $4  }
0x58: {  	v1 =	vld [tilespmem:s1+$0xFFFFFFB0];
	[tilespmem:s2+$0xFFFFFFC0] =	vst v0;
	v4 =	vsub.f32 v4, v23  }
0x59: {  	v0 =	vld [tilespmem:s1+$0xFFFFFFC0];
	[tilespmem:s2+$0xFFFFFFD0] =	vst v2;
	v7 =	vsub.f32 v7, v25  }
0x5a: {  	v2 =	vld [tilespmem:s1+$0xFFFFFFD0];
	[tilespmem:s2+$0xFFFFFFE0] =	vst v4;
	v6 =	vsub.f32 v5, v24  }
0x5b: {  	s3 =	sadd.s32 $0x200, s3;
	v5 =	vsub.f32 v8, v18;
	v4 =	vld [tilespmem:s1+$0xFFFFFFE0];
	[tilespmem:s2+$0x0] =	vst v7  }
0x5c: {  	[tilespmem:$0x1FE80] =	vst v15  }
0x5d: {  	[tilespmem:$0x1FE90] =	vst v14  }
0x5e: {  	[tilespmem:$0x1FEA0] =	vst v13  }
0x5f: {  	[tilespmem:$0x1FEB0] =	vst v12  }
0x60: {  	[tilespmem:$0x1FEC0] =	vst v11  }
0x61: {  	[tilespmem:$0x1FED0] =	vst v10  }
0x62: {  	v7 =	vld [tilespmem:s1+$0x0];
	[tilespmem:s2+$0xFFFFFFF0] =	vst v6  }
0x63: {  	[tilespmem:$0x1FEE0] =	vst v9  }
0x64: {  	[tilespmem:$0x1FEF0] =	vst v58  }
0x65: {  	[tilespmem:$0x1FF00] =	vst v52  }
0x66: {  	[tilespmem:$0x1FF10] =	vst v56  }
0x67: {  	[tilespmem:$0x1FF20] =	vst v57  }
0x68: {  	[tilespmem:$0x1FF30] =	vst v60  }
0x69: {  	[tilespmem:$0x1FF40] =	vst v59  }
0x6a: {  	[tilespmem:$0x1FF50] =	vst v62  }
0x6b: {  	[tilespmem:$0x1FF60] =	vst v63  }
0x6c: {  	[tilespmem:$0x1FF70] =	vst v16  }
0x6d: {  	[tilespmem:$0x1FF80] =	vst v17  }
0x6e: {  	[tilespmem:$0x1FF90] =	vst v18  }
0x6f: {  	[tilespmem:$0x1FFA0] =	vst v19  }
0x70: {  	[tilespmem:$0x1FFB0] =	vst v21  }
0x71: {  	[tilespmem:$0x1FFC0] =	vst v22  }
0x72: {  	[tilespmem:$0x1FFD0] =	vst v23  }
0x73: {  	v3 =	vsub.f32 v3, v19;
	[tilespmem:$0x1FFE0] =	vst v24  }
0x74: {  	[tilespmem:s1+$0xFFFFFF90] =	vst v5;
	v1 =	vsub.f32 v1, v9;
	v50 =	vld [tilespmem:s1+$0xFFFFFFF0]  }
0x75: {  	[tilespmem:s1+$0xFFFFFFA0] =	vst v3;
	v0 =	vsub.f32 v0, v21  }
0x76: {  	[tilespmem:s1+$0xFFFFFFB0] =	vst v1;
	v51 =	vsub.f32 v2, v22  }
0x77: {  	[tilespmem:s1+$0xFFFFFFC0] =	vst v0;
	v53 =	vsub.f32 v4, v23  }
0x78: {  	[tilespmem:s1+$0xFFFFFFD0] =	vst v51;
	v54 =	vsub.f32 v7, v25  }
0x79: {  	[tilespmem:s1+$0xFFFFFFE0] =	vst v53;
	v55 =	vsub.f32 v50, v24  }
0x7a: {  	[tilespmem:s1+$0x0] =	vst v54  }
0x7b: {  	v61 =	vimm.f32 $0.0e+00;
	[tilespmem:s1+$0xFFFFFFF0] =	vst v55  }
0x7c: {  	[tilespmem:$0x0] =	vst v61  }
0x7d: {  	[tilespmem:$0x10] =	vst v61  }
0x7e: {  	[tilespmem:$0x20] =	vst v61  }
0x7f: {  	[tilespmem:$0x30] =	vst v61  }
0x80: {  	[tilespmem:$0x40] =	vst v61  }
0x81: {  	[tilespmem:$0x50] =	vst v61  }
0x82: {  	[tilespmem:$0x60] =	vst v61  }
0x83: {  	s30 =	simm.s32 $0x0;
	s19 =	rddreg [dreg:$0x8];
	s26 =	simm.s32 $0x6400;
	[tilespmem:$0x70] =	vst v61  }
0x84: {  	[tilespmem:s26], [sflag:$0x1] =	stream.linear.gather [hbm4b:s19+s30], $0x2000, $0x38;
	[tilespmem:$0x11E00] =	vst v63  }
0x85: {  	s31 =	rddreg [dreg:$0x9];
	[tilespmem:$0x1FFF0] =	vst v25  }
0x86: {  	[tilespmem:s20], [sflag:$0x2] =	stream.linear.gather [hbm4b:s31+s30], $0x2000, $0x38;
	[tilespmem:$0x11E00] =	vst v63  }
.LBB2_4:
0x87: {  	_ =	swait.ge [sflag:s21], $0x2000  }
0x88: {  	p0 =	seq.s32 s30, $0x0;
	[sflag:s21] =	ssyncset.done $0x0  }
0x89: {  	s2 =	simm.s32 @!p0 $0x3;
	[sflag:s21] =	ssyncadd.s32 $0xFFFFE000  }
0x8a: {  	_ =	swait.ge @!p0 [sflag:s2], $0x2000  }
0x8b: {  	s31 =	sshll.u32 s30, $0xE;
	s4 =	sshll.u32 s30, $0x7;
	[sflag:s2] =	ssyncset.done @!p0 $0x0  }
0x8c: {  	s1 =	sadd.s32 s8, s4;
	v20 =	vld [tilespmem:$0x1FEE0];
	[sflag:s2] =	ssyncadd.s32 @!p0 $0xFFFFE000;
	s2 =	simm.s32 $0x0  }
.LBB2_5:
0x8d: {  	s3 =	sor.u32 s4, s2  }
0x8e: {  	s5 =	smulhi.u32 $0x51EB851F, s3;
	_ =	sdelay $0x1  }
0x8f: {  	v0 =	vmov s3;
	s5 =	sshrl.u32 s5, $0x6  }
0x90: {  	v0 =	vand.u32 $0xFFFFFFF8, v0;
	s5 =	smul.u32 $0xC8, s5  }
0x91: {  	v0 =	vbroadcast v0, $0x0  }
0x92: {  	s5 =	ssub.s32 s3, s5;
	s3 =	sshll.u32 s2, $0x7  }
0x93: {  	v48 =	vld [tilespmem:s3+$0x6400]  }
0x94: {  	v2 =	vld [tilespmem:s3+$0x6410]  }
0x95: {  	s5 =	sshll.u32 s5, $0x7;
	v4 =	vld [tilespmem:s3+$0x6420]  }
0x96: {  	v1 =	vld [tilespmem:s5+$0x0]  }
0x97: {  	v5 =	vld.idx.msk [tilespmem:v0+s16+$0x0], $0xffff  }
0x98: {  	v3 =	vld [tilespmem:s5+$0x10]  }
0x99: {  	v7 =	vld [tilespmem:s3+$0x6430]  }
0x9a: {  	v6 =	vld [tilespmem:s5+$0x20]  }
0x9b: {  	v8 =	vld [tilespmem:s5+$0x30]  }
0x9c: {  	v9 =	vld [tilespmem:s3+$0x6440];
	v0 =	vadd.f32 v48, v18;
	v1 =	vmul.f32 v1, v5  }
0x9d: {  	v51 =	vld [tilespmem:s5+$0x40];
	v2 =	vadd.f32 v2, v19;
	v3 =	vmul.f32 v3, v5  }
0x9e: {  	v12 =	vld [tilespmem:s3+$0x6450];
	v0 =	vadd.f32 v1, v0  }
0x9f: {  	v55 =	vld [tilespmem:s5+$0x50];
	v49 =	vadd.f32 v4, v20;
	v50 =	vmul.f32 v6, v5;
	v1 =	vadd.f32 v3, v2  }
0xa0: {  	v57 =	vld [tilespmem:s3+$0x6460];
	v53 =	vadd.f32 v7, v21;
	v54 =	vmul.f32 v8, v5;
	v52 =	vadd.f32 $0.0e+00, v0  }
0xa1: {  	v13 =	vld [tilespmem:s5+$0x60];
	v2 =	vadd.f32 v50, v49;
	v10 =	vmul.f32 v0, v0;
	v11 =	vmul.f32 v1, v1  }
0xa2: {  	v9 =	vadd.f32 v9, v22;
	v4 =	vmul.f32 v51, v5;
	v6 =	vadd.f32 v1, v52  }
0xa3: {  	v3 =	vadd.f32 v54, v53;
	v56 =	vmul.f32 v2, v2;
	v10 =	vadd.f32 v11, v10  }
0xa4: {  	v14 =	vld [tilespmem:s3+$0x6470];
	v59 =	vadd.f32 v12, v23;
	v8 =	vmul.f32 v55, v5;
	v6 =	vadd.f32 v2, v6  }
0xa5: {  	v60 =	vld [tilespmem:s5+$0x70];
	v4 =	vadd.f32 v4, v9;
	v58 =	vmul.f32 v3, v3;
	v10 =	vadd.f32 v56, v10  }
0xa6: {  	s19 =	sor.u32 $0x1, s2;
	v7 =	vadd.f32 v57, v24;
	v62 =	vmul.f32 v13, v5;
	v15 =	vadd.f32 v3, v6  }
0xa7: {  	s9 =	sor.u32 s4, s19;
	v61 =	vmul.f32 v4, v4;
	v10 =	vadd.f32 v58, v10;
	v6 =	vadd.f32 v8, v59  }
0xa8: {  	s10 =	smulhi.u32 $0x51EB851F, s9;
	v63 =	vadd.f32 v4, v15  }
0xa9: {  	v7 =	vadd.f32 v62, v7;
	v10 =	vadd.f32 v61, v10;
	v13 =	vmul.f32 v6, v6  }
0xaa: {  	s10 =	sshrl.u32 s10, $0x6;
	v5 =	vmul.f32 v60, v5;
	v15 =	vadd.f32 v14, v25;
	v9 =	vadd.f32 v6, v63  }
0xab: {  	s10 =	smul.u32 $0xC8, s10;
	v10 =	vadd.f32 v13, v10  }
0xac: {  	v28 =	vmul.f32 v7, v7;
	v8 =	vadd.f32 v5, v15;
	v29 =	vadd.f32 v7, v9  }
0xad: {  	v32 =	vmov s9;
	s9 =	ssub.s32 s9, s10;
	s5 =	sshll.u32 s19, $0x7  }
0xae: {  	s9 =	sshll.u32 s9, $0x7;
	v37 =	vld [tilespmem:s5+$0x6400];
	v30 =	vadd.f32 v28, v10;
	v31 =	vmul.f32 v8, v8;
	v5 =	vadd.f32 v8, v29  }
0xaf: {  	v38 =	vld [tilespmem:s9+$0x0]  }
0xb0: {  	v39 =	vld [tilespmem:s5+$0x6410];
	v9 =	vadd.f32 v31, v30;
	(xrf2) =	vadd.scan.msk.f32 $0xffff, v5;
	v5 =	vand.u32 $0xFFFFFFF9, v32  }
0xb1: {  	v40 =	vld [tilespmem:s9+$0x10];
	v5 =	vbroadcast v5, $0x0  }
0xb2: {  	v42 =	vld [tilespmem:s5+$0x6420];
	(xrf2) =	vadd.scan.msk.f32 $0xffff, v9  }
0xb3: {  	s26 =	sor.u32 $0x2, s2;
	v43 =	vld [tilespmem:s9+$0x20]  }
0xb4: {  	s11 =	sor.u32 s4, s26;
	v44 =	vld [tilespmem:s5+$0x6430]  }
0xb5: {  	s14 =	smulhi.u32 $0x51EB851F, s11;
	v26 =	vld [tilespmem:s5+$0x6440]  }
0xb6: {  	v45 =	vld [tilespmem:s9+$0x40]  }
0xb7: {  	s14 =	sshrl.u32 s14, $0x6;
	v5 =	vld.idx.msk [tilespmem:v5+s16+$0x0], $0xffff  }
0xb8: {  	v17 =	vmov s11;
	s14 =	smul.u32 $0xC8, s14;
	v33 =	vmov s3;
	v25 =	vld [tilespmem:s9+$0x30]  }
0xb9: {  	s17 =	sshll.u32 s26, $0x7;
	v17 =	vand.u32 $0xFFFFFFFA, v17;
	v57 =	vld [tilespmem:s5+$0x6470];
	v9 =	vor.u32 $0x1F, v33  }
0xba: {  	v17 =	vbroadcast v17, $0x0;
	s11 =	ssub.s32 s11, s14;
	v34 =	vor.u32 $0xF, v33;
	v55 =	vld [tilespmem:s17+$0x6410]  }
0xbb: {  	s11 =	sshll.u32 s11, $0x7;
	v50 =	vld [tilespmem:s9+$0x60];
	v35, _, _ =	vpop (xrf2)  }
0xbc: {  	v41 =	vadd.f32 v37, v18;
	v12 =	vadd.f32 v42, v20;
	v52 =	vld [tilespmem:s11+$0x0];
	[tilespmem:s3+$0xFE00] =	vst v35;
	v36, _, _ =	vpop (xrf2);
	v11 =	vmul.f32 v38, v5  }
0xbd: {  	v13 =	vadd.f32 v39, v19;
	[tilespmem:s3+$0xFE10] =	vst v36;
	v14 =	vmul.f32 v40, v5;
	v48 =	vmul.f32 v25, v5;
	v25 =	vld [tilespmem:s5+$0x6460]  }
0xbe: {  	v46 =	vmul.f32 v43, v5;
	v16 =	vld.idx.msk [tilespmem:v9+s22+$0x0], $0xffff;
	v9 =	vadd.f32 v11, v41;
	v11 =	vadd.f32 v44, v21  }
0xbf: {  	v10 =	vld.idx.msk [tilespmem:v34+s22+$0x0], $0xffff;
	v34 =	vadd.f32 v14, v13  }
0xc0: {  	v35 =	vadd.f32 v46, v12;
	v12 =	vadd.f32 v48, v11;
	v11 =	vld.idx.msk [tilespmem:v17+s16+$0x0], $0xffff  }
0xc1: {  	v13 =	vmul.f32 v45, v5;
	v27 =	vadd.f32 $0.0e+00, v9;
	v17 =	vld [tilespmem:s17+$0x6400]  }
0xc2: {  	v51 =	vadd.f32 v26, v22;
	v28 =	vld [tilespmem:s5+$0x6450];
	v47 =	vmul.f32 v9, v9;
	v29 =	vmul.f32 v34, v34  }
0xc3: {  	v30 =	vld [tilespmem:s9+$0x50];
	v58 =	vadd.f32 v25, v24;
	v25 =	vmul.f32 v50, v5;
	v27 =	vadd.f32 v34, v27  }
0xc4: {  	v60 =	vld [tilespmem:s11+$0x20];
	v31 =	vmul.f32 v35, v35;
	v36 =	vadd.f32 v13, v51;
	v49 =	vadd.f32 v29, v47  }
0xc5: {  	v37 =	vld [tilespmem:s17+$0x6430];
	v13 =	vadd.f32 v25, v58;
	v27 =	vadd.f32 v35, v27  }
0xc6: {  	v32 =	vld [tilespmem:s11+$0x10];
	v15 =	vmul.f32 $7.812500000e-03, v10;
	v14 =	vadd.f32 v31, v49;
	v17 =	vadd.f32 v17, v18  }
0xc7: {  	v46 =	vld [tilespmem:s11+$0x40];
	v25 =	vmul.f32 v52, v11;
	v26 =	vadd.f32 v12, v27;
	v27 =	vmul.f32 v12, v12  }
0xc8: {  	v53 =	vadd.f32 v28, v23;
	v54 =	vmul.f32 v30, v5;
	v41 =	vld [tilespmem:s17+$0x6450];
	v16 =	vmul.f32 $7.812500000e-03, v16  }
0xc9: {  	v59 =	vld [tilespmem:s17+$0x6420];
	v56 =	vmul.f32 v15, v15;
	v28 =	vadd.f32 v25, v17;
	v27 =	vadd.f32 v27, v14  }
0xca: {  	v33 =	vmul.f32 v36, v36;
	v17 =	vld [tilespmem:s17+$0x6440];
	v26 =	vadd.f32 v36, v26;
	v14 =	vadd.f32 v54, v53  }
0xcb: {  	v62 =	vadd.f32 v55, v19;
	v39 =	vld [tilespmem:s9+$0x70];
	v32 =	vmul.f32 v32, v11;
	v16 =	vsub.f32 v16, v56  }
0xcc: {  	v52 =	vld [tilespmem:s17+$0x6460];
	v27 =	vadd.f32 v33, v27;
	v26 =	vadd.f32 v14, v26;
	v61 =	vmul.f32 v14, v14  }
0xcd: {  	v38 =	vld [tilespmem:s11+$0x30];
	v56 =	vadd.f32 v41, v23;
	v25 =	vadd.f32 v32, v62;
	v54 =	vmul.f32 v46, v11  }
0xce: {  	v50 =	vld [tilespmem:s11+$0x50];
	v27 =	vadd.f32 v61, v27;
	v63 =	vadd.f32 v13, v26;
	v26 =	vmul.f32 v13, v13  }
0xcf: {  	v47 =	vadd.f32 $0.0e+00, v28;
	v48 =	vmul.f32 v28, v28;
	v53 =	vadd.f32 v17, v22;
	v17 =	vld [tilespmem:s11+$0x60]  }
0xd0: {  	v45 =	vadd.f32 v26, v27;
	v26 =	vadd.f32 v59, v20;
	v27 =	vmul.f32 v60, v11;
	v20 =	vld [tilespmem:$0x1FFF0]  }
0xd1: {  	v40 =	vmul.f32 v25, v25;
	v62 =	vadd.f32 v52, v24;
	v30 =	vadd.f32 v25, v47  }
0xd2: {  	v49 =	vmul.f32 v38, v11;
	v26 =	vadd.f32 v27, v26;
	v27 =	vadd.f32 v37, v21  }
0xd3: {  	v42 =	vld [tilespmem:s17+$0x6470];
	v5 =	vmul.f32 v39, v5;
	v32 =	vadd.f32 v40, v48;
	v29 =	vadd.f32 v54, v53  }
0xd4: {  	s14 =	sor.u32 $0x3, s2;
	v58 =	vld [tilespmem:s11+$0x70];
	v17 =	vmul.f32 v17, v11;
	v51 =	vmul.f32 v26, v26;
	v27 =	vadd.f32 v49, v27  }
0xd5: {  	s18 =	sor.u32 s4, s14;
	v31 =	vld [tilespmem:$0x1FFF0];
	v30 =	vadd.f32 v26, v30;
	v10 =	vadd.f32 v57, v20;
	v57 =	vmul.f32 v50, v11  }
0xd6: {  	s19 =	smulhi.u32 $0x51EB851F, s18;
	v23 =	vadd.f32 v17, v62;
	v32 =	vadd.f32 v51, v32;
	v55 =	vmul.f32 v27, v27  }
0xd7: {  	v43 =	vadd.f32 v27, v30;
	v37 =	vadd.f32 v5, v10  }
0xd8: {  	s11 =	sshrl.u32 s19, $0x6;
	v60 =	vmul.f32 v29, v29;
	v22 =	vadd.f32 v57, v56;
	v32 =	vadd.f32 v55, v32  }
0xd9: {  	v40 =	vmul.f32 v58, v11;
	s11 =	smul.u32 $0xC8, s11;
	v33 =	vadd.f32 v37, v63;
	v63 =	vadd.f32 v29, v43  }
0xda: {  	v5 =	vadd.f32 v42, v31;
	v30 =	vmul.f32 v22, v22;
	v32 =	vadd.f32 v60, v32  }
0xdb: {  	v41 =	vadd.f32 $9.999999960e-13, v16;
	s10 =	ssub.s32 s18, s11;
	v59 =	vmul.f32 v37, v37;
	v16 =	vadd.f32 v22, v63  }
0xdc: {  	s9 =	sshll.u32 s10, $0x7;
	s10 =	sor.u32 $0x4, s2;
	v42 =	vmul.f32 v23, v23;
	v24 =	vadd.f32 v40, v5;
	v17 =	vadd.f32 v30, v32  }
0xdd: {  	s26 =	sor.u32 s4, s10;
	v61 =	vadd.f32 v59, v45;
	v44 =	vadd.f32 v23, v16  }
0xde: {  	s19 =	smulhi.u32 $0x51EB851F, s26;
	(xrf2) =	vadd.scan.msk.f32 $0xffff, v33;
	v16 =	vadd.f32 v42, v17;
	v17 =	vmul.f32 v24, v24  }
0xdf: {  	v11 =	vmul.f32 $5.000000000e-01, v41;
	(xrf2) =	vadd.scan.msk.f32 $0xffff, v61;
	v10 =	vadd.f32 v24, v44  }
0xe0: {  	v51 =	vmov s18;
	s18 =	sshll.u32 s14, $0x7;
	s14 =	sshrl.u32 s19, $0x6;
	v43 =	vshra.s32 v41, $0x1;
	v16 =	vadd.f32 v17, v16  }
0xe1: {  	v38 =	vand.u32 $0xFFFFFFFB, v51;
	s14 =	smul.u32 $0xC8, s14;
	v5 =	vsub.s32 $0x5F3759DF, v43;
	(xrf2) =	vadd.scan.msk.f32 $0xffff, v10  }
0xe2: {  	v38 =	vbroadcast v38, $0x0;
	v45 =	vmul.f32 v5, v11;
	(xrf2) =	vadd.scan.msk.f32 $0xffff, v16  }
0xe3: {  	v50 =	vmov s17;
	s11 =	ssub.s32 s26, s14  }
0xe4: {  	v52 =	vor.u32 $0xF, v50;
	s11 =	sshll.u32 s11, $0x7;
	v33 =	vor.u32 $0x1F, v50;
	v50 =	vld [tilespmem:s18+$0x6450];
	v47 =	vmul.f32 v5, v45  }
0xe5: {  	v46 =	vmov s5;
	v51 =	vld [tilespmem:s11+$0x10]  }
0xe6: {  	s19 =	sshll.u32 s10, $0x7;
	v60 =	vmov s26;
	v45 =	vld [tilespmem:s18+$0x6400];
	v17 =	vor.u32 $0xF, v46;
	v10 =	vsub.f32 $1.500000000e+00, v47  }
0xe7: {  	v48 =	vor.u32 $0x1F, v46;
	v61 =	vand.u32 $0xFFFFFFFC, v60;
	v60 =	vld [tilespmem:s19+$0x6420]  }
0xe8: {  	v44 =	vld.idx.msk [tilespmem:v38+s16+$0x0], $0xffff;
	v5 =	vmul.f32 v5, v10;
	v16, _, _ =	vpop (xrf2)  }
0xe9: {  	v38 =	vsub.f32 v1, v15;
	v1 =	vld [tilespmem:s18+$0x6420];
	[tilespmem:s5+$0xFE00] =	vst v16;
	v16, _, _ =	vpop (xrf2)  }
0xea: {  	v47 =	vld [tilespmem:s18+$0x6410];
	[tilespmem:s5+$0xFE10] =	vst v16;
	v16 =	vmul.f32 v5, v11  }
0xeb: {  	v49 =	vld.idx.msk [tilespmem:v17+s22+$0x0], $0xffff;
	v53, _, _ =	vpop (xrf2)  }
0xec: {  	v17 =	vld.idx.msk [tilespmem:v48+s22+$0x0], $0xffff;
	v16 =	vmul.f32 v16, v5;
	[tilespmem:s17+$0xFE00] =	vst v53;
	v54, _, _ =	vpop (xrf2)  }
0xed: {  	v46 =	vld [tilespmem:s9+$0x0];
	[tilespmem:s17+$0xFE10] =	vst v54  }
0xee: {  	v16 =	vsub.f32 $1.500000000e+00, v16;
	v39 =	vld.idx.msk [tilespmem:v52+s22+$0x0], $0xffff  }
0xef: {  	v40 =	vsub.f32 v0, v15;
	v43 =	vld.idx.msk [tilespmem:v33+s22+$0x0], $0xffff  }
0xf0: {  	v62 =	vadd.f32 v45, v18;
	v41 =	vmul.f32 $7.812500000e-03, v49;
	v42 =	vmul.f32 v16, v5;
	v49 =	vld [tilespmem:s9+$0x10]  }
0xf1: {  	v47 =	vadd.f32 v47, v19;
	v17 =	vmul.f32 $7.812500000e-03, v17;
	v33 =	vsub.f32 v3, v15;
	v3 =	vld [tilespmem:s18+$0x6430]  }
0xf2: {  	v55 =	vmul.f32 v41, v41;
	v57 =	vmul.f32 v42, v11;
	v11 =	vsub.f32 v4, v15;
	v4 =	vld [tilespmem:s9+$0x30]  }
0xf3: {  	v20 =	vsub.f32 v34, v41;
	v34 =	vld [tilespmem:s9+$0x40];
	v32 =	vsub.f32 v35, v41  }
0xf4: {  	v46 =	vmul.f32 v46, v44;
	v31 =	vsub.f32 v12, v41;
	v12 =	vld [tilespmem:$0x1FEE0];
	v56 =	vsub.f32 v17, v55  }
0xf5: {  	v63 =	vbroadcast v61, $0x0;
	v14 =	vsub.f32 v14, v41;
	v17 =	vsub.f32 v2, v15;
	v2 =	vld [tilespmem:s9+$0x20]  }
0xf6: {  	v35 =	vld [tilespmem:s9+$0x50];
	v10 =	vmul.f32 v57, v42;
	v57 =	vadd.f32 v46, v62;
	v5 =	vadd.f32 $9.999999960e-13, v56  }
0xf7: {  	v46 =	vld [tilespmem:s18+$0x6460];
	v55 =	vsub.f32 v37, v41;
	v49 =	vmul.f32 v49, v44;
	v53 =	vadd.f32 v3, v21  }
0xf8: {  	[tilespmem:$0x1FD60] =	vst v14;
	v14 =	vld [tilespmem:s11+$0x20];
	v56 =	vsub.f32 v9, v41;
	v58 =	vshra.s32 v5, $0x1;
	v5 =	vmul.f32 $5.000000000e-01, v5  }
0xf9: {  	v3 =	vld [tilespmem:s11+$0x0];
	v52 =	vadd.f32 v49, v47;
	v54 =	vmul.f32 v4, v44;
	v16 =	vsub.s32 $0x5F3759DF, v58  }
0xfa: {  	v9 =	vld [tilespmem:s18+$0x6440];
	v1 =	vadd.f32 v1, v12;
	v2 =	vmul.f32 v2, v44;
	v59 =	vmul.f32 v16, v5  }
0xfb: {  	v48 =	vsub.f32 $1.500000000e+00, v10;
	v30 =	vmul.f32 v57, v57;
	v61 =	vadd.f32 v54, v53;
	v54 =	vld [tilespmem:$0x1FFD0]  }
0xfc: {  	v12 =	vld.idx.msk [tilespmem:v63+s16+$0x0], $0xffff;
	v47 =	vmul.f32 v52, v52;
	v0 =	vmul.f32 v16, v59;
	v59 =	vadd.f32 v2, v1  }
0xfd: {  	v10 =	vsub.f32 v6, v15;
	v6 =	vsub.f32 v8, v15;
	v4 =	vld [tilespmem:s19+$0x6400]  }
0xfe: {  	v45 =	vmul.f32 v34, v44;
	v34 =	vld [tilespmem:s19+$0x6410];
	v58 =	vadd.f32 v47, v30;
	v30 =	vmul.f32 v59, v59  }
0xff: {  	v8 =	vsub.f32 v36, v41;
	v2 =	vsub.f32 v13, v41;
	v41 =	vld [tilespmem:$0x1FFC0]  }
0x100: {  	s10 =	sor.u32 $0x5, s2;
	v36 =	vld [tilespmem:s9+$0x60];
	[tilespmem:$0x1FD70] =	vst v55;
	v55 =	vadd.f32 v50, v54;
	v13 =	vadd.f32 v30, v58;
	v58 =	vmul.f32 v35, v44  }
0x101: {  	s14 =	sor.u32 s4, s10;
	v62 =	vmul.f32 $7.812500000e-03, v39;
	v54 =	vld [tilespmem:$0x1FFE0]  }
0x102: {  	[tilespmem:$0x1FD50] =	vst v8;
	v8 =	vmul.f32 v48, v42;
	v53 =	vmov s14;
	v1 =	vadd.f32 v58, v55;
	v58 =	vld [tilespmem:$0x1FEE0]  }
0x103: {  	v49 =	vld [tilespmem:s18+$0x6470];
	v47 =	vadd.f32 $0.0e+00, v57;
	v4 =	vadd.f32 v4, v18;
	v3 =	vmul.f32 v3, v12  }
0x104: {  	v48 =	vmul.f32 v61, v61;
	v34 =	vadd.f32 v34, v19;
	v42 =	vadd.f32 v9, v41;
	v9 =	vld [tilespmem:s9+$0x70]  }
0x105: {  	s26 =	smulhi.u32 $0x51EB851F, s14;
	v39 =	vmul.f32 v51, v12;
	v55 =	vmul.f32 v36, v44;
	v36 =	vadd.f32 v3, v4;
	v4 =	vld [tilespmem:s19+$0x6440]  }
0x106: {  	v14 =	vmul.f32 v14, v12;
	v13 =	vadd.f32 v48, v13;
	v63 =	vadd.f32 v45, v42;
	v42 =	vld [tilespmem:s19+$0x6430]  }
0x107: {  	v35 =	vand.u32 $0xFFFFFFFD, v53;
	s9 =	sshrl.u32 s26, $0x6;
	v46 =	vadd.f32 v46, v54;
	v54 =	vld [tilespmem:$0x1FFF0];
	v60 =	vadd.f32 v60, v58  }
0x108: {  	v48 =	vbroadcast v35, $0x0;
	v35 =	vadd.f32 v39, v34;
	s9 =	smul.u32 $0xC8, s9;
	v45 =	vadd.f32 v52, v47;
	v47 =	vld [tilespmem:s11+$0x30]  }
0x109: {  	v30 =	vmul.f32 v63, v63;
	v37 =	vadd.f32 v14, v60;
	v60 =	vld [tilespmem:$0x1FFC0]  }
0x10a: {  	v51 =	vmul.f32 v1, v1;
	v53 =	vmul.f32 v35, v35;
	s14 =	ssub.s32 s14, s9  }
0x10b: {  	v41 =	vld [tilespmem:s11+$0x40];
	v3 =	vadd.f32 v55, v46;
	s14 =	sshll.u32 s14, $0x7;
	v13 =	vadd.f32 v30, v13;
	v30 =	vmul.f32 v36, v36  }
0x10c: {  	v44 =	vmul.f32 v9, v44;
	v34 =	vld [tilespmem:s14+$0x0];
	v55 =	vadd.f32 v49, v54;
	v42 =	vadd.f32 v42, v21  }
0x10d: {  	v47 =	vmul.f32 v47, v12;
	v49 =	vld [tilespmem:s11+$0x50];
	v46 =	vadd.f32 v53, v30;
	v13 =	vadd.f32 v51, v13  }
0x10e: {  	v9 =	vld.idx.msk [tilespmem:v48+s16+$0x0], $0xffff;
	v53 =	vmul.f32 v3, v3;
	v30 =	vadd.f32 v4, v60;
	v4 =	vadd.f32 v44, v55  }
0x10f: {  	v48 =	vld [tilespmem:s14+$0x10];
	v39 =	vadd.f32 v47, v42;
	v58 =	vmul.f32 v37, v37  }
0x110: {  	v43 =	vmul.f32 $7.812500000e-03, v43;
	s9 =	sshll.u32 s10, $0x7;
	v14 =	vld [tilespmem:s19+$0x6450];
	v13 =	vadd.f32 v53, v13;
	v60 =	vmul.f32 v4, v4  }
0x111: {  	v41 =	vmul.f32 v41, v12;
	v47 =	vld [tilespmem:s9+$0x6400];
	v54 =	vadd.f32 v58, v46;
	v55 =	vmul.f32 v39, v39  }
0x112: {  	v45 =	vadd.f32 v59, v45;
	v58 =	vmul.f32 v62, v62;
	v13 =	vadd.f32 v60, v13;
	v60 =	vld [tilespmem:$0x1FFD0]  }
0x113: {  	v42 =	vadd.f32 v41, v30;
	v41 =	vld [tilespmem:s9+$0x6410];
	v44 =	vadd.f32 v55, v54  }
0x114: {  	v55 =	vmul.f32 v8, v40;
	v40 =	vsub.f32 v43, v58;
	v43 =	vadd.f32 v61, v45;
	v45 =	vld [tilespmem:s9+$0x6420]  }
0x115: {  	v54 =	vld [tilespmem:s11+$0x60];
	v30 =	vmul.f32 v42, v42  }
0x116: {  	v7 =	vsub.f32 v7, v15;
	v58 =	vmul.f32 v8, v38;
	[tilespmem:$0x1FD80] =	vst v55;
	v55 =	vld [tilespmem:$0x1FEE0]  }
0x117: {  	v38 =	vadd.f32 v30, v44;
	v44 =	vld [tilespmem:s14+$0x20];
	v30 =	vmul.f32 v49, v12;
	v14 =	vadd.f32 v14, v60  }
0x118: {  	v15 =	vsub.f32 $1.500000000e+00, v0;
	s10 =	sor.u32 $0x6, s2;
	v53 =	vld [tilespmem:s19+$0x6460];
	v34 =	vmul.f32 v34, v9;
	v47 =	vadd.f32 v47, v18  }
0x119: {  	s26 =	sor.u32 s4, s10;
	v48 =	vmul.f32 v48, v9;
	v41 =	vadd.f32 v41, v19;
	v49 =	vadd.f32 v30, v14;
	v14 =	vld [tilespmem:$0x1FFE0]  }
0x11a: {  	v15 =	vmul.f32 v16, v15;
	v0 =	vmov s26;
	v60 =	vmul.f32 v8, v17  }
0x11b: {  	v51 =	vld [tilespmem:s9+$0x6430];
	v47 =	vadd.f32 v34, v47;
	[tilespmem:$0x1FD90] =	vst v58;
	v50 =	vmul.f32 v54, v12;
	v46 =	vadd.f32 v48, v41  }
0x11c: {  	v17 =	vld [tilespmem:s14+$0x30];
	v58 =	vadd.f32 v45, v55;
	v45 =	vand.u32 $0xFFFFFFFE, v0;
	[tilespmem:$0x1FDA0] =	vst v60;
	v60 =	vmul.f32 v44, v9  }
0x11d: {  	v16 =	vld [tilespmem:s9+$0x6440];
	v54 =	vmul.f32 v47, v47;
	v34 =	vbroadcast v45, $0x0  }
0x11e: {  	v45 =	vld [tilespmem:s19+$0x6470];
	v55 =	vmul.f32 v46, v46;
	v48 =	vadd.f32 v60, v58;
	v30 =	vadd.f32 v53, v14  }
0x11f: {  	v44 =	vld [tilespmem:s14+$0x40]  }
0x120: {  	v58 =	vld [tilespmem:$0x1FFC0];
	v14 =	vadd.f32 v55, v54;
	v60 =	vadd.f32 v50, v30;
	v30 =	vmul.f32 v48, v48  }
0x121: {  	v51 =	vadd.f32 v51, v21;
	v17 =	vmul.f32 v17, v9;
	v53 =	vld [tilespmem:s11+$0x70]  }
0x122: {  	v14 =	vadd.f32 v30, v14;
	v30 =	vld [tilespmem:$0x1FFF0]  }
0x123: {  	v51 =	vadd.f32 v17, v51;
	_ =	sdelay $0x1  }
0x124: {  	v41 =	vmul.f32 v49, v49;
	s11 =	smulhi.u32 $0x51EB851F, s26;
	v54 =	vld [tilespmem:s9+$0x6450];
	v50 =	vmul.f32 v51, v51  }
0x125: {  	v17 =	vmul.f32 v44, v9;
	v44 =	vld [tilespmem:s14+$0x50];
	v16 =	vadd.f32 v16, v58;
	v53 =	vmul.f32 v53, v12  }
0x126: {  	v55 =	vld [tilespmem:s9+$0x6460];
	s11 =	sshrl.u32 s11, $0x6;
	v14 =	vadd.f32 v50, v14;
	v50 =	vmul.f32 v8, v33;
	v45 =	vadd.f32 v45, v30  }
0x127: {  	s11 =	smul.u32 $0xC8, s11;
	v58 =	vadd.f32 v17, v16;
	v16 =	vld [tilespmem:s14+$0x60]  }
0x128: {  	v38 =	vadd.f32 v41, v38;
	v41 =	vmul.f32 v60, v60;
	[tilespmem:$0x1FDB0] =	vst v50;
	v50 =	vadd.f32 v53, v45;
	v53 =	vld [tilespmem:$0x1FFD0]  }
0x129: {  	v43 =	vadd.f32 v63, v43;
	v17 =	vmul.f32 v15, v5;
	s26 =	ssub.s32 s26, s11;
	v12 =	vld.idx.msk [tilespmem:v34+s16+$0x0], $0xffff;
	s11 =	sshll.u32 s10, $0x7  }
0x12a: {  	v38 =	vadd.f32 v41, v38;
	v34 =	vmul.f32 v58, v58;
	v41 =	vld [tilespmem:s11+$0x6400];
	s26 =	sshll.u32 s26, $0x7  }
0x12b: {  	v11 =	vmul.f32 v8, v11;
	v33 =	vadd.f32 v1, v43;
	v43 =	vld [tilespmem:s26+$0x0];
	v30 =	vmul.f32 v17, v15  }
0x12c: {  	v14 =	vadd.f32 v34, v14;
	v34 =	vmul.f32 v8, v10;
	v10 =	vld [tilespmem:s26+$0x10];
	v45 =	vmul.f32 v8, v7  }
0x12d: {  	[tilespmem:$0x1FDC0] =	vst v11;
	v44 =	vmul.f32 v44, v9;
	v17 =	vld [tilespmem:s11+$0x6410];
	v11 =	vsub.f32 $1.500000000e+00, v30;
	v30 =	vadd.f32 v54, v53  }
0x12e: {  	[tilespmem:$0x1FDE0] =	vst v45;
	v45 =	vmul.f32 v8, v6;
	v6 =	vadd.f32 $9.999999960e-13, v40;
	v54 =	vld [tilespmem:$0x1FFE0]  }
0x12f: {  	v53 =	vadd.f32 $0.0e+00, v36;
	v40 =	vadd.f32 v44, v30  }
0x130: {  	v16 =	vmul.f32 v16, v9;
	v7 =	vadd.f32 v3, v33  }
0x131: {  	v0 =	vadd.f32 v41, v18;
	[tilespmem:$0x1FDF0] =	vst v45;
	v45 =	vadd.f32 v35, v53;
	v53 =	vmul.f32 v40, v40  }
0x132: {  	v41 =	vld [tilespmem:s11+$0x6420];
	v8 =	vmul.f32 v11, v15;
	v10 =	vmul.f32 v10, v12;
	v17 =	vadd.f32 v17, v19  }
0x133: {  	v30 =	vmul.f32 v43, v12;
	v55 =	vadd.f32 v55, v54;
	v11 =	vadd.f32 v53, v14;
	v53 =	vld [tilespmem:$0x1FEE0]  }
0x134: {  	v7 =	vadd.f32 v4, v7;
	v33 =	vadd.f32 v10, v17;
	v43 =	vld [tilespmem:s26+$0x20]  }
0x135: {  	[tilespmem:$0x1FDD0] =	vst v34;
	v15 =	vld [tilespmem:s26+$0x30];
	v34 =	vadd.f32 v30, v0;
	v55 =	vadd.f32 v16, v55  }
0x136: {  	(xrf2) =	vadd.scan.msk.f32 $0xffff, v7;
	v10 =	vld [tilespmem:s11+$0x6430];
	v17 =	vmul.f32 v33, v33;
	v54 =	vmul.f32 v50, v50  }
0x137: {  	(xrf2) =	vadd.scan.msk.f32 $0xffff, v13;
	v44 =	vld [tilespmem:s11+$0x6440];
	v30 =	vmul.f32 v34, v34;
	v0 =	vmul.f32 v55, v55  }
0x138: {  	v16 =	vadd.f32 v54, v38;
	v54 =	vadd.f32 v41, v53;
	v41 =	vld [tilespmem:s26+$0x40]  }
0x139: {  	v13 =	vadd.f32 v17, v30;
	v30 =	vld [tilespmem:$0x1FFC0];
	v11 =	vadd.f32 v0, v11;
	v0 =	vmul.f32 v43, v12  }
0x13a: {  	v18 =	vld [tilespmem:$0x1FFF0];
	v7 =	vadd.f32 v37, v45  }
0x13b: {  	v45 =	vld [tilespmem:s14+$0x70];
	v38 =	vadd.f32 v0, v54  }
0x13c: {  	v15 =	vmul.f32 v15, v12;
	v10 =	vadd.f32 v10, v21;
	v7 =	vadd.f32 v39, v7;
	v54 =	vld [tilespmem:s9+$0x6470]  }
0x13d: {  	v17 =	vshra.s32 v6, $0x1;
	v43 =	vmul.f32 v38, v38;
	v41 =	vmul.f32 v41, v12  }
0x13e: {  	v6 =	vmul.f32 $5.000000000e-01, v6;
	v7 =	vadd.f32 v42, v7;
	v44 =	vadd.f32 v44, v30  }
0x13f: {  	v14 =	vsub.s32 $0x5F3759DF, v17;
	v13 =	vadd.f32 v43, v13;
	v43 =	vadd.f32 v15, v10  }
0x140: {  	v17 =	vmov s18;
	v9 =	vmul.f32 v45, v9;
	v0 =	vmul.f32 v14, v6;
	v30, _, _ =	vpop (xrf2)  }
0x141: {  	[tilespmem:s18+$0xFE00] =	vst v30;
	v15 =	vld [tilespmem:s11+$0x6450];
	v44 =	vadd.f32 v41, v44;
	v30 =	vadd.f32 v54, v18;
	v54 =	vmul.f32 v43, v43;
	v41, _, _ =	vpop (xrf2)  }
0x142: {  	v7 =	vadd.f32 v49, v7;
	v53 =	vor.u32 $0xF, v17;
	v17 =	vor.u32 $0x1F, v17;
	[tilespmem:s18+$0xFE10] =	vst v41;
	v41 =	vld [tilespmem:s26+$0x50]  }
0x143: {  	v0 =	vmul.f32 v14, v0;
	v30 =	vadd.f32 v9, v30;
	v9 =	vadd.f32 v54, v13;
	v54 =	vld [tilespmem:$0x1FFD0];
	_ =	sdelay $0x1  }
0x144: {  	v7 =	vadd.f32 v60, v7;
	v0 =	vsub.f32 $1.500000000e+00, v0;
	_ =	sdelay $0x1  }
0x145: {  	v7 =	vadd.f32 v50, v7;
	v0 =	vmul.f32 v14, v0;
	v45 =	vld.idx.msk [tilespmem:v53+s22+$0x0], $0xffff  }
0x146: {  	v14 =	vld.idx.msk [tilespmem:v17+s22+$0x0], $0xffff;
	v53 =	vmul.f32 v44, v44;
	v15 =	vadd.f32 v15, v54;
	v17 =	vmul.f32 v41, v12  }
0x147: {  	v10 =	vadd.f32 $0.0e+00, v47;
	v18 =	vmul.f32 v8, v5  }
0x148: {  	(xrf2) =	vadd.scan.msk.f32 $0xffff, v7;
	v9 =	vadd.f32 v53, v9;
	v53 =	vadd.f32 v17, v15  }
0x149: {  	v10 =	vadd.f32 v46, v10;
	v7 =	vmul.f32 v18, v8;
	v18 =	vmul.f32 v0, v6;
	(xrf2) =	vadd.scan.msk.f32 $0xffff, v16;
	v16 =	vld [tilespmem:s26+$0x70]  }
0x14a: {  	v41 =	vld [tilespmem:s26+$0x60];
	v13 =	vmul.f32 $7.812500000e-03, v45;
	v45 =	vmul.f32 v53, v53  }
0x14b: {  	v10 =	vadd.f32 v48, v10;
	v7 =	vsub.f32 $1.500000000e+00, v7;
	v54 =	vld [tilespmem:s11+$0x6460]  }
0x14c: {  	v5 =	vmul.f32 v18, v0;
	v9 =	vadd.f32 v45, v9;
	v45 =	vld [tilespmem:$0x1FFE0]  }
0x14d: {  	v10 =	vadd.f32 v51, v10;
	v7 =	vmul.f32 v7, v8  }
0x14e: {  	v14 =	vmul.f32 $7.812500000e-03, v14;
	v15 =	vsub.f32 $1.500000000e+00, v5;
	v17 =	vmul.f32 v13, v13  }
0x14f: {  	v10 =	vadd.f32 v58, v10  }
0x150: {  	v32 =	vmul.f32 v7, v32;
	v8 =	vsub.f32 v14, v17;
	v14 =	vmul.f32 v15, v0  }
0x151: {  	v0 =	vmul.f32 v41, v12;
	v12 =	vmul.f32 v16, v12;
	v16 =	vadd.f32 v54, v45;
	v45 =	vld [tilespmem:$0x1FD50]  }
0x152: {  	v10 =	vadd.f32 v40, v10;
	v15 =	vmul.f32 v7, v56  }
0x153: {  	v18 =	vmul.f32 v30, v30;
	[tilespmem:$0x1FE20] =	vst v32;
	v5 =	vld [tilespmem:$0x1FD60];
	v17, _, _ =	vpop (xrf2)  }
0x154: {  	v10 =	vadd.f32 v55, v10;
	v56 =	vmul.f32 v7, v20;
	[tilespmem:$0x1FE00] =	vst v15;
	v54, _, _ =	vpop (xrf2)  }
0x155: {  	v11 =	vadd.f32 v18, v11;
	v41 =	vmov s19;
	[tilespmem:s19+$0xFE10] =	vst v54;
	v54 =	vld [tilespmem:$0x1FD70]  }
0x156: {  	v10 =	vadd.f32 v30, v10;
	[tilespmem:$0x1FE10] =	vst v56;
	v32 =	vadd.f32 v0, v16;
	v0 =	vmul.f32 v7, v45  }
0x157: {  	v18 =	vor.u32 $0xF, v41;
	v6 =	vmul.f32 v14, v6;
	v15 =	vor.u32 $0x1F, v41;
	[tilespmem:s19+$0xFE00] =	vst v17  }
0x158: {  	(xrf2) =	vadd.scan.msk.f32 $0xffff, v10;
	v8 =	vadd.f32 $9.999999960e-13, v8;
	v17 =	vld [tilespmem:s11+$0x6470];
	[tilespmem:$0x1FE40] =	vst v0;
	v0 =	vmul.f32 v7, v5  }
0x159: {  	v41 =	vmul.f32 v7, v31;
	v56 =	vadd.f32 $0.0e+00, v34;
	v10 =	vmul.f32 v7, v2;
	(xrf2) =	vadd.scan.msk.f32 $0xffff, v11;
	v45 =	vld [tilespmem:$0x1FFF0]  }
0x15a: {  	v31 =	vshra.s32 v8, $0x1;
	v16 =	vmul.f32 $5.000000000e-01, v8;
	[tilespmem:$0x1FE50] =	vst v0;
	v0 =	vmul.f32 v7, v54  }
0x15b: {  	[tilespmem:$0x1FE30] =	vst v41;
	v6 =	vmul.f32 v6, v14;
	v41 =	vadd.f32 v33, v56;
	v11 =	vsub.s32 $0x5F3759DF, v31  }
0x15c: {  	[tilespmem:$0x1FE70] =	vst v0;
	v0 =	vmul.f32 v11, v16  }
0x15d: {  	[tilespmem:$0x1FE60] =	vst v10;
	v2 =	vsub.f32 $1.500000000e+00, v6;
	v56 =	vadd.f32 v38, v41;
	v8 =	vld.idx.msk [tilespmem:v18+s22+$0x0], $0xffff  }
0x15e: {  	v6 =	vsub.f32 v26, v62;
	v15 =	vld.idx.msk [tilespmem:v15+s22+$0x0], $0xffff;
	v17 =	vadd.f32 v17, v45;
	v10 =	vmul.f32 v11, v0  }
0x15f: {  	v14 =	vmul.f32 v2, v14;
	v18 =	vmul.f32 v32, v32;
	v7 =	vadd.f32 v43, v56  }
0x160: {  	s10 =	sor.u32 $0x7, s2;
	v31 =	vadd.f32 v12, v17;
	v17 =	vmov s9;
	v2 =	vsub.f32 $1.500000000e+00, v10  }
0x161: {  	s14 =	sor.u32 s4, s10;
	v9 =	vadd.f32 v18, v9;
	v18 =	vsub.f32 v28, v62;
	v28 =	vor.u32 $0xF, v17  }
0x162: {  	v26 =	vmov s14;
	v7 =	vadd.f32 v44, v7;
	v12 =	vmul.f32 $7.812500000e-03, v8  }
0x163: {  	v19, _, _ =	vpop (xrf2);
	v41 =	vmul.f32 $7.812500000e-03, v15;
	v45 =	vor.u32 $0x1F, v17;
	v0 =	vsub.f32 v25, v62  }
0x164: {  	s26 =	smulhi.u32 $0x51EB851F, s14;
	[tilespmem:s9+$0xFE00] =	vst v19;
	v19 =	vadd.f32 v53, v7;
	v17 =	vmul.f32 v12, v12;
	v21 =	vmul.f32 v11, v2;
	v2, _, _ =	vpop (xrf2)  }
0x165: {  	v25 =	vsub.f32 v29, v62;
	v29 =	vsub.f32 v52, v13;
	v20 =	vmul.f32 v31, v31;
	[tilespmem:s9+$0xFE10] =	vst v2  }
0x166: {  	s26 =	sshrl.u32 s26, $0x6;
	v7 =	vadd.f32 v32, v19;
	v17 =	vsub.f32 v41, v17;
	v41 =	vmul.f32 v14, v18;
	v18 =	vld.idx.msk [tilespmem:v28+s22+$0x0], $0xffff  }
0x167: {  	s26 =	smul.u32 $0xC8, s26;
	v56 =	vmul.f32 v14, v0;
	v54 =	vmul.f32 v14, v25;
	v25 =	vsub.f32 v23, v62  }
0x168: {  	v19 =	vsub.f32 v27, v62;
	v11 =	vmul.f32 v14, v6;
	v10 =	vadd.f32 v31, v7;
	v27 =	vld.idx.msk [tilespmem:v45+s22+$0x0], $0xffff  }
0x169: {  	s26 =	ssub.s32 s14, s26;
	v20 =	vadd.f32 v20, v9;
	v9 =	vmul.f32 v14, v25;
	v0 =	vmul.f32 v21, v16  }
0x16a: {  	s26 =	sshll.u32 s26, $0x7;
	v5 =	vld [tilespmem:$0x1FF90];
	v17 =	vadd.f32 $9.999999960e-13, v17;
	(xrf2) =	vadd.scan.msk.f32 $0xffff, v10;
	v45 =	vmul.f32 v14, v19;
	v19 =	vsub.f32 v22, v62  }
0x16b: {  	v52 =	vld [tilespmem:s26+$0x10];
	v2 =	vsub.f32 v24, v62;
	(xrf2) =	vadd.scan.msk.f32 $0xffff, v20;
	v28 =	vmul.f32 v0, v21;
	v15 =	vmul.f32 $7.812500000e-03, v18  }
0x16c: {  	v6 =	vld [tilespmem:$0x1FFA0];
	v20 =	vmul.f32 $5.000000000e-01, v17;
	v17 =	vshra.s32 v17, $0x1;
	v10 =	vmul.f32 v14, v19  }
0x16d: {  	s14 =	sshll.u32 s10, $0x7;
	v19 =	vld.idx.msk [tilespmem:v26+s16+$0x0], $0xffff;
	v18 =	vsub.f32 $1.500000000e+00, v28;
	v25 =	vmul.f32 $7.812500000e-03, v27;
	v26 =	vmul.f32 v15, v15  }
0x16e: {  	v17 =	vsub.s32 $0x5F3759DF, v17;
	v8 =	vmul.f32 v14, v2;
	v27 =	vld [tilespmem:s14+$0x6400]  }
0x16f: {  	v14 =	vmul.f32 v18, v21;
	v21 =	vsub.f32 v25, v26;
	v25 =	vmul.f32 v17, v20;
	v26 =	vld [tilespmem:s14+$0x6410]  }
0x170: {  	v24 =	vsub.f32 v3, v13  }
0x171: {  	v23 =	vld [tilespmem:s14+$0x6420];
	v62 =	vsub.f32 v63, v13;
	v22 =	vsub.f32 v1, v13;
	v25 =	vmul.f32 v17, v25  }
0x172: {  	v28 =	vsub.f32 v57, v13;
	v57 =	vsub.f32 v59, v13;
	v18 =	vld [tilespmem:s26+$0x0]  }
0x173: {  	v2 =	vld [tilespmem:s26+$0x30];
	v59 =	vsub.f32 v61, v13;
	v61 =	vmov s11;
	v1 =	vsub.f32 $1.500000000e+00, v25  }
0x174: {  	v52 =	vmul.f32 v52, v19;
	v3 =	vadd.f32 v27, v5;
	v27, _, _ =	vpop (xrf2);
	v5 =	vld [tilespmem:s14+$0x6430];
	v26 =	vadd.f32 v26, v6  }
0x175: {  	v63 =	vor.u32 $0xF, v61;
	v16 =	vmul.f32 v14, v16;
	v7, _, _ =	vpop (xrf2);
	v17 =	vmul.f32 v17, v1;
	v1 =	vld [tilespmem:$0x1FFB0]  }
0x176: {  	[tilespmem:s11+$0xFE10] =	vst v7;
	v7 =	vadd.f32 v52, v26;
	v52 =	vld [tilespmem:$0x1FEE0]  }
0x177: {  	v16 =	vmul.f32 v16, v14;
	v18 =	vmul.f32 v18, v19;
	v25 =	vld [tilespmem:s26+$0x20]  }
0x178: {  	v0 =	vld [tilespmem:s26+$0x40];
	v13 =	vsub.f32 v4, v13;
	v21 =	vadd.f32 $9.999999960e-13, v21  }
0x179: {  	[tilespmem:s11+$0xFE00] =	vst v27;
	v27 =	vor.u32 $0x1F, v61;
	v61 =	vld [tilespmem:s14+$0x6440];
	v4 =	vsub.f32 $1.500000000e+00, v16;
	v6 =	vadd.f32 v18, v3  }
0x17a: {  	v16 =	vld.idx.msk [tilespmem:v63+s22+$0x0], $0xffff;
	v18 =	vshra.s32 v21, $0x1;
	v21 =	vmul.f32 $5.000000000e-01, v21;
	v63 =	vmul.f32 v7, v7  }
0x17b: {  	v5 =	vadd.f32 v5, v1;
	v1 =	vld [tilespmem:$0x1FFC0];
	v23 =	vadd.f32 v23, v52;
	v52 =	vmul.f32 v6, v6  }
0x17c: {  	v2 =	vmul.f32 v2, v19;
	v18 =	vsub.s32 $0x5F3759DF, v18;
	v25 =	vmul.f32 v25, v19  }
0x17d: {  	v26 =	vmul.f32 v17, v20;
	v63 =	vadd.f32 v63, v52;
	v52 =	vmul.f32 v18, v21  }
0x17e: {  	v0 =	vmul.f32 v0, v19;
	v14 =	vmul.f32 v4, v14;
	v25 =	vadd.f32 v25, v23  }
0x17f: {  	v26 =	vmul.f32 v26, v17;
	v4 =	vadd.f32 v2, v5;
	v5 =	vmul.f32 v18, v52  }
0x180: {  	v27 =	vld.idx.msk [tilespmem:v27+s22+$0x0], $0xffff;
	v52 =	vmul.f32 $7.812500000e-03, v16;
	v16 =	vadd.f32 v61, v1;
	v23 =	vmul.f32 v25, v25  }
0x181: {  	v2 =	vsub.f32 $1.500000000e+00, v26  }
0x182: {  	v23 =	vadd.f32 v23, v63;
	v26 =	vadd.f32 v0, v16;
	v0 =	vmul.f32 v4, v4  }
0x183: {  	v61 =	vld [tilespmem:s14+$0x6450]  }
0x184: {  	v5 =	vsub.f32 $1.500000000e+00, v5;
	v16 =	vadd.f32 v0, v23;
	v0 =	vmul.f32 v14, v57;
	v57 =	vld [tilespmem:$0x1FFD0]  }
0x185: {  	v27 =	vmul.f32 $7.812500000e-03, v27;
	v1 =	vmul.f32 v52, v52  }
0x186: {  	v5 =	vmul.f32 v18, v5;
	v23 =	vmul.f32 v26, v26  }
0x187: {  	v3 =	vld [tilespmem:s26+$0x50];
	v18 =	vsub.f32 v27, v1;
	v1 =	vmul.f32 v14, v28;
	v28 =	vadd.f32 $0.0e+00, v6  }
0x188: {  	v63 =	vld [tilespmem:s14+$0x6460];
	v23 =	vadd.f32 v23, v16;
	v16 =	vmul.f32 v14, v59  }
0x189: {  	v59 =	vmul.f32 v14, v22;
	v22 =	vadd.f32 v7, v28;
	v28 =	vadd.f32 v61, v57;
	v61 =	vld [tilespmem:$0x1FFE0];
	_ =	sdelay $0x1  }
0x18a: {  	v17 =	vmul.f32 v2, v17;
	v2 =	vmul.f32 v14, v29;
	v29 =	vld [tilespmem:s26+$0x70]  }
0x18b: {  	v62 =	vmul.f32 v14, v62;
	v13 =	vmul.f32 v14, v13;
	v27 =	vld [tilespmem:s26+$0x60];
	v22 =	vadd.f32 v25, v22  }
0x18c: {  	v3 =	vmul.f32 v3, v19;
	v20 =	vmul.f32 v17, v20;
	v57 =	vld [tilespmem:s14+$0x6470]  }
0x18d: {  	v63 =	vadd.f32 v63, v61;
	v61 =	vmul.f32 v14, v24;
	v14 =	vadd.f32 v4, v22;
	v22 =	vld [tilespmem:$0x1FFF0];
	_ =	sdelay $0x1  }
0x18e: {  	v28 =	vadd.f32 v3, v28;
	v3 =	vmul.f32 v20, v17;
	v20 =	vmul.f32 v5, v21  }
0x18f: {  	v27 =	vmul.f32 v27, v19  }
0x190: {  	v19 =	vmul.f32 v29, v19;
	v3 =	vsub.f32 $1.500000000e+00, v3;
	v20 =	vmul.f32 v20, v5  }
0x191: {  	v24 =	vmul.f32 v28, v28;
	v27 =	vadd.f32 v27, v63;
	v22 =	vadd.f32 v57, v22  }
0x192: {  	v3 =	vmul.f32 v3, v17;
	v17 =	vsub.f32 $1.500000000e+00, v20;
	v14 =	vadd.f32 v26, v14  }
0x193: {  	v23 =	vadd.f32 v24, v23;
	v29 =	vadd.f32 v19, v22;
	v19 =	vmul.f32 v27, v27  }
0x194: {  	v20 =	vsub.f32 v36, v12;
	v14 =	vadd.f32 v28, v14  }
0x195: {  	v24 =	vsub.f32 v60, v12;
	v19 =	vadd.f32 v19, v23;
	v22 =	vmul.f32 v29, v29  }
0x196: {  	v5 =	vmul.f32 v17, v5;
	v17 =	vadd.f32 $9.999999960e-13, v18;
	v14 =	vadd.f32 v27, v14  }
0x197: {  	v36 =	vmul.f32 v3, v20;
	v18 =	vadd.f32 v22, v19;
	v19 =	vsub.f32 v35, v12  }
0x198: {  	v20 =	vshra.s32 v17, $0x1;
	v14 =	vadd.f32 v29, v14;
	v23 =	vsub.f32 v49, v12  }
0x199: {  	v35 =	vmul.f32 v3, v19;
	v19 =	vsub.s32 $0x5F3759DF, v20;
	v20 =	vmul.f32 v5, v21  }
0x19a: {  	v49 =	vmul.f32 v3, v24;
	v22 =	vmul.f32 $5.000000000e-01, v17;
	v17 =	vsub.f32 v37, v12  }
0x19b: {  	v39 =	vsub.f32 v39, v12;
	(xrf2) =	vadd.scan.msk.f32 $0xffff, v14;
	v37 =	vmul.f32 v3, v23;
	v20 =	vmul.f32 v20, v5  }
0x19c: {  	(xrf2) =	vadd.scan.msk.f32 $0xffff, v18;
	v17 =	vmul.f32 v3, v17;
	v18 =	vsub.f32 v42, v12;
	v21 =	vmul.f32 v19, v22  }
0x19d: {  	v60 =	vld [tilespmem:$0x1FED0];
	v12 =	vsub.f32 v50, v12;
	v50 =	vmul.f32 v3, v39;
	v57 =	vsub.f32 $1.500000000e+00, v20  }
0x19e: {  	v24 =	vld [tilespmem:$0x1FDB0];
	v42 =	vmul.f32 v3, v18;
	v21 =	vmul.f32 v19, v21  }
0x19f: {  	v39 =	vmul.f32 v3, v12;
	v3 =	vmul.f32 v57, v5;
	v57 =	vld [tilespmem:$0x1FD80]  }
0x1a0: {  	v23 =	vld [tilespmem:$0x1FEA0];
	v18 =	vsub.f32 $1.500000000e+00, v21  }
0x1a1: {  	v20 =	vld [tilespmem:$0x1FDA0]  }
0x1a2: {  	v5 =	vmul.f32 v19, v18;
	v18 =	vld [tilespmem:$0x1FD90]  }
0x1a3: {  	v19 =	vld [tilespmem:$0x1FEB0]  }
0x1a4: {  	v12 =	vmul.f32 v57, v60;
	v60 =	vld [tilespmem:$0x1FEC0];
	_ =	sdelay $0x1  }
0x1a5: {  	v58 =	vsub.f32 v58, v15;
	v40 =	vsub.f32 v40, v15  }
0x1a6: {  	v23 =	vmul.f32 v24, v23;
	v24 =	vsub.f32 v46, v15;
	v46 =	vsub.f32 v48, v15;
	v48, _, _ =	vpop (xrf2)  }
0x1a7: {  	v30 =	vsub.f32 v30, v15;
	[tilespmem:s14+$0xFE00] =	vst v48;
	v48 =	vld [tilespmem:$0x1FE90];
	v57 =	vsub.f32 v51, v15  }
0x1a8: {  	v19 =	vmul.f32 v20, v19;
	v20 =	vsub.f32 v47, v15;
	v14 =	vmul.f32 v18, v60  }
0x1a9: {  	v60 =	vsub.f32 v55, v15;
	v15 =	vmul.f32 v3, v40;
	v40 =	vmul.f32 v3, v30;
	v30 =	vld [tilespmem:$0x1FF40]  }
0x1aa: {  	v55 =	vmul.f32 v5, v22  }
0x1ab: {  	v51, _, _ =	vpop (xrf2);
	v47 =	vmul.f32 v3, v24  }
0x1ac: {  	[tilespmem:s14+$0xFE10] =	vst v51;
	v51 =	vmul.f32 v3, v20;
	v20 =	vadd.f32 v12, v48;
	v24 =	vmul.f32 v55, v5;
	v55 =	vld [tilespmem:$0x1FE80]  }
0x1ad: {  	v12 =	vmul.f32 v3, v60;
	v60 =	vld [tilespmem:$0x1FF30]  }
0x1ae: {  	[tilespmem:s3+$0xA400] =	vst v20;
	v20 =	vadd.f32 v23, v30;
	v30 =	vld [tilespmem:$0x1FF00]  }
0x1af: {  	v23 =	vld [tilespmem:$0x1FDD0]  }
0x1b0: {  	v48 =	vmul.f32 v3, v46;
	v18 =	vmov s14  }
0x1b1: {  	v46 =	vmul.f32 v3, v58;
	v58 =	vld [tilespmem:$0x1FEF0];
	v21 =	vor.u32 $0xF, v18;
	v18 =	vor.u32 $0x1F, v18  }
0x1b2: {  	v14 =	vadd.f32 v14, v55;
	v55 =	vmul.f32 v3, v57;
	v3 =	vadd.f32 v19, v60;
	v19 =	vld [tilespmem:$0x1FDC0];
	_ =	sdelay $0x1  }
0x1b3: {  	v23 =	vmul.f32 v23, v30;
	v30 =	vld [tilespmem:$0x1FF50]  }
0x1b4: {  	v63 =	vld [tilespmem:$0x1FF60]  }
0x1b5: {  	v21 =	vld.idx.msk [tilespmem:v21+s22+$0x0], $0xffff  }
0x1b6: {  	v18 =	vld.idx.msk [tilespmem:v18+s22+$0x0], $0xffff;
	v19 =	vmul.f32 v19, v58  }
0x1b7: {  	v57 =	vld [tilespmem:$0x1FF20]  }
0x1b8: {  	v24 =	vsub.f32 $1.500000000e+00, v24;
	[tilespmem:s3+$0xA420] =	vst v3;
	v3 =	vadd.f32 v19, v30;
	v30 =	vld [tilespmem:$0x1FF10]  }
0x1b9: {  	v19 =	vld [tilespmem:$0x1FDE0]  }
0x1ba: {  	[tilespmem:s3+$0xA410] =	vst v14;
	v14 =	vmul.f32 v24, v5;
	v24 =	vld [tilespmem:$0x1FE00]  }
0x1bb: {  	[tilespmem:s3+$0xA430] =	vst v20;
	v5 =	vmul.f32 $7.812500000e-03, v21;
	v21 =	vld [tilespmem:$0x1FDF0];
	v20 =	vadd.f32 v23, v63  }
0x1bc: {  	v23 =	vld [tilespmem:$0x1FED0]  }
0x1bd: {  	[tilespmem:s3+$0xA450] =	vst v20;
	v20 =	vld [tilespmem:$0x1FF80]  }
0x1be: {  	v19 =	vmul.f32 v19, v30;
	v30 =	vld [tilespmem:$0x1FF70];
	_ =	sdelay $0x1  }
0x1bf: {  	v21 =	vmul.f32 v21, v57  }
0x1c0: {  	v23 =	vmul.f32 v24, v23;
	v24 =	vld [tilespmem:$0x1FE10]  }
0x1c1: {  	v20 =	vadd.f32 v21, v20;
	v21 =	vld [tilespmem:$0x1FEC0]  }
0x1c2: {  	v18 =	vmul.f32 $7.812500000e-03, v18;
	[tilespmem:s3+$0xA440] =	vst v3;
	v3 =	vadd.f32 v19, v30;
	v19 =	vmul.f32 v5, v5;
	_ =	sdelay $0x1  }
0x1c3: {  	[tilespmem:s3+$0xA460] =	vst v3;
	v3 =	vsub.f32 v18, v19;
	v18 =	vld [tilespmem:$0x1FE90];
	_ =	sdelay $0x1  }
0x1c4: {  	v21 =	vmul.f32 v24, v21;
	v24 =	vld [tilespmem:$0x1FEB0]  }
0x1c5: {  	v30 =	vld [tilespmem:$0x1FE20]  }
0x1c6: {  	v19 =	vld [tilespmem:$0x1FEA0]  }
0x1c7: {  	v18 =	vadd.f32 v23, v18;
	v23 =	vld [tilespmem:$0x1FE30]  }
0x1c8: {  	[tilespmem:s3+$0xA470] =	vst v20;
	v20 =	vld [tilespmem:$0x1FE80]  }
0x1c9: {  	[tilespmem:s5+$0xA400] =	vst v18;
	v18 =	vld [tilespmem:$0x1FF40];
	_ =	sdelay $0x1  }
0x1ca: {  	v24 =	vmul.f32 v30, v24  }
0x1cb: {  	v19 =	vmul.f32 v23, v19  }
0x1cc: {  	v20 =	vadd.f32 v21, v20;
	v21 =	vadd.f32 v24, v60;
	v24 =	vld [tilespmem:$0x1FE50]  }
0x1cd: {  	v18 =	vadd.f32 v19, v18;
	v19 =	vld [tilespmem:$0x1FF00];
	_ =	sdelay $0x2  }
0x1ce: {  	v30 =	vld [tilespmem:$0x1FE60]  }
0x1cf: {  	v23 =	vld [tilespmem:$0x1FE40]  }
0x1d0: {  	v19 =	vmul.f32 v24, v19;
	v24 =	vld [tilespmem:$0x1FF10]  }
0x1d1: {  	[tilespmem:s5+$0xA410] =	vst v20;
	v20 =	vld [tilespmem:$0x1FF50]  }
0x1d2: {  	[tilespmem:s5+$0xA420] =	vst v21;
	v21 =	vld [tilespmem:$0x1FF70];
	_ =	sdelay $0x1  }
0x1d3: {  	v23 =	vmul.f32 v23, v58  }
0x1d4: {  	v24 =	vmul.f32 v30, v24  }
0x1d5: {  	v20 =	vadd.f32 v23, v20  }
0x1d6: {  	v19 =	vadd.f32 v19, v63;
	v21 =	vadd.f32 v24, v21;
	v24 =	vld [tilespmem:$0x1FEC0]  }
0x1d7: {  	[tilespmem:s5+$0xA440] =	vst v20;
	v20 =	vld [tilespmem:$0x1FEB0]  }
0x1d8: {  	[tilespmem:s5+$0xA450] =	vst v19;
	v19 =	vld [tilespmem:$0x1FE80];
	_ =	sdelay $0x2  }
0x1d9: {  	v22 =	vmul.f32 v14, v22;
	v24 =	vmul.f32 v56, v24;
	_ =	sdelay $0x1  }
0x1da: {  	v11 =	vmul.f32 v11, v20;
	v20 =	vmul.f32 v22, v14;
	v22 =	vld [tilespmem:$0x1FEA0];
	v19 =	vadd.f32 v24, v19;
	_ =	sdelay $0x1  }
0x1db: {  	[tilespmem:s17+$0xA410] =	vst v19;
	v19 =	vld [tilespmem:$0x1FF40];
	_ =	sdelay $0x2  }
0x1dc: {  	v22 =	vmul.f32 v45, v22  }
0x1dd: {  	v23 =	vld [tilespmem:$0x1FE70]  }
0x1de: {  	v19 =	vadd.f32 v22, v19  }
0x1df: {  	[tilespmem:s5+$0xA430] =	vst v18;
	v18 =	vld [tilespmem:$0x1FF80]  }
0x1e0: {  	[tilespmem:s17+$0xA430] =	vst v19;
	v19 =	vld [tilespmem:$0x1FF80];
	_ =	sdelay $0x1  }
0x1e1: {  	v23 =	vmul.f32 v23, v57;
	v30 =	vld [tilespmem:$0x1FED0]  }
0x1e2: {  	v8 =	vmul.f32 v8, v57  }
0x1e3: {  	v18 =	vadd.f32 v23, v18;
	v23 =	vld [tilespmem:$0x1FE90]  }
0x1e4: {  	v8 =	vadd.f32 v8, v19;
	v19 =	vld [tilespmem:$0x1FED0]  }
0x1e5: {  	[tilespmem:s5+$0xA470] =	vst v18;
	v18 =	vld [tilespmem:$0x1FF00]  }
0x1e6: {  	v30 =	vmul.f32 v41, v30;
	v56 =	vld [tilespmem:$0x1FF10];
	_ =	sdelay $0x1  }
0x1e7: {  	v3 =	vadd.f32 $9.999999960e-13, v3;
	v23 =	vadd.f32 v30, v23;
	v30 =	vld [tilespmem:$0x1FF70]  }
0x1e8: {  	v1 =	vmul.f32 v1, v19;
	v19 =	vld [tilespmem:$0x1FEC0]  }
0x1e9: {  	[tilespmem:s5+$0xA460] =	vst v21;
	v20 =	vsub.f32 $1.500000000e+00, v20;
	v21 =	vshra.s32 v3, $0x1;
	v45 =	vld [tilespmem:$0x1FE90]  }
0x1ea: {  	v10 =	vmul.f32 v10, v18;
	v18 =	vsub.s32 $0x5F3759DF, v21;
	v21 =	vld [tilespmem:$0x1FF50];
	v9 =	vmul.f32 v9, v56  }
0x1eb: {  	v3 =	vmul.f32 $5.000000000e-01, v3;
	v24 =	vmul.f32 v54, v58;
	v54 =	vld [tilespmem:$0x1FE80]  }
0x1ec: {  	v14 =	vmul.f32 v20, v14;
	v9 =	vadd.f32 v9, v30;
	v30 =	vmul.f32 v62, v58;
	v62 =	vld [tilespmem:$0x1FF50]  }
0x1ed: {  	v20 =	vmul.f32 v18, v3;
	v2 =	vmul.f32 v2, v19;
	v19 =	vld [tilespmem:$0x1FEB0]  }
0x1ee: {  	[tilespmem:s17+$0xA400] =	vst v23;
	v23 =	vld [tilespmem:$0x1FEB0]  }
0x1ef: {  	v11 =	vadd.f32 v11, v60;
	v41 =	vmul.f32 v18, v20;
	v20 =	vsub.f32 v43, v52;
	v43 =	vld [tilespmem:$0x1FEC0]  }
0x1f0: {  	v10 =	vadd.f32 v10, v63;
	v21 =	vadd.f32 v24, v21;
	v24 =	vld [tilespmem:$0x1FEB0]  }
0x1f1: {  	[tilespmem:s17+$0xA420] =	vst v11;
	v1 =	vadd.f32 v1, v45;
	v45 =	vadd.f32 v30, v62;
	v30 =	vld [tilespmem:$0x1FF00]  }
0x1f2: {  	[tilespmem:s17+$0xA450] =	vst v10;
	v11 =	vsub.f32 $1.500000000e+00, v41;
	v0 =	vmul.f32 v0, v19;
	v19 =	vld [tilespmem:$0x1FEA0]  }
0x1f3: {  	v41 =	vld [tilespmem:$0x1FF40];
	v17 =	vmul.f32 v17, v23;
	[tilespmem:s17+$0xA440] =	vst v21  }
0x1f4: {  	v23 =	vld [tilespmem:$0x1FED0];
	[tilespmem:s17+$0xA460] =	vst v9;
	v9 =	vmul.f32 v18, v11;
	v18 =	vsub.f32 v38, v52;
	v22 =	vsub.f32 v32, v52  }
0x1f5: {  	v38 =	vld [tilespmem:$0x1FED0];
	v24 =	vmul.f32 v48, v24;
	[tilespmem:s18+$0xA400] =	vst v1;
	v1 =	vsub.f32 v33, v52;
	v33 =	vmul.f32 v61, v56  }
0x1f6: {  	[tilespmem:s18+$0xA440] =	vst v45;
	v45 =	vld [tilespmem:$0x1FE90];
	v61 =	vadd.f32 v17, v60;
	v17 =	vmul.f32 v42, v58;
	v0 =	vadd.f32 v0, v60  }
0x1f7: {  	[tilespmem:s17+$0xA470] =	vst v8;
	v42 =	vadd.f32 v24, v60;
	v10 =	vmul.f32 v59, v30;
	v59 =	vld [tilespmem:$0x1FF40];
	v16 =	vmul.f32 v16, v19  }
0x1f8: {  	v32 =	vadd.f32 v17, v62;
	[tilespmem:s18+$0xA420] =	vst v0;
	v0 =	vsub.f32 v53, v52;
	v53 =	vld [tilespmem:$0x1FEA0];
	v19 =	vmul.f32 v9, v3  }
0x1f9: {  	[tilespmem:s19+$0xA420] =	vst v61;
	v11 =	vadd.f32 v16, v41;
	v16 =	vsub.f32 v34, v52;
	v34 =	vld [tilespmem:$0x1FF70]  }
0x1fa: {  	v6 =	vsub.f32 v6, v5;
	v21 =	vsub.f32 v44, v52;
	[tilespmem:s9+$0xA420] =	vst v42;
	v19 =	vmul.f32 v19, v9;
	v41 =	vld [tilespmem:$0x1FF80]  }
0x1fb: {  	v8 =	vmul.f32 v36, v38;
	v2 =	vadd.f32 v2, v54;
	v54 =	vld [tilespmem:$0x1FE80];
	[tilespmem:s19+$0xA440] =	vst v32;
	v10 =	vadd.f32 v10, v63  }
0x1fc: {  	v13 =	vmul.f32 v13, v57;
	[tilespmem:s18+$0xA430] =	vst v11;
	v11 =	vsub.f32 v31, v52;
	v52 =	vld [tilespmem:$0x1FF00];
	v19 =	vsub.f32 $1.500000000e+00, v19  }
0x1fd: {  	v7 =	vsub.f32 v7, v5;
	v23 =	vmul.f32 v51, v23;
	v51 =	vld [tilespmem:$0x1FE80];
	[tilespmem:s18+$0xA410] =	vst v2;
	v8 =	vadd.f32 v8, v45  }
0x1fe: {  	v36 =	vld [tilespmem:$0x1FE90];
	[tilespmem:s18+$0xA450] =	vst v10;
	v44 =	vmul.f32 v19, v9;
	v9 =	vmul.f32 v50, v53;
	v2 =	vadd.f32 v33, v34  }
0x1ff: {  	v4 =	vsub.f32 v4, v5;
	[tilespmem:s19+$0xA400] =	vst v8;
	v10 =	vadd.f32 v13, v41;
	v13 =	vmul.f32 v35, v43;
	v33 =	vld [tilespmem:$0x1FEC0]  }
0x200: {  	v12 =	vmul.f32 v12, v56;
	v34 =	vld [tilespmem:$0x1FF70];
	v43 =	vmul.f32 v46, v58;
	v30 =	vadd.f32 v9, v59;
	[tilespmem:s18+$0xA460] =	vst v2  }
0x201: {  	v0 =	vmul.f32 v14, v0;
	v35 =	vld [tilespmem:$0x1FF80];
	[tilespmem:s18+$0xA470] =	vst v10;
	v10 =	vadd.f32 v13, v54;
	v31 =	vmul.f32 v37, v52  }
0x202: {  	v38 =	vmul.f32 v14, v20;
	v50 =	vld [tilespmem:$0x1FEC0];
	v45 =	vmul.f32 v15, v52;
	v46 =	vadd.f32 v43, v62;
	[tilespmem:s19+$0xA430] =	vst v30  }
0x203: {  	v3 =	vmul.f32 v44, v3;
	v37 =	vld [tilespmem:$0x1FE80];
	v0 =	vmul.f32 v0, v52;
	[tilespmem:s19+$0xA410] =	vst v10;
	v9 =	vadd.f32 v31, v63  }
0x204: {  	v17 =	vmul.f32 v39, v57;
	v61 =	vld [tilespmem:$0x1FE90];
	v19 =	vmul.f32 v49, v56;
	v48 =	vadd.f32 v45, v63;
	[tilespmem:s9+$0xA440] =	vst v46  }
0x205: {  	v1 =	vmul.f32 v14, v1;
	v49 =	vld [tilespmem:$0x1FED0];
	v3 =	vmul.f32 v3, v44;
	v0 =	vadd.f32 v0, v63;
	[tilespmem:s19+$0xA450] =	vst v9  }
0x206: {  	v13 =	vmul.f32 v47, v33;
	v8 =	vadd.f32 v19, v34;
	v19 =	vld [tilespmem:$0x1FEA0];
	v10 =	vadd.f32 v17, v35;
	[tilespmem:s9+$0xA450] =	vst v48  }
0x207: {  	v30 =	vld [tilespmem:$0x1FEA0];
	v17 =	vmul.f32 v14, v18;
	v18 =	vmul.f32 v14, v21;
	v3 =	vsub.f32 $1.500000000e+00, v3;
	[tilespmem:s11+$0xA450] =	vst v0  }
0x208: {  	v16 =	vmul.f32 v14, v16;
	v1 =	vmul.f32 v1, v50;
	v34 =	vld [tilespmem:$0x1FEC0];
	[tilespmem:s19+$0xA460] =	vst v8;
	v8 =	vadd.f32 v13, v37  }
0x209: {  	v54 =	vld [tilespmem:$0x1FF80];
	v9 =	vadd.f32 v23, v36;
	[tilespmem:s19+$0xA470] =	vst v10;
	v2 =	vmul.f32 v3, v44;
	v33 =	vmul.f32 v18, v58  }
0x20a: {  	v39 =	vmul.f32 v14, v22;
	v43 =	vld [tilespmem:$0x1FEA0];
	v1 =	vadd.f32 v1, v51;
	[tilespmem:s9+$0xA410] =	vst v8;
	v8 =	vmul.f32 v16, v49  }
0x20b: {  	[tilespmem:s9+$0xA400] =	vst v9;
	v16 =	vld [tilespmem:$0x1FF70];
	v35 =	vadd.f32 v33, v62;
	v7 =	vmul.f32 v2, v7;
	v19 =	vmul.f32 v55, v19  }
0x20c: {  	v41 =	vmul.f32 v14, v11;
	[tilespmem:s11+$0xA410] =	vst v1;
	v55 =	vld [tilespmem:$0x1FEB0];
	v3 =	vadd.f32 v8, v61;
	v8 =	vmul.f32 v38, v30  }
0x20d: {  	v46 =	vsub.f32 v28, v5;
	v7 =	vmul.f32 v7, v34;
	[tilespmem:s11+$0xA440] =	vst v35;
	v44 =	vadd.f32 v19, v59  }
0x20e: {  	v47 =	vmul.f32 v40, v57;
	v40 =	vsub.f32 v25, v5;
	v38 =	vld [tilespmem:$0x1FED0];
	v8 =	vadd.f32 v8, v59;
	[tilespmem:s11+$0xA400] =	vst v3  }
0x20f: {  	v32 =	vld [tilespmem:$0x1FE90];
	v10 =	vmul.f32 v39, v56;
	v4 =	vmul.f32 v2, v4;
	v45 =	vadd.f32 v7, v51;
	[tilespmem:s9+$0xA430] =	vst v44  }
0x210: {  	v36 =	vld [tilespmem:$0x1FEB0];
	v37 =	vmul.f32 v41, v57;
	v6 =	vmul.f32 v2, v6;
	v53 =	vadd.f32 v12, v16;
	[tilespmem:s11+$0xA430] =	vst v8  }
0x211: {  	v48 =	vmul.f32 v4, v43;
	v12 =	vadd.f32 v47, v54;
	v14 =	vmul.f32 v17, v55;
	v17 =	vld [tilespmem:$0x1FF80];
	[tilespmem:s14+$0xA410] =	vst v45  }
0x212: {  	v42 =	vmul.f32 v2, v40;
	v39 =	vadd.f32 v10, v16;
	v44 =	vsub.f32 v26, v5;
	[tilespmem:s9+$0xA460] =	vst v53  }
0x213: {  	v49 =	vmul.f32 v2, v46;
	v54 =	vadd.f32 v48, v59;
	[tilespmem:s9+$0xA470] =	vst v12;
	v6 =	vmul.f32 v6, v38  }
0x214: {  	v47 =	vsub.f32 v27, v5;
	[tilespmem:s11+$0xA460] =	vst v39;
	v8 =	vmul.f32 v2, v44;
	v31 =	vadd.f32 v14, v60  }
0x215: {  	v5 =	vsub.f32 v29, v5;
	[tilespmem:s14+$0xA430] =	vst v54;
	v41 =	vadd.f32 v6, v32;
	v6 =	vmul.f32 v42, v36  }
0x216: {  	v20 =	vld [tilespmem:$0x1FEE0];
	v53 =	vmul.f32 v2, v47;
	v51 =	vmul.f32 v8, v58;
	[tilespmem:s11+$0xA420] =	vst v31;
	v1 =	vadd.f32 v37, v17  }
0x217: {  	v24 =	vld [tilespmem:$0x1FFE0];
	v55 =	vmul.f32 v49, v52;
	v2 =	vmul.f32 v2, v5;
	[tilespmem:s14+$0xA400] =	vst v41;
	v50 =	vadd.f32 v6, v60  }
0x218: {  	p1 =	slt.u32 s2, $0x38;
	v22 =	vld [tilespmem:$0x1FFC0];
	v59 =	vmul.f32 v53, v56;
	v58 =	vadd.f32 v51, v62;
	[tilespmem:s11+$0xA470] =	vst v1  }
.Ltmp3:
0x219: {  	v21 =	vld [tilespmem:$0x1FFB0];
	v61 =	vmul.f32 v2, v57;
	v60 =	vadd.f32 v55, v63;
	[tilespmem:s14+$0xA420] =	vst v50;
	(pc) =	sbr.rel @p1 .LBB2_5-.Ltmp3, $4  }
0x21a: {  	v25 =	vld [tilespmem:$0x1FFF0];
	v62 =	vadd.f32 v59, v16;
	[tilespmem:s14+$0xA440] =	vst v58  }
0x21b: {  	v23 =	vld [tilespmem:$0x1FFD0];
	v63 =	vadd.f32 v61, v17;
	[tilespmem:s14+$0xA450] =	vst v60  }
0x21c: {  	s26 =	sadd.s32 $0x8, s2;
	v18 =	vld [tilespmem:$0x1FF90];
	[tilespmem:s14+$0xA460] =	vst v62  }
0x21d: {  	s2 =	smov.u32 s26;
	v19 =	vld [tilespmem:$0x1FFA0];
	[tilespmem:s14+$0xA470] =	vst v63  }
0x21e: {  	s1 =	sshll.u32 s1, $0x4  }
0x21f: {  	p1 =	seq.s32 s30, $0x31;
	s1 =	sadd.s32 s6, s1  }
0x220: {  	[hbm4b:s1+s7] =	stream.linear.scatter [tilespmem:s23], [sflag:$0x3], $0x2000, $0x38;
	[tilespmem:$0x11E00] =	vst v63  }
0x221: {  	s1 =	sadd.s32 @!p1 s31, s12  }
0x222: {  	s1 =	sshrl.u32 @!p1 s1, $0x3  }
0x223: {  	s2 =	simm.s32 @!p1 $0x0;
	s3 =	simm.s32 @!p1 $0x6400;
	s1 =	sadd.s32 @!p1 s0, s1  }
0x224: {  	[tilespmem:s3], [sflag:$0x1] =	stream.linear.gather @!p1 [hbm4b:s1+s2], $0x2000, $0x38;
	[tilespmem:$0x11E00] =	vst v63  }
0x225: {  	_ =	swait.ge [sflag:s24], $0x2000  }
0x226: {  	[sflag:s24] =	ssyncset.done $0x0  }
0x227: {  	s2 =	simm.s32 @!p0 $0x4;
	[sflag:s24] =	ssyncadd.s32 $0xFFFFE000  }
0x228: {  	_ =	swait.ge @!p0 [sflag:s2], $0x2000  }
0x229: {  	s4 =	sor.u32 $0x40, s4;
	[sflag:s2] =	ssyncset.done @!p0 $0x0  }
0x22a: {  	s1 =	sadd.s32 s8, s4;
	[sflag:s2] =	ssyncadd.s32 @!p0 $0xFFFFE000;
	s2 =	simm.s32 $0x0  }
.LBB2_7:
0x22b: {  	s3 =	sor.u32 s4, s2  }
0x22c: {  	s5 =	smulhi.u32 $0x51EB851F, s3;
	_ =	sdelay $0x1  }
0x22d: {  	v0 =	vmov s3;
	s5 =	sshrl.u32 s5, $0x6  }
0x22e: {  	v0 =	vand.u32 $0xFFFFFFF8, v0;
	s5 =	smul.u32 $0xC8, s5  }
0x22f: {  	v0 =	vbroadcast v0, $0x0  }
0x230: {  	s5 =	ssub.s32 s3, s5;
	s3 =	sshll.u32 s2, $0x7  }
0x231: {  	v51 =	vld [tilespmem:s3+$0x8400]  }
0x232: {  	v2 =	vld [tilespmem:s3+$0x8410]  }
0x233: {  	s5 =	sshll.u32 s5, $0x7;
	v4 =	vld [tilespmem:s3+$0x8420]  }
0x234: {  	v1 =	vld [tilespmem:s5+$0x0]  }
0x235: {  	v5 =	vld.idx.msk [tilespmem:v0+s16+$0x0], $0xffff  }
0x236: {  	v3 =	vld [tilespmem:s5+$0x10]  }
0x237: {  	v7 =	vld [tilespmem:s3+$0x8430]  }
0x238: {  	v6 =	vld [tilespmem:s5+$0x20]  }
0x239: {  	v8 =	vld [tilespmem:s5+$0x30]  }
0x23a: {  	v9 =	vld [tilespmem:s3+$0x8440];
	v0 =	vadd.f32 v51, v18;
	v1 =	vmul.f32 v1, v5  }
0x23b: {  	v54 =	vld [tilespmem:s5+$0x40];
	v2 =	vadd.f32 v2, v19;
	v3 =	vmul.f32 v3, v5  }
0x23c: {  	v12 =	vld [tilespmem:s3+$0x8450];
	v0 =	vadd.f32 v1, v0  }
0x23d: {  	v58 =	vld [tilespmem:s5+$0x50];
	v52 =	vadd.f32 v4, v20;
	v53 =	vmul.f32 v6, v5;
	v1 =	vadd.f32 v3, v2  }
0x23e: {  	v60 =	vld [tilespmem:s3+$0x8460];
	v56 =	vadd.f32 v7, v21;
	v57 =	vmul.f32 v8, v5;
	v55 =	vadd.f32 $0.0e+00, v0  }
0x23f: {  	v13 =	vld [tilespmem:s5+$0x60];
	v2 =	vadd.f32 v53, v52;
	v10 =	vmul.f32 v0, v0;
	v11 =	vmul.f32 v1, v1  }
0x240: {  	v14 =	vld [tilespmem:s3+$0x8470];
	v9 =	vadd.f32 v9, v22;
	v4 =	vmul.f32 v54, v5;
	v6 =	vadd.f32 v1, v55  }
0x241: {  	s19 =	sor.u32 $0x1, s2;
	v63 =	vld [tilespmem:s5+$0x70];
	v3 =	vadd.f32 v57, v56;
	v59 =	vmul.f32 v2, v2;
	v10 =	vadd.f32 v11, v10  }
0x242: {  	s9 =	sor.u32 s4, s19;
	v62 =	vadd.f32 v12, v23;
	v8 =	vmul.f32 v58, v5;
	v6 =	vadd.f32 v2, v6  }
0x243: {  	s10 =	smulhi.u32 $0x51EB851F, s9;
	v4 =	vadd.f32 v4, v9;
	v61 =	vmul.f32 v3, v3;
	v10 =	vadd.f32 v59, v10  }
0x244: {  	v7 =	vadd.f32 v60, v24;
	v29 =	vmul.f32 v13, v5;
	v15 =	vadd.f32 v3, v6  }
0x245: {  	s10 =	sshrl.u32 s10, $0x6;
	v28 =	vmul.f32 v4, v4;
	v10 =	vadd.f32 v61, v10;
	v6 =	vadd.f32 v8, v62  }
0x246: {  	s10 =	smul.u32 $0xC8, s10;
	v32 =	vadd.f32 v14, v25;
	v5 =	vmul.f32 v63, v5;
	v30 =	vadd.f32 v4, v15  }
0x247: {  	v7 =	vadd.f32 v29, v7;
	v10 =	vadd.f32 v28, v10;
	v31 =	vmul.f32 v6, v6  }
0x248: {  	v27 =	vld [tilespmem:$0x1FFA0];
	v37 =	vmov s9;
	s9 =	ssub.s32 s9, s10;
	s5 =	sshll.u32 s19, $0x7;
	v9 =	vadd.f32 v6, v30  }
0x249: {  	s9 =	sshll.u32 s9, $0x7;
	v42 =	vld [tilespmem:s5+$0x8400];
	v33 =	vmul.f32 v7, v7;
	v8 =	vadd.f32 v5, v32;
	v10 =	vadd.f32 v31, v10  }
0x24a: {  	v43 =	vld [tilespmem:s9+$0x0];
	v34 =	vadd.f32 v7, v9  }
0x24b: {  	s26 =	sor.u32 $0x2, s2;
	v44 =	vld [tilespmem:s5+$0x8410];
	v36 =	vmul.f32 v8, v8;
	v35 =	vadd.f32 v33, v10  }
0x24c: {  	s11 =	sor.u32 s4, s26;
	v45 =	vld [tilespmem:s9+$0x10];
	v5 =	vadd.f32 v8, v34  }
0x24d: {  	s14 =	smulhi.u32 $0x51EB851F, s11;
	v47 =	vld [tilespmem:s5+$0x8420];
	v9 =	vadd.f32 v36, v35  }
0x24e: {  	v48 =	vld [tilespmem:s9+$0x20];
	(xrf2) =	vadd.scan.msk.f32 $0xffff, v5  }
0x24f: {  	s14 =	sshrl.u32 s14, $0x6;
	v49 =	vld [tilespmem:s5+$0x8430];
	v5 =	vand.u32 $0xFFFFFFF9, v37;
	(xrf2) =	vadd.scan.msk.f32 $0xffff, v9  }
0x250: {  	s14 =	smul.u32 $0xC8, s14;
	v50 =	vld [tilespmem:s9+$0x40];
	v5 =	vbroadcast v5, $0x0  }
0x251: {  	v51 =	vld [tilespmem:$0x1FEE0]  }
0x252: {  	v17 =	vmov s11;
	s11 =	ssub.s32 s11, s14;
	v21 =	vld [tilespmem:s5+$0x8450]  }
0x253: {  	s11 =	sshll.u32 s11, $0x7;
	v23 =	vld [tilespmem:s9+$0x50]  }
0x254: {  	v25 =	vld [tilespmem:s11+$0x10]  }
0x255: {  	v38 =	vmov s3;
	v46 =	vadd.f32 v42, v18;
	v18 =	vld [tilespmem:s9+$0x30]  }
0x256: {  	v39 =	vor.u32 $0xF, v38;
	v5 =	vld.idx.msk [tilespmem:v5+s16+$0x0], $0xffff  }
0x257: {  	v17 =	vand.u32 $0xFFFFFFFA, v17;
	v13 =	vadd.f32 v44, v19;
	v19 =	vld [tilespmem:s5+$0x8440]  }
0x258: {  	v17 =	vbroadcast v17, $0x0;
	v54 =	vld [tilespmem:$0x1FFB0];
	v9 =	vor.u32 $0x1F, v38;
	v40, _, _ =	vpop (xrf2)  }
0x259: {  	v58 =	vld [tilespmem:$0x1FFC0];
	[tilespmem:s3+$0xFE00] =	vst v40;
	v41, _, _ =	vpop (xrf2)  }
0x25a: {  	v44 =	vld [tilespmem:$0x1FFE0];
	[tilespmem:s3+$0xFE10] =	vst v41  }
0x25b: {  	v11 =	vmul.f32 v43, v5;
	v14 =	vmul.f32 v45, v5;
	v10 =	vld.idx.msk [tilespmem:v39+s22+$0x0], $0xffff  }
0x25c: {  	v59 =	vld [tilespmem:$0x1FFD0]  }
0x25d: {  	v16 =	vld.idx.msk [tilespmem:v9+s22+$0x0], $0xffff;
	v9 =	vadd.f32 v11, v46;
	v34 =	vadd.f32 v14, v13  }
0x25e: {  	v57 =	vld.idx.msk [tilespmem:v17+s16+$0x0], $0xffff;
	v52 =	vmul.f32 v48, v5;
	v55 =	vmul.f32 v18, v5  }
0x25f: {  	v12 =	vadd.f32 v47, v51;
	v62 =	vld [tilespmem:$0x1FFE0];
	v53 =	vmul.f32 v9, v9;
	v22 =	vmul.f32 v34, v34  }
0x260: {  	v18 =	vld [tilespmem:s5+$0x8460];
	v13 =	vmul.f32 v50, v5;
	v15 =	vmul.f32 $7.812500000e-03, v10;
	v10 =	vadd.f32 v19, v58  }
0x261: {  	s17 =	sshll.u32 s26, $0x7;
	v35 =	vadd.f32 v52, v12;
	v56 =	vadd.f32 v22, v53;
	v22 =	vld [tilespmem:s9+$0x60]  }
0x262: {  	v36 =	vadd.f32 v13, v10;
	v10 =	vadd.f32 v21, v59;
	v21 =	vld [tilespmem:s17+$0x8410]  }
0x263: {  	v17 =	vld [tilespmem:s17+$0x8400];
	v60 =	vmul.f32 v23, v5;
	v20 =	vadd.f32 $0.0e+00, v9;
	v24 =	vmul.f32 v35, v35  }
0x264: {  	v29 =	vld [tilespmem:s9+$0x70];
	v11 =	vadd.f32 v49, v54;
	v16 =	vmul.f32 $7.812500000e-03, v16;
	v23 =	vmul.f32 v15, v15  }
0x265: {  	v20 =	vadd.f32 v34, v20;
	v14 =	vadd.f32 v24, v56;
	v24 =	vld [tilespmem:s11+$0x0]  }
0x266: {  	v13 =	vadd.f32 v18, v62;
	v16 =	vsub.f32 v16, v23;
	v23 =	vld [tilespmem:s11+$0x20];
	v18 =	vmul.f32 v22, v5  }
0x267: {  	v25 =	vmul.f32 v25, v57;
	v12 =	vadd.f32 v55, v11;
	v22 =	vld [tilespmem:s17+$0x8420];
	v21 =	vadd.f32 v21, v27  }
0x268: {  	v20 =	vadd.f32 v35, v20;
	v13 =	vadd.f32 v18, v13;
	v18 =	vld [tilespmem:$0x1FF90]  }
0x269: {  	v55 =	vadd.f32 v25, v21;
	v21 =	vld [tilespmem:$0x1FEE0]  }
0x26a: {  	v61 =	vld [tilespmem:s5+$0x8470];
	v19 =	vadd.f32 v12, v20;
	v20 =	vmul.f32 v12, v12  }
0x26b: {  	v38 =	vld [tilespmem:$0x1FFC0]  }
0x26c: {  	v26 =	vmul.f32 v36, v36;
	v20 =	vadd.f32 v20, v14;
	v27 =	vld [tilespmem:s11+$0x30]  }
0x26d: {  	v14 =	vadd.f32 v60, v10;
	v24 =	vmul.f32 v24, v57;
	v25 =	vld [tilespmem:$0x1FFF0];
	v17 =	vadd.f32 v17, v18  }
0x26e: {  	v19 =	vadd.f32 v36, v19;
	v18 =	vld [tilespmem:s17+$0x8430];
	v21 =	vadd.f32 v22, v21;
	v22 =	vmul.f32 v23, v57  }
0x26f: {  	v20 =	vadd.f32 v26, v20;
	v26 =	vmul.f32 v14, v14;
	v28 =	vadd.f32 v24, v17;
	v17 =	vld [tilespmem:s17+$0x8440]  }
0x270: {  	v19 =	vadd.f32 v14, v19;
	v50 =	vadd.f32 v22, v21;
	v21 =	vld [tilespmem:$0x1FFB0]  }
0x271: {  	v20 =	vadd.f32 v26, v20;
	v26 =	vmul.f32 v13, v13;
	v23 =	vld [tilespmem:s11+$0x40]  }
0x272: {  	v32 =	vld [tilespmem:s17+$0x8450];
	v5 =	vmul.f32 v29, v5;
	v19 =	vadd.f32 v13, v19;
	v10 =	vadd.f32 v61, v25  }
0x273: {  	v40 =	vld [tilespmem:$0x1FFD0];
	v31 =	vmul.f32 v55, v55;
	v20 =	vadd.f32 v26, v20;
	v30 =	vmul.f32 v28, v28  }
0x274: {  	v24 =	vadd.f32 $0.0e+00, v28;
	v22 =	vld [tilespmem:s11+$0x50];
	v37 =	vadd.f32 v5, v10  }
0x275: {  	v45 =	vld [tilespmem:$0x1FFF0];
	v63 =	vadd.f32 v31, v30;
	v18 =	vadd.f32 v18, v21;
	v21 =	vmul.f32 v27, v57  }
0x276: {  	v33 =	vmul.f32 v50, v50;
	v5 =	vadd.f32 v17, v38;
	v39 =	vmul.f32 v23, v57;
	v17 =	vld [tilespmem:s11+$0x60]  }
0x277: {  	v24 =	vadd.f32 v55, v24;
	v27 =	vadd.f32 v21, v18;
	v18 =	vld [tilespmem:s17+$0x8460]  }
0x278: {  	v42 =	vmul.f32 v37, v37;
	v23 =	vadd.f32 v33, v63;
	v33 =	vld [tilespmem:s17+$0x8470];
	v29 =	vadd.f32 v39, v5  }
0x279: {  	v5 =	vadd.f32 v32, v40;
	v41 =	vmul.f32 v22, v57;
	v22 =	vld [tilespmem:s11+$0x70];
	v21 =	vadd.f32 v50, v24  }
0x27a: {  	s14 =	sor.u32 $0x3, s2;
	v19 =	vadd.f32 v37, v19;
	v43 =	vadd.f32 v42, v20;
	v24 =	vmul.f32 v27, v27  }
0x27b: {  	s18 =	sor.u32 s4, s14;
	v26 =	vadd.f32 v41, v5;
	v17 =	vmul.f32 v17, v57;
	v21 =	vadd.f32 v27, v21  }
0x27c: {  	s19 =	smulhi.u32 $0x51EB851F, s18;
	v23 =	vadd.f32 v24, v23;
	v24 =	vmul.f32 v29, v29;
	v10 =	vadd.f32 v18, v44  }
0x27d: {  	v20 =	vmul.f32 v26, v26;
	v5 =	vadd.f32 v33, v45;
	v18 =	vadd.f32 v29, v21  }
0x27e: {  	(xrf2) =	vadd.scan.msk.f32 $0xffff, v19;
	s11 =	sshrl.u32 s19, $0x6;
	v46 =	vmul.f32 v22, v57;
	v19 =	vadd.f32 v24, v23;
	v25 =	vadd.f32 v17, v10  }
0x27f: {  	v47 =	vadd.f32 $9.999999960e-13, v16;
	(xrf2) =	vadd.scan.msk.f32 $0xffff, v43;
	s11 =	smul.u32 $0xC8, s11;
	v16 =	vadd.f32 v26, v18  }
0x280: {  	v32 =	vadd.f32 v46, v5;
	v17 =	vadd.f32 v20, v19;
	v18 =	vmul.f32 v25, v25  }
0x281: {  	v48 =	vshra.s32 v47, $0x1;
	v11 =	vmul.f32 $5.000000000e-01, v47;
	v47 =	vld [tilespmem:$0x1FFA0];
	s10 =	ssub.s32 s18, s11;
	v49 =	vadd.f32 v25, v16  }
0x282: {  	s9 =	sshll.u32 s10, $0x7;
	v45 =	vld [tilespmem:$0x1FF90];
	v16 =	vadd.f32 v18, v17;
	v17 =	vmul.f32 v32, v32  }
0x283: {  	v42 =	vld [tilespmem:s9+$0x10];
	v10 =	vadd.f32 v32, v49  }
0x284: {  	v60 =	vld [tilespmem:s9+$0x20];
	v5 =	vsub.s32 $0x5F3759DF, v48;
	v16 =	vadd.f32 v17, v16  }
0x285: {  	v62 =	vld [tilespmem:s9+$0x30];
	v19 =	vmov s5;
	v18 =	vmul.f32 v5, v11;
	(xrf2) =	vadd.scan.msk.f32 $0xffff, v10  }
0x286: {  	v48 =	vld [tilespmem:s9+$0x50];
	v17 =	vor.u32 $0xF, v19;
	(xrf2) =	vadd.scan.msk.f32 $0xffff, v16  }
0x287: {  	v24 =	vld [tilespmem:s9+$0x0];
	v51 =	vmul.f32 v5, v18;
	v18 =	vor.u32 $0x1F, v19;
	v19 =	vmov s18;
	s18 =	sshll.u32 s14, $0x7  }
0x288: {  	v19 =	vand.u32 $0xFFFFFFFB, v19;
	v39 =	vld [tilespmem:s18+$0x8410];
	v16, _, _ =	vpop (xrf2)  }
0x289: {  	v38 =	vsub.f32 v1, v15;
	v1 =	vld [tilespmem:s18+$0x8420];
	v19 =	vbroadcast v19, $0x0;
	[tilespmem:s5+$0xFE00] =	vst v16;
	v16, _, _ =	vpop (xrf2)  }
0x28a: {  	s10 =	sor.u32 $0x4, s2;
	v61 =	vld [tilespmem:s18+$0x8430];
	[tilespmem:s5+$0xFE10] =	vst v16  }
0x28b: {  	s26 =	sor.u32 s4, s10;
	v10 =	vsub.f32 $1.500000000e+00, v51;
	v52 =	vld.idx.msk [tilespmem:v17+s22+$0x0], $0xffff  }
0x28c: {  	v63 =	vmov s26;
	v17 =	vld.idx.msk [tilespmem:v18+s22+$0x0], $0xffff;
	v18 =	vmov s17  }
0x28d: {  	v43 =	vand.u32 $0xFFFFFFFC, v63;
	v31 =	vld [tilespmem:s18+$0x8440];
	v5 =	vmul.f32 v5, v10;
	v20 =	vor.u32 $0xF, v18  }
0x28e: {  	v46 =	vbroadcast v43, $0x0;
	v43 =	vld [tilespmem:s18+$0x8450];
	v18 =	vor.u32 $0x1F, v18  }
0x28f: {  	v16 =	vmul.f32 v5, v11;
	v19 =	vld.idx.msk [tilespmem:v19+s16+$0x0], $0xffff;
	v53, _, _ =	vpop (xrf2)  }
0x290: {  	v51 =	vld [tilespmem:$0x1FEE0];
	[tilespmem:s17+$0xFE00] =	vst v53;
	v54, _, _ =	vpop (xrf2)  }
0x291: {  	v39 =	vadd.f32 v39, v47;
	v47 =	vld [tilespmem:$0x1FFD0];
	v16 =	vmul.f32 v16, v5;
	[tilespmem:s17+$0xFE10] =	vst v54  }
0x292: {  	v7 =	vsub.f32 v7, v15;
	s19 =	smulhi.u32 $0x51EB851F, s26;
	v21 =	vmul.f32 $7.812500000e-03, v52;
	v20 =	vld.idx.msk [tilespmem:v20+s22+$0x0], $0xffff  }
0x293: {  	v40 =	vsub.f32 v0, v15;
	v16 =	vsub.f32 $1.500000000e+00, v16;
	v18 =	vld.idx.msk [tilespmem:v18+s22+$0x0], $0xffff  }
0x294: {  	s14 =	sshrl.u32 s19, $0x6;
	s19 =	sshll.u32 s10, $0x7;
	v17 =	vmul.f32 $7.812500000e-03, v17;
	v42 =	vmul.f32 v42, v19;
	v49 =	vsub.f32 v36, v21;
	v36 =	vld [tilespmem:s9+$0x60]  }
0x295: {  	s14 =	smul.u32 $0xC8, s14;
	v23 =	vmul.f32 v16, v5;
	v22 =	vmul.f32 v21, v21;
	v44 =	vsub.f32 v34, v21;
	v34 =	vld [tilespmem:s19+$0x8420]  }
0x296: {  	s10 =	sor.u32 $0x5, s2;
	v12 =	vsub.f32 v12, v21;
	v52 =	vadd.f32 v42, v39;
	v42 =	vld [tilespmem:s18+$0x8470]  }
0x297: {  	v33 =	vsub.f32 v3, v15;
	s11 =	ssub.s32 s26, s14;
	s14 =	sor.u32 s4, s10;
	v57 =	vmul.f32 v23, v11;
	v56 =	vsub.f32 v17, v22;
	v22 =	vld [tilespmem:s18+$0x8400]  }
0x298: {  	s11 =	sshll.u32 s11, $0x7;
	v1 =	vadd.f32 v1, v51;
	v51 =	vmov s14;
	v53 =	vsub.f32 v14, v21;
	[tilespmem:$0x1FC20] =	vst v12;
	v12 =	vld.idx.msk [tilespmem:v46+s16+$0x0], $0xffff  }
0x299: {  	v30 =	vsub.f32 v9, v21;
	v9 =	vand.u32 $0xFFFFFFFD, v51;
	v10 =	vmul.f32 v57, v23;
	[tilespmem:$0x1FC10] =	vst v44;
	v44 =	vld [tilespmem:s11+$0x0]  }
0x29a: {  	v24 =	vmul.f32 v24, v19;
	v9 =	vbroadcast v9, $0x0;
	[tilespmem:$0x1FC40] =	vst v53;
	v53 =	vld [tilespmem:$0x1FF90];
	v5 =	vadd.f32 $9.999999960e-13, v56  }
0x29b: {  	v17 =	vsub.f32 v2, v15;
	v2 =	vmul.f32 v60, v19;
	v41 =	vsub.f32 $1.500000000e+00, v10;
	v56 =	vld [tilespmem:$0x1FFB0]  }
0x29c: {  	v60 =	vld [tilespmem:s19+$0x8440];
	v10 =	vsub.f32 v6, v15;
	v58 =	vshra.s32 v5, $0x1;
	v5 =	vmul.f32 $5.000000000e-01, v5  }
0x29d: {  	v6 =	vsub.f32 v8, v15;
	v16 =	vsub.s32 $0x5F3759DF, v58;
	v8 =	vadd.f32 v22, v45;
	v22 =	vld [tilespmem:s9+$0x40]  }
0x29e: {  	v11 =	vsub.f32 v4, v15;
	v4 =	vmul.f32 v62, v19;
	v45 =	vld [tilespmem:$0x1FFC0];
	v59 =	vmul.f32 v16, v5  }
0x29f: {  	v39 =	vmul.f32 v52, v52;
	v62 =	vmul.f32 $7.812500000e-03, v20;
	v58 =	vld [tilespmem:s19+$0x8400];
	v57 =	vadd.f32 v24, v8  }
0x2a0: {  	v20 =	vld [tilespmem:s19+$0x8410];
	v3 =	vadd.f32 v61, v56;
	v0 =	vmul.f32 v16, v59;
	v59 =	vadd.f32 v2, v1  }
0x2a1: {  	v9 =	vld.idx.msk [tilespmem:v9+s16+$0x0], $0xffff;
	v8 =	vmul.f32 v41, v23;
	v1 =	vsub.f32 v13, v21;
	v2 =	vsub.f32 v37, v21  }
0x2a2: {  	v24 =	vld [tilespmem:s18+$0x8460];
	v54 =	vmul.f32 v57, v57;
	v61 =	vadd.f32 v4, v3;
	v15 =	vsub.f32 $1.500000000e+00, v0  }
0x2a3: {  	v23 =	vld [tilespmem:s11+$0x10];
	v0 =	vsub.f32 v35, v21;
	v4 =	vadd.f32 v31, v45;
	v46 =	vmul.f32 v22, v19  }
0x2a4: {  	v56 =	vld [tilespmem:s11+$0x30];
	v21 =	vmul.f32 v59, v59;
	v13 =	vadd.f32 v58, v53;
	v14 =	vadd.f32 v39, v54  }
0x2a5: {  	v48 =	vmul.f32 v48, v19;
	v58 =	vld [tilespmem:$0x1FFE0];
	v63 =	vadd.f32 v46, v4;
	v4 =	vadd.f32 v43, v47  }
0x2a6: {  	v54 =	vld [tilespmem:$0x1FFA0];
	v14 =	vadd.f32 v21, v14;
	v21 =	vmul.f32 v61, v61  }
0x2a7: {  	v41 =	vadd.f32 v48, v4;
	v48 =	vld [tilespmem:$0x1FEE0]  }
0x2a8: {  	v14 =	vadd.f32 v21, v14;
	v21 =	vld [tilespmem:s11+$0x20]  }
0x2a9: {  	v17 =	vmul.f32 v8, v17;
	v53 =	vld [tilespmem:$0x1FFB0]  }
0x2aa: {  	v39 =	vld [tilespmem:s19+$0x8430]  }
0x2ab: {  	[tilespmem:$0x1FC70] =	vst v17;
	v17 =	vld [tilespmem:$0x1FFE0];
	v23 =	vmul.f32 v23, v12;
	v20 =	vadd.f32 v20, v54  }
0x2ac: {  	v46 =	vld [tilespmem:s19+$0x8460]  }
0x2ad: {  	s26 =	smulhi.u32 $0x51EB851F, s14;
	v4 =	vld [tilespmem:s9+$0x70];
	v35 =	vadd.f32 v23, v20;
	v20 =	vadd.f32 v34, v48;
	v21 =	vmul.f32 v21, v12  }
0x2ae: {  	v24 =	vadd.f32 v24, v58;
	v58 =	vld [tilespmem:$0x1FFC0]  }
0x2af: {  	s9 =	sshrl.u32 s26, $0x6;
	v37 =	vadd.f32 v21, v20;
	v21 =	vld [tilespmem:$0x1FFF0]  }
0x2b0: {  	s9 =	smul.u32 $0xC8, s9;
	v54 =	vmul.f32 v56, v12;
	v56 =	vld [tilespmem:s11+$0x50]  }
0x2b1: {  	v3 =	vmul.f32 v44, v12;
	v39 =	vadd.f32 v39, v53;
	v53 =	vld [tilespmem:$0x1FFD0]  }
0x2b2: {  	s14 =	ssub.s32 s14, s9;
	s9 =	sshll.u32 s10, $0x7;
	v23 =	vld [tilespmem:s11+$0x40]  }
0x2b3: {  	v44 =	vmul.f32 v36, v19;
	v36 =	vadd.f32 v3, v13;
	v13 =	vadd.f32 v60, v58;
	v60 =	vld [tilespmem:s9+$0x8400]  }
0x2b4: {  	v18 =	vmul.f32 $7.812500000e-03, v18;
	v4 =	vmul.f32 v4, v19;
	v58 =	vld [tilespmem:$0x1FF90];
	v21 =	vadd.f32 v42, v21  }
0x2b5: {  	[tilespmem:$0x1FC30] =	vst v49;
	v15 =	vmul.f32 v16, v15;
	v49 =	vmul.f32 v63, v63;
	v3 =	vadd.f32 v44, v24;
	s14 =	sshll.u32 s14, $0x7;
	v20 =	vld [tilespmem:s19+$0x8450]  }
0x2b6: {  	v24 =	vmul.f32 v36, v36;
	v51 =	vmul.f32 v35, v35;
	v4 =	vadd.f32 v4, v21;
	v21 =	vld [tilespmem:s14+$0x0]  }
0x2b7: {  	v16 =	vld [tilespmem:$0x1FEE0];
	v14 =	vadd.f32 v49, v14;
	v49 =	vmul.f32 v41, v41;
	v39 =	vadd.f32 v54, v39  }
0x2b8: {  	v44 =	vld [tilespmem:s9+$0x8430];
	v47 =	vmul.f32 v3, v3;
	v19 =	vadd.f32 v51, v24;
	v51 =	vmul.f32 v8, v38  }
0x2b9: {  	v14 =	vadd.f32 v49, v14;
	v48 =	vld [tilespmem:s14+$0x10];
	v49 =	vmul.f32 v8, v40;
	v23 =	vmul.f32 v23, v12  }
0x2ba: {  	v54 =	vmul.f32 v56, v12;
	v24 =	vmul.f32 v37, v37;
	[tilespmem:$0x1FC60] =	vst v51;
	v51 =	vld [tilespmem:$0x1FFA0];
	v20 =	vadd.f32 v20, v53  }
0x2bb: {  	v60 =	vadd.f32 v60, v58;
	v42 =	vadd.f32 v23, v13;
	v13 =	vld [tilespmem:s9+$0x8410];
	v21 =	vmul.f32 v21, v9  }
0x2bc: {  	v14 =	vadd.f32 v47, v14;
	[tilespmem:$0x1FC50] =	vst v49;
	v23 =	vmul.f32 v62, v62;
	v49 =	vadd.f32 v54, v20;
	v20 =	vld [tilespmem:s14+$0x30]  }
0x2bd: {  	v19 =	vadd.f32 v24, v19;
	v24 =	vmul.f32 v39, v39;
	v47 =	vadd.f32 v21, v60;
	v60 =	vld [tilespmem:$0x1FFB0]  }
0x2be: {  	v18 =	vsub.f32 v18, v23;
	v23 =	vld [tilespmem:s9+$0x8420]  }
0x2bf: {  	v56 =	vld [tilespmem:s11+$0x60];
	v19 =	vadd.f32 v24, v19;
	v24 =	vmul.f32 v42, v42  }
0x2c0: {  	v22 =	vadd.f32 $0.0e+00, v57;
	v34 =	vmul.f32 v48, v9;
	v54 =	vld [tilespmem:s11+$0x70];
	v13 =	vadd.f32 v13, v51  }
0x2c1: {  	v17 =	vadd.f32 v46, v17;
	v19 =	vadd.f32 v24, v19;
	v24 =	vld [tilespmem:s14+$0x20]  }
0x2c2: {  	s10 =	sor.u32 $0x6, s2;
	v46 =	vadd.f32 v34, v13;
	v13 =	vld [tilespmem:s9+$0x8440];
	v20 =	vmul.f32 v20, v9;
	v44 =	vadd.f32 v44, v60  }
0x2c3: {  	v22 =	vadd.f32 v52, v22;
	s26 =	sor.u32 s4, s10;
	v16 =	vadd.f32 v23, v16;
	v23 =	vld [tilespmem:s14+$0x40]  }
0x2c4: {  	s11 =	smulhi.u32 $0x51EB851F, s26;
	v51 =	vadd.f32 v20, v44;
	v20 =	vld [tilespmem:$0x1FFC0]  }
0x2c5: {  	v22 =	vadd.f32 v59, v22;
	v53 =	vmul.f32 v56, v12  }
0x2c6: {  	v45 =	vmul.f32 v4, v4;
	s11 =	sshrl.u32 s11, $0x6;
	v21 =	vmul.f32 v24, v9;
	v24 =	vmov s26  }
0x2c7: {  	v43 =	vld [tilespmem:s9+$0x8460];
	s11 =	smul.u32 $0xC8, s11;
	v38 =	vmul.f32 v54, v12;
	v58 =	vmul.f32 v46, v46;
	v24 =	vand.u32 $0xFFFFFFFE, v24  }
0x2c8: {  	v56 =	vmul.f32 v47, v47;
	v48 =	vadd.f32 v21, v16;
	v16 =	vbroadcast v24, $0x0;
	v24 =	vld [tilespmem:s19+$0x8470]  }
0x2c9: {  	s26 =	ssub.s32 s26, s11;
	v60 =	vadd.f32 v53, v17;
	v53 =	vld [tilespmem:$0x1FFF0];
	v13 =	vadd.f32 v13, v20;
	v20 =	vmul.f32 v23, v9  }
0x2ca: {  	v22 =	vadd.f32 v61, v22;
	v40 =	vld [tilespmem:s9+$0x8450];
	v54 =	vmul.f32 v8, v33;
	s26 =	sshll.u32 s26, $0x7;
	v21 =	vmul.f32 v49, v49  }
0x2cb: {  	v33 =	vld [tilespmem:s26+$0x10];
	v17 =	vadd.f32 v58, v56;
	v58 =	vadd.f32 v20, v13;
	v20 =	vmul.f32 v15, v5  }
0x2cc: {  	v22 =	vadd.f32 v63, v22;
	v14 =	vadd.f32 v45, v14;
	v31 =	vmul.f32 v48, v48;
	v23 =	vld [tilespmem:s14+$0x50]  }
0x2cd: {  	v19 =	vadd.f32 v21, v19;
	v21 =	vmul.f32 v60, v60;
	v56 =	vmul.f32 v20, v15;
	v20 =	vld [tilespmem:$0x1FFD0]  }
0x2ce: {  	s11 =	sshll.u32 s10, $0x7;
	v17 =	vadd.f32 v31, v17;
	v12 =	vld.idx.msk [tilespmem:v16+s16+$0x0], $0xffff;
	v45 =	vmul.f32 v51, v51;
	v24 =	vadd.f32 v24, v53  }
0x2cf: {  	v22 =	vadd.f32 v41, v22;
	v16 =	vadd.f32 v21, v19;
	v21 =	vld [tilespmem:s11+$0x8400]  }
0x2d0: {  	[tilespmem:$0x1FC80] =	vst v54;
	v17 =	vadd.f32 v45, v17;
	v54 =	vadd.f32 v38, v24;
	v24 =	vld [tilespmem:s26+$0x0];
	v19 =	vmul.f32 v58, v58  }
0x2d1: {  	v31 =	vadd.f32 v3, v22;
	v13 =	vld [tilespmem:s14+$0x60]  }
0x2d2: {  	v22 =	vmul.f32 v23, v9;
	v17 =	vadd.f32 v19, v17;
	v19 =	vld [tilespmem:s11+$0x8410];
	v20 =	vadd.f32 v40, v20  }
0x2d3: {  	v40 =	vmul.f32 v8, v6;
	v6 =	vadd.f32 $9.999999960e-13, v18;
	v18 =	vld [tilespmem:$0x1FF90]  }
0x2d4: {  	v11 =	vmul.f32 v8, v11;
	v45 =	vadd.f32 v22, v20;
	v22 =	vld [tilespmem:$0x1FFA0]  }
0x2d5: {  	v7 =	vmul.f32 v8, v7;
	v38 =	vld [tilespmem:$0x1FFE0];
	v53 =	vmul.f32 v54, v54  }
0x2d6: {  	v10 =	vmul.f32 v8, v10;
	[tilespmem:$0x1FC90] =	vst v11;
	v34 =	vadd.f32 $0.0e+00, v36  }
0x2d7: {  	[tilespmem:$0x1FCB0] =	vst v7;
	v7 =	vadd.f32 v4, v31;
	v16 =	vadd.f32 v53, v16;
	v53 =	vld [tilespmem:$0x1FEE0]  }
0x2d8: {  	[tilespmem:$0x1FCA0] =	vst v10;
	v10 =	vmul.f32 v33, v12;
	v11 =	vsub.f32 $1.500000000e+00, v56;
	v13 =	vmul.f32 v13, v9;
	v20 =	vld [tilespmem:s11+$0x8420]  }
0x2d9: {  	v18 =	vadd.f32 v21, v18;
	v21 =	vmul.f32 v24, v12;
	v19 =	vadd.f32 v19, v22;
	v22 =	vld [tilespmem:s26+$0x20]  }
0x2da: {  	v8 =	vmul.f32 v11, v15;
	v15 =	vadd.f32 v43, v38;
	v43 =	vadd.f32 v35, v34  }
0x2db: {  	v44 =	vmul.f32 v45, v45;
	v34 =	vadd.f32 v21, v18;
	v33 =	vadd.f32 v10, v19  }
0x2dc: {  	(xrf2) =	vadd.scan.msk.f32 $0xffff, v7;
	v56 =	vadd.f32 v13, v15;
	v7 =	vadd.f32 v37, v43  }
0x2dd: {  	v31 =	vld [tilespmem:s11+$0x8430];
	v11 =	vadd.f32 v44, v17;
	v44 =	vmul.f32 v34, v34;
	v17 =	vmul.f32 v33, v33  }
0x2de: {  	(xrf2) =	vadd.scan.msk.f32 $0xffff, v14;
	v43 =	vld [tilespmem:s26+$0x30];
	v38 =	vmul.f32 v56, v56;
	v14 =	vadd.f32 v20, v53;
	v19 =	vmul.f32 v22, v12  }
0x2df: {  	v24 =	vld [tilespmem:$0x1FFC0];
	v13 =	vadd.f32 v17, v44;
	v17 =	vshra.s32 v6, $0x1  }
0x2e0: {  	v11 =	vadd.f32 v38, v11;
	v38 =	vadd.f32 v19, v14;
	v14 =	vsub.s32 $0x5F3759DF, v17;
	v17 =	vld [tilespmem:$0x1FFB0]  }
0x2e1: {  	v18 =	vld [tilespmem:s11+$0x8440]  }
0x2e2: {  	v20 =	vld [tilespmem:s26+$0x40];
	_ =	sdelay $0x1  }
0x2e3: {  	v23 =	vmul.f32 v38, v38  }
0x2e4: {  	v6 =	vmul.f32 $5.000000000e-01, v6;
	v19 =	vld [tilespmem:s14+$0x70];
	v10 =	vadd.f32 v31, v17;
	v17 =	vmov s18  }
0x2e5: {  	v7 =	vadd.f32 v39, v7;
	v15 =	vmul.f32 v43, v12;
	v21 =	vor.u32 $0xF, v17  }
0x2e6: {  	v18 =	vadd.f32 v18, v24;
	v20 =	vmul.f32 v20, v12;
	v24 =	vmul.f32 v14, v6  }
0x2e7: {  	v7 =	vadd.f32 v42, v7;
	v22 =	vld [tilespmem:s9+$0x8470];
	v13 =	vadd.f32 v23, v13;
	v17 =	vor.u32 $0x1F, v17;
	v23, _, _ =	vpop (xrf2)  }
0x2e8: {  	v44 =	vadd.f32 v20, v18;
	v18 =	vld [tilespmem:s11+$0x8450];
	[tilespmem:s18+$0xFE00] =	vst v23;
	v43 =	vadd.f32 v15, v10;
	v10 =	vmul.f32 v14, v24;
	v31, _, _ =	vpop (xrf2)  }
0x2e9: {  	v53 =	vadd.f32 $0.0e+00, v47;
	v9 =	vmul.f32 v19, v9;
	v19 =	vld [tilespmem:s26+$0x50];
	[tilespmem:s18+$0xFE10] =	vst v31  }
0x2ea: {  	v7 =	vadd.f32 v49, v7;
	v10 =	vsub.f32 $1.500000000e+00, v10;
	v20 =	vld.idx.msk [tilespmem:v21+s22+$0x0], $0xffff  }
0x2eb: {  	v21 =	vld [tilespmem:$0x1FFF0]  }
0x2ec: {  	v7 =	vadd.f32 v60, v7;
	v15 =	vadd.f32 v46, v53;
	v10 =	vmul.f32 v14, v10;
	v14 =	vld.idx.msk [tilespmem:v17+s22+$0x0], $0xffff  }
0x2ed: {  	v23 =	vmul.f32 v8, v5;
	v17 =	vld [tilespmem:$0x1FFD0]  }
0x2ee: {  	v7 =	vadd.f32 v54, v7;
	v15 =	vadd.f32 v48, v15  }
0x2ef: {  	v31 =	vmul.f32 v23, v8  }
0x2f0: {  	(xrf2) =	vadd.scan.msk.f32 $0xffff, v7;
	v53 =	vmul.f32 v44, v44;
	v15 =	vadd.f32 v51, v15  }
0x2f1: {  	v7 =	vsub.f32 $1.500000000e+00, v31;
	v21 =	vadd.f32 v22, v21;
	v22 =	vmul.f32 v43, v43  }
0x2f2: {  	v17 =	vadd.f32 v18, v17;
	v18 =	vmul.f32 v19, v12;
	v19 =	vmul.f32 v10, v6  }
0x2f3: {  	v5 =	vadd.f32 v9, v21;
	v9 =	vadd.f32 v22, v13;
	v13 =	vmul.f32 $7.812500000e-03, v20  }
0x2f4: {  	(xrf2) =	vadd.scan.msk.f32 $0xffff, v16;
	v15 =	vadd.f32 v58, v15;
	v14 =	vmul.f32 $7.812500000e-03, v14;
	v16 =	vmul.f32 v19, v10  }
0x2f5: {  	v9 =	vadd.f32 v53, v9;
	v53 =	vadd.f32 v18, v17;
	v18 =	vmul.f32 v13, v13  }
0x2f6: {  	v20 =	vld [tilespmem:s26+$0x60];
	v16 =	vsub.f32 $1.500000000e+00, v16  }
0x2f7: {  	v7 =	vmul.f32 v7, v8;
	v8 =	vsub.f32 v14, v18;
	v14 =	vadd.f32 v45, v15;
	v15 =	vld [tilespmem:$0x1FC20]  }
0x2f8: {  	v17 =	vld [tilespmem:s26+$0x70]  }
0x2f9: {  	v10 =	vmul.f32 v16, v10;
	v16 =	vmul.f32 v7, v30;
	v30 =	vld [tilespmem:$0x1FC30]  }
0x2fa: {  	v0 =	vmul.f32 v7, v0;
	v18, _, _ =	vpop (xrf2)  }
0x2fb: {  	v19 =	vmul.f32 v5, v5;
	[tilespmem:s19+$0xFE00] =	vst v18;
	v18 =	vld [tilespmem:$0x1FC10]  }
0x2fc: {  	[tilespmem:$0x1FCE0] =	vst v0;
	v22 =	vld [tilespmem:s11+$0x8460];
	v31 =	vmul.f32 v20, v12;
	v14 =	vadd.f32 v56, v14;
	v0 =	vmul.f32 v7, v15  }
0x2fd: {  	v6 =	vmul.f32 v10, v6;
	v12 =	vmul.f32 v17, v12;
	v17 =	vld [tilespmem:$0x1FFE0]  }
0x2fe: {  	v14 =	vadd.f32 v5, v14;
	v15 =	vld [tilespmem:$0x1FC40];
	[tilespmem:$0x1FCF0] =	vst v0;
	v0 =	vmul.f32 v7, v30  }
0x2ff: {  	v11 =	vadd.f32 v19, v11;
	[tilespmem:$0x1FCC0] =	vst v16;
	v16 =	vmov s19;
	v6 =	vmul.f32 v6, v10  }
0x300: {  	v19 =	vor.u32 $0xF, v16;
	(xrf2) =	vadd.scan.msk.f32 $0xffff, v14;
	v14 =	vadd.f32 $0.0e+00, v34;
	v18 =	vmul.f32 v7, v18  }
0x301: {  	v16 =	vor.u32 $0x1F, v16;
	v30 =	vmul.f32 v7, v1;
	v1 =	vsub.f32 $1.500000000e+00, v6;
	v6 =	vld [tilespmem:$0x1FFF0];
	[tilespmem:$0x1FD00] =	vst v0  }
0x302: {  	(xrf2) =	vadd.scan.msk.f32 $0xffff, v11;
	v11 =	vadd.f32 v33, v14;
	[tilespmem:$0x1FCD0] =	vst v18;
	v18 =	vld [tilespmem:s11+$0x8470];
	v0, _, _ =	vpop (xrf2)  }
0x303: {  	v8 =	vadd.f32 $9.999999960e-13, v8;
	v17 =	vadd.f32 v22, v17;
	[tilespmem:s19+$0xFE10] =	vst v0;
	v0 =	vmul.f32 v7, v15  }
0x304: {  	v21 =	vmul.f32 v53, v53;
	[tilespmem:$0x1FD20] =	vst v30;
	v30 =	vmul.f32 v7, v2;
	v7 =	vadd.f32 v38, v11  }
0x305: {  	v31 =	vadd.f32 v31, v17;
	v17 =	vmul.f32 $5.000000000e-01, v8;
	[tilespmem:$0x1FD10] =	vst v0;
	v0 =	vshra.s32 v8, $0x1;
	v8 =	vld.idx.msk [tilespmem:v19+s22+$0x0], $0xffff  }
0x306: {  	v9 =	vadd.f32 v21, v9;
	v15 =	vld.idx.msk [tilespmem:v16+s22+$0x0], $0xffff;
	v7 =	vadd.f32 v43, v7  }
0x307: {  	v14 =	vsub.s32 $0x5F3759DF, v0;
	v16 =	vadd.f32 v18, v6;
	v18 =	vmul.f32 v31, v31  }
0x308: {  	v6 =	vmul.f32 v14, v17  }
0x309: {  	v0 =	vmov s9;
	v7 =	vadd.f32 v44, v7;
	v9 =	vadd.f32 v18, v9  }
0x30a: {  	[tilespmem:$0x1FD30] =	vst v30;
	v30 =	vadd.f32 v12, v16;
	v2 =	vmul.f32 v14, v6;
	v12 =	vmul.f32 $7.812500000e-03, v8  }
0x30b: {  	v16 =	vsub.f32 v28, v62;
	v18 =	vor.u32 $0xF, v0;
	v28 =	vmul.f32 $7.812500000e-03, v15  }
0x30c: {  	s10 =	sor.u32 $0x7, s2;
	v15 =	vor.u32 $0x1F, v0;
	v2 =	vsub.f32 $1.500000000e+00, v2;
	v0 =	vmul.f32 v12, v12  }
0x30d: {  	s14 =	sor.u32 s4, s10;
	v19, _, _ =	vpop (xrf2);
	v21 =	vadd.f32 v53, v7  }
0x30e: {  	s26 =	smulhi.u32 $0x51EB851F, s14;
	v1 =	vmul.f32 v1, v10;
	[tilespmem:s9+$0xFE00] =	vst v19;
	v19 =	vsub.f32 v55, v62;
	v22 =	vsub.f32 v28, v0  }
0x30f: {  	v20 =	vmul.f32 v30, v30;
	v28 =	vsub.f32 v50, v62;
	v50 =	vadd.f32 v31, v21  }
0x310: {  	s26 =	sshrl.u32 s26, $0x6;
	v11 =	vmul.f32 v1, v19;
	v19 =	vsub.f32 v29, v62;
	v14 =	vmul.f32 v14, v2;
	v2, _, _ =	vpop (xrf2)  }
0x311: {  	s26 =	smul.u32 $0xC8, s26;
	v8 =	vmul.f32 v1, v16;
	v20 =	vadd.f32 v20, v9;
	[tilespmem:s9+$0xFE10] =	vst v2;
	v55 =	vadd.f32 v30, v50  }
0x312: {  	v10 =	vmul.f32 v1, v19;
	v19 =	vsub.f32 v25, v62;
	v21 =	vmov s14;
	v16 =	vld.idx.msk [tilespmem:v18+s22+$0x0], $0xffff  }
0x313: {  	s26 =	ssub.s32 s14, s26;
	v25 =	vsub.f32 v32, v62;
	v18 =	vsub.f32 v27, v62;
	v23 =	vld.idx.msk [tilespmem:v15+s22+$0x0], $0xffff;
	(xrf2) =	vadd.scan.msk.f32 $0xffff, v55  }
0x314: {  	s26 =	sshll.u32 s26, $0x7;
	v6 =	vld [tilespmem:$0x1FFA0];
	v29 =	vsub.f32 v59, v13;
	v59 =	vsub.f32 v41, v13;
	v24 =	vmul.f32 v14, v17  }
0x315: {  	v32 =	vmul.f32 v1, v25;
	v25 =	vld [tilespmem:s26+$0x10];
	v9 =	vmul.f32 v1, v18;
	v18 =	vsub.f32 v26, v62;
	(xrf2) =	vadd.scan.msk.f32 $0xffff, v20  }
0x316: {  	[tilespmem:$0x1FD40] =	vst v11;
	v11 =	vmul.f32 v1, v28;
	v22 =	vadd.f32 $9.999999960e-13, v22;
	v24 =	vmul.f32 v24, v14;
	v62 =	vld [tilespmem:$0x1FF90]  }
0x317: {  	s14 =	sshll.u32 s10, $0x7;
	v28 =	vsub.f32 v52, v13;
	v50 =	vmul.f32 v1, v18;
	v18 =	vld.idx.msk [tilespmem:v21+s16+$0x0], $0xffff;
	v15 =	vmul.f32 $7.812500000e-03, v16  }
0x318: {  	v55 =	vmul.f32 v1, v19;
	v16 =	vsub.f32 $1.500000000e+00, v24;
	v21 =	vmul.f32 $7.812500000e-03, v23;
	v23 =	vld [tilespmem:s14+$0x8400]  }
0x319: {  	v41 =	vld [tilespmem:s14+$0x8420];
	v19 =	vmul.f32 $5.000000000e-01, v22;
	v20 =	vshra.s32 v22, $0x1;
	v22 =	vmul.f32 v15, v15  }
0x31a: {  	v52 =	vsub.f32 v61, v13;
	v61 =	vld [tilespmem:$0x1FEE0];
	v1 =	vmul.f32 v16, v14;
	v14 =	vsub.s32 $0x5F3759DF, v20  }
0x31b: {  	v24 =	vld [tilespmem:s14+$0x8410];
	v20 =	vsub.f32 v21, v22;
	v22 =	vmul.f32 v14, v19  }
0x31c: {  	v16 =	vld [tilespmem:s26+$0x0]  }
0x31d: {  	v23 =	vadd.f32 v23, v62;
	v62 =	vld [tilespmem:s14+$0x8430];
	v22 =	vmul.f32 v14, v22;
	v2, _, _ =	vpop (xrf2)  }
0x31e: {  	v21 =	vsub.f32 v57, v13;
	v57 =	vsub.f32 v63, v13;
	[tilespmem:s11+$0xFE00] =	vst v2;
	v2 =	vld [tilespmem:s26+$0x30]  }
0x31f: {  	v26 =	vmov s11;
	v63 =	vsub.f32 v3, v13;
	v7, _, _ =	vpop (xrf2);
	v3 =	vsub.f32 $1.500000000e+00, v22;
	v22 =	vld [tilespmem:s26+$0x20]  }
0x320: {  	v27 =	vor.u32 $0xF, v26;
	v17 =	vmul.f32 v1, v17;
	[tilespmem:s11+$0xFE10] =	vst v7;
	v7 =	vld [tilespmem:$0x1FFB0]  }
0x321: {  	v0 =	vld [tilespmem:s26+$0x40];
	v25 =	vmul.f32 v25, v18;
	v13 =	vsub.f32 v4, v13;
	v24 =	vadd.f32 v24, v6  }
0x322: {  	v17 =	vmul.f32 v17, v1;
	v20 =	vadd.f32 $9.999999960e-13, v20;
	v16 =	vmul.f32 v16, v18  }
0x323: {  	v6 =	vadd.f32 v25, v24;
	v25 =	vadd.f32 v41, v61  }
0x324: {  	v26 =	vor.u32 $0x1F, v26;
	v4 =	vadd.f32 v16, v23;
	v16 =	vsub.f32 $1.500000000e+00, v17  }
0x325: {  	v17 =	vld.idx.msk [tilespmem:v27+s22+$0x0], $0xffff;
	v2 =	vmul.f32 v2, v18;
	v22 =	vmul.f32 v22, v18;
	v62 =	vadd.f32 v62, v7  }
0x326: {  	v0 =	vmul.f32 v0, v18;
	v23 =	vshra.s32 v20, $0x1;
	v27 =	vld [tilespmem:s14+$0x8440];
	v14 =	vmul.f32 v14, v3  }
0x327: {  	v20 =	vmul.f32 $5.000000000e-01, v20;
	v22 =	vadd.f32 v22, v25;
	v25 =	vadd.f32 v2, v62;
	v62 =	vld [tilespmem:$0x1FFC0]  }
0x328: {  	v61 =	vmul.f32 v6, v6;
	v23 =	vsub.s32 $0x5F3759DF, v23;
	v24 =	vmul.f32 v14, v19  }
0x329: {  	v41 =	vmul.f32 v4, v4;
	v7 =	vmul.f32 v23, v20  }
0x32a: {  	v26 =	vld.idx.msk [tilespmem:v26+s22+$0x0], $0xffff;
	v1 =	vmul.f32 v16, v1;
	v24 =	vmul.f32 v24, v14  }
0x32b: {  	v61 =	vadd.f32 v61, v41;
	v41 =	vmul.f32 $7.812500000e-03, v17;
	v16 =	vmul.f32 v23, v7  }
0x32c: {  	v2 =	vsub.f32 $1.500000000e+00, v24;
	v24 =	vmul.f32 v22, v22;
	v17 =	vadd.f32 v27, v62  }
0x32d: {  	v16 =	vsub.f32 $1.500000000e+00, v16  }
0x32e: {  	v7 =	vmul.f32 v25, v25;
	v61 =	vadd.f32 v24, v61;
	v24 =	vadd.f32 v0, v17  }
0x32f: {  	v3 =	vld [tilespmem:s26+$0x50];
	v26 =	vmul.f32 $7.812500000e-03, v26;
	v2 =	vmul.f32 v2, v14  }
0x330: {  	v23 =	vmul.f32 v23, v16;
	v62 =	vld [tilespmem:s14+$0x8450];
	v16 =	vadd.f32 v7, v61;
	v61 =	vmul.f32 v24, v24  }
0x331: {  	v7 =	vmul.f32 v1, v21;
	v21 =	vmul.f32 v1, v29;
	v17 =	vld [tilespmem:s14+$0x8460];
	v0 =	vadd.f32 $0.0e+00, v4  }
0x332: {  	v29 =	vadd.f32 v61, v16;
	v61 =	vmul.f32 v1, v57;
	v57 =	vmul.f32 v1, v59;
	v59 =	vld [tilespmem:$0x1FFD0]  }
0x333: {  	v14 =	vmul.f32 v1, v28;
	v27 =	vmul.f32 v41, v41;
	v28 =	vadd.f32 v6, v0;
	v0 =	vld [tilespmem:$0x1FFE0];
	_ =	sdelay $0x1  }
0x334: {  	v26 =	vsub.f32 v26, v27;
	v27 =	vld [tilespmem:s26+$0x60]  }
0x335: {  	v3 =	vmul.f32 v3, v18  }
0x336: {  	v19 =	vmul.f32 v2, v19;
	v16 =	vmul.f32 v1, v52;
	v52 =	vld [tilespmem:s26+$0x70];
	v62 =	vadd.f32 v62, v59  }
0x337: {  	v17 =	vadd.f32 v17, v0;
	v59 =	vld [tilespmem:s14+$0x8470]  }
0x338: {  	v0 =	vadd.f32 v22, v28;
	v28 =	vadd.f32 v3, v62;
	v3 =	vmul.f32 v19, v2;
	v19 =	vld [tilespmem:$0x1FFF0]  }
0x339: {  	v27 =	vmul.f32 v27, v18  }
0x33a: {  	v63 =	vmul.f32 v1, v63;
	v0 =	vadd.f32 v25, v0  }
0x33b: {  	v13 =	vmul.f32 v1, v13;
	v1 =	vadd.f32 v27, v17;
	v17 =	vmul.f32 v23, v20  }
0x33c: {  	v18 =	vmul.f32 v52, v18;
	v0 =	vadd.f32 v24, v0;
	v27 =	vmul.f32 v28, v28  }
0x33d: {  	v17 =	vmul.f32 v17, v23;
	v3 =	vsub.f32 $1.500000000e+00, v3;
	v19 =	vadd.f32 v59, v19  }
0x33e: {  	v0 =	vadd.f32 v28, v0;
	v27 =	vadd.f32 v27, v29  }
0x33f: {  	v59 =	vsub.f32 $1.500000000e+00, v17;
	v29 =	vadd.f32 v18, v19;
	v18 =	vmul.f32 v1, v1  }
0x340: {  	v52 =	vsub.f32 v39, v12;
	v2 =	vmul.f32 v3, v2;
	v0 =	vadd.f32 v1, v0  }
0x341: {  	v3 =	vmul.f32 v59, v23;
	v17 =	vadd.f32 v18, v27;
	v18 =	vsub.f32 v36, v12  }
0x342: {  	v23 =	vadd.f32 $9.999999960e-13, v26;
	v59 =	vsub.f32 v60, v12;
	v19 =	vmul.f32 v29, v29  }
0x343: {  	v0 =	vadd.f32 v29, v0;
	v36 =	vmul.f32 v2, v18;
	v18 =	vsub.f32 v35, v12  }
0x344: {  	v20 =	vmul.f32 v3, v20;
	v17 =	vadd.f32 v19, v17;
	v19 =	vshra.s32 v23, $0x1  }
0x345: {  	v23 =	vmul.f32 $5.000000000e-01, v23;
	v35 =	vmul.f32 v2, v18;
	v18 =	vsub.f32 v37, v12  }
0x346: {  	v60 =	vmul.f32 v2, v52;
	(xrf2) =	vadd.scan.msk.f32 $0xffff, v0;
	v20 =	vmul.f32 v20, v3;
	v19 =	vsub.s32 $0x5F3759DF, v19  }
0x347: {  	v52 =	vld [tilespmem:$0x1FED0];
	v27 =	vsub.f32 v49, v12;
	v26 =	vmul.f32 v19, v23;
	(xrf2) =	vadd.scan.msk.f32 $0xffff, v17;
	v17 =	vmul.f32 v2, v18  }
0x348: {  	v18 =	vsub.f32 v42, v12;
	v12 =	vsub.f32 v54, v12;
	v54 =	vmul.f32 v2, v59;
	v59 =	vld [tilespmem:$0x1FC50];
	_ =	sdelay $0x1  }
0x349: {  	v26 =	vmul.f32 v19, v26;
	v42 =	vsub.f32 $1.500000000e+00, v20  }
0x34a: {  	v37 =	vmul.f32 v2, v27;
	v27 =	vld [tilespmem:$0x1FEA0]  }
0x34b: {  	v49 =	vmul.f32 v2, v18;
	v18 =	vsub.f32 $1.500000000e+00, v26;
	v0 =	vmul.f32 v42, v3;
	v42 =	vld [tilespmem:$0x1FEC0]  }
0x34c: {  	v3 =	vmul.f32 v59, v52;
	v52 =	vld [tilespmem:$0x1FC80]  }
0x34d: {  	v39 =	vmul.f32 v2, v12;
	v2 =	vmul.f32 v19, v18;
	v18 =	vld [tilespmem:$0x1FC60];
	_ =	sdelay $0x3  }
0x34e: {  	v27 =	vmul.f32 v52, v27;
	v52 =	vsub.f32 v58, v15;
	v58, _, _ =	vpop (xrf2)  }
0x34f: {  	v20 =	vld [tilespmem:$0x1FC70];
	v12 =	vmul.f32 v18, v42;
	v42 =	vsub.f32 v46, v15;
	v59, _, _ =	vpop (xrf2)  }
0x350: {  	[tilespmem:s14+$0xFE10] =	vst v59;
	v59 =	vld [tilespmem:$0x1FE80]  }
0x351: {  	v46 =	vmul.f32 v0, v42;
	v42 =	vld [tilespmem:$0x1FE90]  }
0x352: {  	v19 =	vld [tilespmem:$0x1FEB0];
	_ =	sdelay $0x1  }
0x353: {  	v5 =	vsub.f32 v5, v15  }
0x354: {  	v51 =	vsub.f32 v51, v15;
	v59 =	vadd.f32 v12, v59  }
0x355: {  	v18 =	vmov s14;
	v3 =	vadd.f32 v3, v42;
	v42 =	vmul.f32 v0, v5;
	v5 =	vld [tilespmem:$0x1FF30]  }
0x356: {  	v19 =	vmul.f32 v20, v19;
	v20 =	vsub.f32 v47, v15;
	v47 =	vsub.f32 v48, v15;
	[tilespmem:s3+$0xC410] =	vst v59;
	v59 =	vld [tilespmem:$0x1FF40]  }
0x357: {  	v26 =	vor.u32 $0xF, v18;
	[tilespmem:s14+$0xFE00] =	vst v58;
	v58 =	vsub.f32 v45, v15;
	v45 =	vmul.f32 v2, v23  }
0x358: {  	v51 =	vmul.f32 v0, v51;
	v48 =	vmul.f32 v0, v20  }
0x359: {  	v56 =	vsub.f32 v56, v15;
	v62 =	vld [tilespmem:$0x1FF50];
	v47 =	vmul.f32 v0, v47;
	v20 =	vmul.f32 v45, v2  }
0x35a: {  	v45 =	vmul.f32 v0, v52;
	v52 =	vld [tilespmem:$0x1FF00];
	v15 =	vmul.f32 v0, v58  }
0x35b: {  	v12 =	vmul.f32 v0, v56;
	v0 =	vadd.f32 v19, v5;
	v5 =	vld [tilespmem:$0x1FCA0];
	v19 =	vadd.f32 v27, v59  }
0x35c: {  	v26 =	vld.idx.msk [tilespmem:v26+s22+$0x0], $0xffff  }
0x35d: {  	[tilespmem:s3+$0xC430] =	vst v19;
	v19 =	vld [tilespmem:$0x1FF60]  }
0x35e: {  	v58 =	vld [tilespmem:$0x1FEF0];
	v20 =	vsub.f32 $1.500000000e+00, v20  }
0x35f: {  	[tilespmem:s3+$0xC400] =	vst v3;
	v3 =	vld [tilespmem:$0x1FC90]  }
0x360: {  	v2 =	vmul.f32 v20, v2;
	v27 =	vld [tilespmem:$0x1FCC0];
	v20 =	vmul.f32 v5, v52  }
0x361: {  	v5 =	vmul.f32 $7.812500000e-03, v26;
	v26 =	vld [tilespmem:$0x1FED0]  }
0x362: {  	v19 =	vadd.f32 v20, v19;
	v20 =	vld [tilespmem:$0x1FF20];
	_ =	sdelay $0x1  }
0x363: {  	v3 =	vmul.f32 v3, v58;
	[tilespmem:s3+$0xC450] =	vst v19;
	v19 =	vld [tilespmem:$0x1FF80]  }
0x364: {  	v56 =	vld [tilespmem:$0x1FF10]  }
0x365: {  	[tilespmem:s3+$0xC420] =	vst v0;
	v0 =	vadd.f32 v3, v62;
	v3 =	vld [tilespmem:$0x1FCB0]  }
0x366: {  	v26 =	vmul.f32 v27, v26;
	v27 =	vld [tilespmem:$0x1FCD0];
	v20 =	vmul.f32 v40, v20  }
0x367: {  	v40 =	vld [tilespmem:$0x1FF70]  }
0x368: {  	v19 =	vadd.f32 v20, v19;
	v20 =	vld [tilespmem:$0x1FEC0];
	_ =	sdelay $0x1  }
0x369: {  	v18 =	vor.u32 $0x1F, v18;
	v3 =	vmul.f32 v3, v56;
	_ =	sdelay $0x1  }
0x36a: {  	[tilespmem:s3+$0xC440] =	vst v0;
	v0 =	vadd.f32 v3, v40;
	v40 =	vld [tilespmem:$0x1FCE0]  }
0x36b: {  	v20 =	vmul.f32 v27, v20;
	v27 =	vld [tilespmem:$0x1FEB0];
	_ =	sdelay $0x1  }
0x36c: {  	v18 =	vld.idx.msk [tilespmem:v18+s22+$0x0], $0xffff;
	_ =	sdelay $0x2  }
0x36d: {  	v27 =	vmul.f32 v40, v27;
	v40 =	vld [tilespmem:$0x1FE90];
	_ =	sdelay $0x1  }
0x36e: {  	v3 =	vmul.f32 $7.812500000e-03, v18;
	v18 =	vmul.f32 v5, v5;
	_ =	sdelay $0x1  }
0x36f: {  	[tilespmem:s3+$0xC460] =	vst v0;
	v0 =	vsub.f32 v3, v18;
	v18 =	vld [tilespmem:$0x1FEA0]  }
0x370: {  	v3 =	vadd.f32 v26, v40;
	v26 =	vld [tilespmem:$0x1FCF0];
	_ =	sdelay $0x3  }
0x371: {  	[tilespmem:s3+$0xC470] =	vst v19;
	v19 =	vld [tilespmem:$0x1FE80]  }
0x372: {  	v18 =	vmul.f32 v26, v18;
	v26 =	vld [tilespmem:$0x1FD00];
	_ =	sdelay $0x4  }
0x373: {  	v19 =	vadd.f32 v20, v19;
	v26 =	vmul.f32 v26, v58  }
0x374: {  	v40 =	vld [tilespmem:$0x1FD30]  }
0x375: {  	[tilespmem:s5+$0xC410] =	vst v19;
	v19 =	vadd.f32 v26, v62;
	v26 =	vld [tilespmem:$0x1FF20];
	_ =	sdelay $0x1  }
0x376: {  	v20 =	vld [tilespmem:$0x1FF30];
	_ =	sdelay $0x2  }
0x377: {  	v26 =	vmul.f32 v40, v26;
	v40 =	vld [tilespmem:$0x1FED0];
	_ =	sdelay $0x1  }
0x378: {  	v20 =	vadd.f32 v27, v20;
	[tilespmem:s5+$0xC400] =	vst v3;
	v3 =	vadd.f32 v18, v59;
	v18 =	vld [tilespmem:$0x1FD10];
	_ =	sdelay $0x1  }
0x379: {  	[tilespmem:s5+$0xC420] =	vst v20;
	v20 =	vld [tilespmem:$0x1FF60]  }
0x37a: {  	v8 =	vmul.f32 v8, v40;
	v40 =	vld [tilespmem:$0x1FF80];
	_ =	sdelay $0x1  }
0x37b: {  	v27 =	vld [tilespmem:$0x1FD20];
	v18 =	vmul.f32 v18, v52;
	_ =	sdelay $0x1  }
0x37c: {  	v18 =	vadd.f32 v18, v20;
	v20 =	vld [tilespmem:$0x1FF70]  }
0x37d: {  	[tilespmem:s5+$0xC430] =	vst v3;
	v3 =	vadd.f32 v26, v40;
	v26 =	vld [tilespmem:$0x1FE90];
	_ =	sdelay $0x1  }
0x37e: {  	v27 =	vmul.f32 v27, v56;
	_ =	sdelay $0x1  }
0x37f: {  	v20 =	vadd.f32 v27, v20;
	v27 =	vld [tilespmem:$0x1FD40]  }
0x380: {  	v8 =	vadd.f32 v8, v26;
	v26 =	vld [tilespmem:$0x1FEC0]  }
0x381: {  	[tilespmem:s5+$0xC440] =	vst v19;
	v19 =	vld [tilespmem:$0x1FEB0]  }
0x382: {  	[tilespmem:s5+$0xC450] =	vst v18;
	v18 =	vld [tilespmem:$0x1FE80];
	_ =	sdelay $0x1  }
0x383: {  	v23 =	vmul.f32 v2, v23  }
0x384: {  	v26 =	vmul.f32 v27, v26  }
0x385: {  	v11 =	vmul.f32 v11, v19;
	v19 =	vmul.f32 v23, v2;
	v23 =	vld [tilespmem:$0x1FEA0]  }
0x386: {  	v18 =	vadd.f32 v26, v18;
	_ =	sdelay $0x1  }
0x387: {  	[tilespmem:s17+$0xC410] =	vst v18;
	v18 =	vld [tilespmem:$0x1FF20];
	_ =	sdelay $0x1  }
0x388: {  	v0 =	vadd.f32 $9.999999960e-13, v0;
	v9 =	vmul.f32 v9, v23;
	v23 =	vmul.f32 v55, v56;
	v55 =	vld [tilespmem:$0x1FF30];
	_ =	sdelay $0x1  }
0x389: {  	[tilespmem:s5+$0xC460] =	vst v20;
	v20 =	vshra.s32 v0, $0x1;
	v0 =	vmul.f32 $5.000000000e-01, v0  }
0x38a: {  	v20 =	vsub.s32 $0x5F3759DF, v20;
	v18 =	vmul.f32 v32, v18;
	v32 =	vld [tilespmem:$0x1FF80]  }
0x38b: {  	v40 =	vmul.f32 v20, v0;
	[tilespmem:s5+$0xC470] =	vst v3;
	v3 =	vmul.f32 v50, v52;
	v50 =	vld [tilespmem:$0x1FF60]  }
0x38c: {  	[tilespmem:s17+$0xC400] =	vst v8;
	v8 =	vadd.f32 v11, v55;
	v55 =	vld [tilespmem:$0x1FF70]  }
0x38d: {  	v9 =	vadd.f32 v9, v59;
	v11 =	vmul.f32 v20, v40;
	v40 =	vld [tilespmem:$0x1FEB0]  }
0x38e: {  	v10 =	vmul.f32 v10, v58;
	v26 =	vld [tilespmem:$0x1FEB0]  }
0x38f: {  	[tilespmem:s17+$0xC430] =	vst v9;
	v9 =	vadd.f32 v18, v32;
	v18 =	vld [tilespmem:$0x1FED0]  }
0x390: {  	v10 =	vadd.f32 v10, v62;
	v3 =	vadd.f32 v3, v50;
	v50 =	vld [tilespmem:$0x1FE90]  }
0x391: {  	[tilespmem:s17+$0xC420] =	vst v8;
	v8 =	vadd.f32 v23, v55;
	v55 =	vld [tilespmem:$0x1FE80]  }
0x392: {  	[tilespmem:s17+$0xC440] =	vst v10;
	v11 =	vsub.f32 $1.500000000e+00, v11;
	v10 =	vmul.f32 v21, v40;
	v40 =	vld [tilespmem:$0x1FF30]  }
0x393: {  	v17 =	vmul.f32 v17, v26;
	v26 =	vld [tilespmem:$0x1FED0]  }
0x394: {  	v19 =	vsub.f32 $1.500000000e+00, v19;
	[tilespmem:s17+$0xC460] =	vst v8;
	v8 =	vmul.f32 v20, v11;
	v7 =	vmul.f32 v7, v18;
	v18 =	vld [tilespmem:$0x1FEC0]  }
0x395: {  	v21 =	vsub.f32 v44, v41;
	v44 =	vld [tilespmem:$0x1FED0]  }
0x396: {  	v2 =	vmul.f32 v19, v2;
	v11 =	vsub.f32 v30, v41;
	v30 =	vld [tilespmem:$0x1FEA0];
	v19 =	vmul.f32 v8, v0  }
0x397: {  	v45 =	vmul.f32 v45, v58;
	v10 =	vadd.f32 v10, v40;
	v40 =	vmul.f32 v63, v56;
	v63 =	vld [tilespmem:$0x1FF60]  }
0x398: {  	v20 =	vsub.f32 v43, v41;
	v19 =	vmul.f32 v19, v8;
	v32 =	vmul.f32 v61, v58;
	v61 =	vld [tilespmem:$0x1FE90]  }
0x399: {  	[tilespmem:s17+$0xC450] =	vst v3;
	v26 =	vmul.f32 v48, v26;
	v48 =	vadd.f32 v45, v62;
	v14 =	vmul.f32 v14, v18;
	v18 =	vld [tilespmem:$0x1FEA0]  }
0x39a: {  	v43 =	vld [tilespmem:$0x1FF70];
	[tilespmem:s18+$0xC420] =	vst v10;
	v19 =	vsub.f32 $1.500000000e+00, v19;
	v3 =	vadd.f32 v7, v50  }
0x39b: {  	v27 =	vld [tilespmem:$0x1FEB0];
	[tilespmem:s9+$0xC440] =	vst v48;
	v7 =	vadd.f32 v14, v55;
	v55 =	vadd.f32 v32, v62;
	v32 =	vmul.f32 v57, v52  }
0x39c: {  	[tilespmem:s17+$0xC470] =	vst v9;
	v9 =	vmul.f32 v36, v44  }
0x39d: {  	v10 =	vsub.f32 v53, v41;
	v53 =	vld [tilespmem:$0x1FEC0];
	v14 =	vadd.f32 v32, v63;
	[tilespmem:s18+$0xC440] =	vst v55;
	v55 =	vmul.f32 v19, v8  }
0x39e: {  	[tilespmem:s18+$0xC400] =	vst v3;
	v8 =	vadd.f32 v9, v61;
	v9 =	vmul.f32 v60, v30;
	v60 =	vld [tilespmem:$0x1FF30];
	v16 =	vmul.f32 v16, v18  }
0x39f: {  	v23 =	vsub.f32 v31, v41;
	v57 =	vld [tilespmem:$0x1FF20];
	[tilespmem:s18+$0xC410] =	vst v7;
	v7 =	vadd.f32 v40, v43  }
0x3a0: {  	v31 =	vld [tilespmem:$0x1FE80];
	v27 =	vmul.f32 v47, v27;
	v3 =	vsub.f32 v33, v41;
	[tilespmem:s18+$0xC450] =	vst v14;
	v50 =	vadd.f32 v16, v59  }
0x3a1: {  	[tilespmem:s18+$0xC460] =	vst v7;
	v0 =	vmul.f32 v55, v0;
	v16 =	vsub.f32 v34, v41;
	v34 =	vmul.f32 v37, v52;
	v37 =	vld [tilespmem:$0x1FF70]  }
0x3a2: {  	v19 =	vmul.f32 v54, v56;
	v14 =	vmul.f32 v35, v53;
	v33 =	vadd.f32 v9, v59;
	[tilespmem:s18+$0xC430] =	vst v50;
	v50 =	vld [tilespmem:$0x1FF80]  }
0x3a3: {  	v36 =	vld [tilespmem:$0x1FEC0];
	[tilespmem:s19+$0xC400] =	vst v8;
	v0 =	vmul.f32 v0, v55;
	v32 =	vadd.f32 v17, v60;
	v17 =	vmul.f32 v49, v58  }
0x3a4: {  	v54 =	vld [tilespmem:$0x1FEC0];
	v13 =	vmul.f32 v13, v57;
	[tilespmem:s19+$0xC430] =	vst v33;
	v9 =	vadd.f32 v34, v63;
	v44 =	vadd.f32 v27, v60  }
0x3a5: {  	v0 =	vsub.f32 $1.500000000e+00, v0;
	v35 =	vadd.f32 v17, v62;
	v17 =	vmul.f32 v39, v57;
	[tilespmem:s19+$0xC420] =	vst v32;
	v39 =	vld [tilespmem:$0x1FE90]  }
0x3a6: {  	[tilespmem:s19+$0xC450] =	vst v9;
	v8 =	vadd.f32 v19, v37;
	v19 =	vld [tilespmem:$0x1FEA0]  }
0x3a7: {  	v4 =	vsub.f32 v4, v5;
	[tilespmem:s9+$0xC420] =	vst v44;
	v0 =	vmul.f32 v0, v55;
	v55 =	vld [tilespmem:$0x1FE80];
	v13 =	vadd.f32 v13, v50  }
0x3a8: {  	v10 =	vmul.f32 v2, v10;
	v3 =	vmul.f32 v2, v3;
	v18 =	vsub.f32 v38, v41;
	v38 =	vld [tilespmem:$0x1FF80];
	[tilespmem:s19+$0xC440] =	vst v35  }
0x3a9: {  	v6 =	vsub.f32 v6, v5;
	v47 =	vmul.f32 v15, v52;
	v40 =	vld [tilespmem:$0x1FE80];
	[tilespmem:s18+$0xC470] =	vst v13;
	v13 =	vadd.f32 v14, v31  }
0x3aa: {  	v10 =	vmul.f32 v10, v52;
	v30 =	vld [tilespmem:$0x1FF80];
	v3 =	vmul.f32 v3, v54;
	[tilespmem:s19+$0xC460] =	vst v8;
	v9 =	vadd.f32 v26, v39  }
0x3ab: {  	v50 =	vmul.f32 v42, v57;
	v42 =	vld [tilespmem:$0x1FEC0];
	v19 =	vmul.f32 v51, v19;
	v51 =	vadd.f32 v47, v63;
	[tilespmem:s19+$0xC410] =	vst v13  }
0x3ac: {  	v43 =	vmul.f32 v2, v23;
	v53 =	vld [tilespmem:$0x1FED0];
	v14 =	vmul.f32 v46, v36;
	v3 =	vadd.f32 v3, v55;
	[tilespmem:s9+$0xC400] =	vst v9  }
0x3ad: {  	v41 =	vmul.f32 v2, v20;
	v16 =	vmul.f32 v2, v16;
	v32 =	vld [tilespmem:$0x1FE90];
	v13 =	vadd.f32 v17, v38;
	[tilespmem:s9+$0xC450] =	vst v51  }
0x3ae: {  	v6 =	vmul.f32 v0, v6;
	v31 =	vld [tilespmem:$0x1FEB0];
	v17 =	vmul.f32 v2, v18;
	v8 =	vadd.f32 v14, v40;
	[tilespmem:s11+$0xC410] =	vst v3  }
0x3af: {  	v33 =	vld [tilespmem:$0x1FEA0];
	v18 =	vmul.f32 v2, v21;
	v2 =	vmul.f32 v2, v11;
	v11 =	vadd.f32 v50, v30;
	[tilespmem:s19+$0xC470] =	vst v13  }
0x3b0: {  	v1 =	vsub.f32 v1, v5;
	v38 =	vadd.f32 v10, v63;
	v6 =	vmul.f32 v6, v42;
	[tilespmem:s9+$0xC410] =	vst v8  }
0x3b1: {  	v49 =	vmul.f32 v12, v56;
	v44 =	vld [tilespmem:$0x1FE90];
	v46 =	vadd.f32 v19, v59;
	v8 =	vmul.f32 v16, v53;
	[tilespmem:s9+$0xC470] =	vst v11  }
0x3b2: {  	v37 =	vmul.f32 v43, v56;
	v16 =	vld [tilespmem:$0x1FF70];
	v35 =	vmul.f32 v18, v58;
	[tilespmem:s11+$0xC450] =	vst v38;
	v47 =	vadd.f32 v6, v55  }
0x3b3: {  	v43 =	vsub.f32 v25, v5;
	v40 =	vld [tilespmem:$0x1FED0];
	[tilespmem:s9+$0xC430] =	vst v46;
	v12 =	vmul.f32 v17, v31;
	v7 =	vadd.f32 v8, v32  }
0x3b4: {  	v1 =	vmul.f32 v0, v1;
	v17 =	vld [tilespmem:$0x1FF80];
	v8 =	vmul.f32 v41, v33;
	v36 =	vadd.f32 v35, v62;
	[tilespmem:s14+$0xC410] =	vst v47  }
0x3b5: {  	v4 =	vmul.f32 v0, v4;
	v48 =	vmul.f32 v0, v43;
	v50 =	vld [tilespmem:$0x1FEB0];
	v34 =	vadd.f32 v12, v60;
	[tilespmem:s11+$0xC400] =	vst v7  }
0x3b6: {  	v1 =	vmul.f32 v1, v56;
	v53 =	vld [tilespmem:$0x1FEA0];
	v41 =	vsub.f32 v22, v5;
	v8 =	vadd.f32 v8, v59;
	[tilespmem:s11+$0xC440] =	vst v36  }
0x3b7: {  	v2 =	vmul.f32 v2, v57;
	v46 =	vsub.f32 v24, v5;
	v61 =	vadd.f32 v49, v16;
	[tilespmem:s11+$0xC420] =	vst v34  }
0x3b8: {  	v4 =	vmul.f32 v4, v40;
	v45 =	vmul.f32 v0, v41;
	v39 =	vadd.f32 v37, v16;
	[tilespmem:s11+$0xC430] =	vst v8  }
0x3b9: {  	v51 =	vmul.f32 v0, v46;
	v49 =	vsub.f32 v28, v5;
	v2 =	vadd.f32 v2, v17;
	[tilespmem:s9+$0xC460] =	vst v61  }
0x3ba: {  	v4 =	vadd.f32 v4, v44;
	v5 =	vsub.f32 v29, v5;
	v7 =	vmul.f32 v45, v50;
	[tilespmem:s11+$0xC460] =	vst v39  }
0x3bb: {  	v23 =	vld [tilespmem:$0x1FFD0];
	v1 =	vadd.f32 v1, v16;
	v54 =	vmul.f32 v0, v49;
	[tilespmem:s11+$0xC470] =	vst v2;
	v2 =	vmul.f32 v48, v53  }
0x3bc: {  	v20 =	vld [tilespmem:$0x1FEE0];
	[tilespmem:s14+$0xC400] =	vst v4;
	v0 =	vmul.f32 v0, v5;
	v55 =	vadd.f32 v7, v60;
	v60 =	vmul.f32 v51, v58  }
0x3bd: {  	p0 =	slt.u32 s2, $0x38;
	v25 =	vld [tilespmem:$0x1FFF0];
	[tilespmem:s14+$0xC460] =	vst v1;
	v61 =	vmul.f32 v54, v52;
	v2 =	vadd.f32 v2, v59  }
.Ltmp4:
0x3be: {  	v21 =	vld [tilespmem:$0x1FFB0];
	v0 =	vmul.f32 v0, v57;
	[tilespmem:s14+$0xC420] =	vst v55;
	v62 =	vadd.f32 v60, v62;
	(pc) =	sbr.rel @p0 .LBB2_7-.Ltmp4, $4  }
0x3bf: {  	v19 =	vld [tilespmem:$0x1FFA0];
	v63 =	vadd.f32 v61, v63;
	[tilespmem:s14+$0xC430] =	vst v2  }
0x3c0: {  	v18 =	vld [tilespmem:$0x1FF90];
	v0 =	vadd.f32 v0, v17;
	[tilespmem:s14+$0xC440] =	vst v62  }
0x3c1: {  	s26 =	sadd.s32 $0x8, s2;
	v24 =	vld [tilespmem:$0x1FFE0];
	[tilespmem:s14+$0xC450] =	vst v63  }
0x3c2: {  	s2 =	smov.u32 s26;
	v22 =	vld [tilespmem:$0x1FFC0];
	[tilespmem:s14+$0xC470] =	vst v0  }
.Ltmp5:
0x3c3: {  	(pc) =	sbr.rel @p1 .LBB2_10-.Ltmp5, $4  }
0x3c4: {  	_ = 	snop  }
0x3c5: {  	s1 =	sshll.u32 s1, $0x4  }
0x3c6: {  	s1 =	sadd.s32 s6, s1  }
0x3c7: {  	[hbm4b:s1+s7] =	stream.linear.scatter [tilespmem:s25], [sflag:$0x4], $0x2000, $0x38;
	[tilespmem:$0x11E00] =	vst v63  }
.Ltmp6:
0x3c8: {  	(pc) =	sbr.rel .LBB2_4-.Ltmp6, $4  }
0x3c9: {  	s1 =	sadd.s32 s31, s13  }
0x3ca: {  	s1 =	sshrl.u32 s1, $0x3  }
0x3cb: {  	s30 =	sadd.s32 $0x1, s30;
	s1 =	sadd.s32 s0, s1  }
0x3cc: {  	[tilespmem:s20], [sflag:$0x2] =	stream.linear.gather [hbm4b:s1+s7], $0x2000, $0x38;
	[tilespmem:$0x11E00] =	vst v63  }
.LBB2_11:
0x3cd: {  	_ =	sfence.sel $0x180000  }
0x3ce: {  	[bflag:$0x0] =	sbarrier.arrive $0xFFFF  }
0x3cf: {  	_ =	strace $0x90000047  }
0x3d0: {  	s0 =	stileid.u32;
	[bflag:$0x2] =	sbarrier.arrive $0xFFFF  }
0x3d1: {  	p0 =	sne.s32 s0, $0x0;
	s0 =	rddreg [dreg:$0x6]  }
0x3d2: {  	s0 =	sadd.s32 @!p0 $0x100000, s0  }
0x3d3: {  	[sflag:s0] =	ssyncadd.tile.s32 @!p0 $0x1;
	_ =	shalt  }
.Lfunc_end2:
_tile_overlayer_lowered:
.L_overlay_start_2:
0x3d4: {  	(tag) =	ssettag $0x2  }
0x3d5: {  	s0 =	rddreg [dreg:$0x0];
	s2 =	stileid.u32  }
0x3d6: {  	s1 =	rddreg [dreg:$0x1];
	p0 =	sne.s32 s2, $0x0  }
0x3d7: {  	s3 =	rddreg [dreg:$0x2];
	[bflag:$0x3] =	sbarrier.arrive $0xFFFF;
	s2 =	simm.s32 @!p0 $0x1C05  }
0x3d8: {  	[timem:s3], [sflag:s2] =	dma.local @!p0 [hbm:s0], s1  }
0x3d9: {  	s0 =	simm.s32 @!p0 $0x5  }
0x3da: {  	_ =	swait.ge @!p0 [sflag:s0], s1  }
0x3db: {  	s1 =	ssub.s32 @!p0 $0x0, s1;
	[sflag:s0] =	ssyncset.done @!p0 $0x0  }
0x3dc: {  	[sflag:s0] =	ssyncadd.s32 @!p0 s1  }
0x3dd: {  	[bflag:$0x3] =	sbarrier.arrive $0xFFFF  }
0x3de: {  	_ =	shalt  }

</sc_bundles>
